<compile_context>
chip_gen: v7x
topology: tpu7x:2x2x1
jax: 0.10.2.dev20260603
libtpu: 0.0.44.dev20260713+nightly
codegen_flags: <defaults>
</compile_context>

<pallas_src>
import jax
import jax.numpy as jnp
from jax import lax
from jax.experimental import pallas as pl
from jax.experimental.pallas import tpu as pltpu
from jax.experimental.pallas import tpu_sc as plsc

N = 50000
E = 800000
NG = 512

NT = 32
NPPAD = 50176
PCH = NPPAD // NT


def _make_pool():
  mesh = plsc.VectorSubcoreMesh(core_axis_name="c", subcore_axis_name="s")
  out_type = [jax.ShapeDtypeStruct((NT, NG), jnp.float32)]
  scratch = [
      pltpu.VMEM((PCH + 16,), jnp.float32),
      pltpu.VMEM((PCH + 16,), jnp.int32),
      pltpu.VMEM((NG + 16,), jnp.float32),
      pltpu.SemaphoreType.DMA,
  ]

  def body(v_hbm, b_hbm, part_hbm, vbuf, bbuf, acc, sem):
    cid = lax.axis_index("c")
    sid = lax.axis_index("s")
    tl = sid * 2 + cid
    i16 = lax.iota(jnp.int32, 16)
    zf = jnp.zeros((16,), jnp.float32)
    for q in range(NG // 16):
      acc[pl.ds(q * 16, 16)] = zf
    acc[pl.ds(NG, 16)] = zf
    pltpu.sync_copy(v_hbm.at[pl.ds(tl * PCH, PCH)], vbuf.at[pl.ds(0, PCH)])
    pltpu.sync_copy(b_hbm.at[pl.ds(tl * PCH, PCH)], bbuf.at[pl.ds(0, PCH)])

    def node_body(n, _):
      g = bbuf[pl.ds(n, 16)][0]
      vn = vbuf[pl.ds(n, 16)][0]
      acc[pl.ds(g, 16)] = acc[pl.ds(g, 16)] + jnp.where(
          i16 < 1, jnp.broadcast_to(vn, (16,)), zf)
      return 0
    lax.fori_loop(0, PCH, node_body, 0)
    pltpu.sync_copy(acc.at[pl.ds(0, NG)], part_hbm.at[tl])

  return pl.kernel(body, out_type=out_type, mesh=mesh, scratch_types=scratch)



BPRE = 2000
BPOST = 1000


def _pre_kernel(x_ref, w_ref, o_ref):
  o_ref[...] = jnp.dot(x_ref[...], w_ref[...],
                       preferred_element_type=jnp.float32)


def _mid_kernel(acc_ref, t1_ref, b1_ref, e64_ref, w2_ref, o_ref):
  accs = acc_ref[...]
  aa = t1_ref[:, 64:72] + t1_ref[:, 72:80]
  wself = jnp.exp(jnp.where(aa > 0, aa, aa * 0.2))
  e64 = e64_ref[...]
  num = accs[:, 0:64] + jnp.dot(wself, e64) * t1_ref[:, 0:64]
  den64 = jnp.dot(accs[:, 64:72] + wself, e64) + 1e-16
  y = num / den64 + b1_ref[...]
  y = jnp.where(y > 0, y, jnp.exp(y) - 1.0)
  o_ref[...] = jnp.dot(y, w2_ref[...], preferred_element_type=jnp.float32)


def _post_kernel(acc_ref, t2_ref, b2_ref, wg_ref, v_ref):
  accs = acc_ref[...]
  aa = t2_ref[:, 128:129] + t2_ref[:, 129:130]
  wself = jnp.exp(jnp.where(aa > 0, aa, aa * 0.2))
  x4 = (accs[:, 0:128] + wself * t2_ref[:, 0:128]) / (
      accs[:, 128:129] + wself + 1e-16)
  x4 = x4 + b2_ref[...]
  v_ref[...] = jnp.dot(x4, wg_ref[...], preferred_element_type=jnp.float32)


def _zsum_kernel(part_ref, bg_ref, z_ref):
  ones = jnp.ones((NT, 1), jnp.float32)
  z_ref[...] = lax.dot_general(part_ref[...], ones, (((0,), (0,)), ((), ())),
                               preferred_element_type=jnp.float32) + bg_ref[...]


def kernel(x, edge_index, batch, W1, att_src1, att_dst1, b1,
           W2, att_src2, att_dst2, b2, Wg, bg):
  f32 = jnp.float32
  a_s1 = (jnp.eye(8, dtype=f32)[:, None, :] *
          att_src1[:, :, None]).reshape(64, 8)
  a_d1 = (jnp.eye(8, dtype=f32)[:, None, :] *
          att_dst1[:, :, None]).reshape(64, 8)
  wcat1 = jnp.concatenate(
      [W1, W1 @ a_s1, W1 @ a_d1, jnp.zeros((75, 48), f32)], axis=1)
  wcat2 = jnp.concatenate(
      [W2, W2 @ att_src2.T, W2 @ att_dst2.T,
       jnp.zeros((64, 126), f32)], axis=1)
  e64 = jnp.kron(jnp.eye(8, dtype=f32), jnp.ones((1, 8), f32))
  src = edge_index[0]
  dst = edge_index[1]

  t1 = pl.pallas_call(
      _pre_kernel,
      grid=(N // BPRE,),
      in_specs=[pl.BlockSpec((BPRE, 75), lambda i: (i, 0)),
                pl.BlockSpec((75, 128), lambda i: (0, 0))],
      out_specs=pl.BlockSpec((BPRE, 128), lambda i: (i, 0)),
      out_shape=jax.ShapeDtypeStruct((N, 128), f32),
  )(x, wcat1)

  a1 = jax.nn.leaky_relu(t1[src, 64:72] + t1[dst, 72:80], 0.2)
  w1e = jnp.exp(a1)
  msg1 = (t1[src, 0:64].reshape(E, 8, 8) * w1e[:, :, None]).reshape(E, 64)
  acc1 = jnp.concatenate([msg1, w1e, jnp.zeros((E, 56), f32)], axis=1)
  acc1 = jax.ops.segment_sum(acc1, dst, num_segments=N)

  t2 = pl.pallas_call(
      _mid_kernel,
      grid=(N // BPRE,),
      in_specs=[pl.BlockSpec((BPRE, 128), lambda i: (i, 0)),
                pl.BlockSpec((BPRE, 128), lambda i: (i, 0)),
                pl.BlockSpec((1, 64), lambda i: (0, 0)),
                pl.BlockSpec((8, 64), lambda i: (0, 0)),
                pl.BlockSpec((64, 256), lambda i: (0, 0))],
      out_specs=pl.BlockSpec((BPRE, 256), lambda i: (i, 0)),
      out_shape=jax.ShapeDtypeStruct((N, 256), f32),
  )(acc1, t1, b1.reshape(1, 64), e64, wcat2)

  a2 = jax.nn.leaky_relu(t2[src, 128] + t2[dst, 129], 0.2)
  w2e = jnp.exp(a2)
  msg2 = t2[src, 0:128] * w2e[:, None]
  acc2 = jnp.concatenate([msg2, w2e[:, None], jnp.zeros((E, 127), f32)],
                         axis=1)
  acc2 = jax.ops.segment_sum(acc2, dst, num_segments=N)

  v = pl.pallas_call(
      _post_kernel,
      grid=(N // BPOST,),
      in_specs=[pl.BlockSpec((BPOST, 256), lambda i: (i, 0)),
                pl.BlockSpec((BPOST, 256), lambda i: (i, 0)),
                pl.BlockSpec((1, 128), lambda i: (0, 0)),
                pl.BlockSpec((128, 1), lambda i: (0, 0))],
      out_specs=pl.BlockSpec((BPOST, 1), lambda i: (i, 0)),
      out_shape=jax.ShapeDtypeStruct((N, 1), f32),
  )(acc2, t2, b2.reshape(1, 128), Wg)

  vpad = jnp.concatenate([v[:, 0], jnp.zeros((NPPAD - N,), f32)])
  bpad = jnp.concatenate([batch, jnp.zeros((NPPAD - N,), jnp.int32)])
  (part,) = _make_pool()(vpad, bpad)

  z = pl.pallas_call(
      _zsum_kernel,
      in_specs=[pl.BlockSpec((NT, NG), lambda: (0, 0)),
                pl.BlockSpec((1, 1), lambda: (0, 0))],
      out_specs=pl.BlockSpec((NG, 1), lambda: (0, 0)),
      out_shape=jax.ShapeDtypeStruct((NG, 1), f32),
  )(part, bg.reshape(1, 1))
  return z

# --- scband reference (transcript-rebuilt; emitter-appended) ---
"""Pipeline reference for scband-gat-7103875907620 (READ-ONLY COPY).

The authoritative reference and input builder live on the scoring server;
editing this copy changes nothing except your own understanding.
"""

import jax, jax.numpy as jnp
import numpy as np

N = 50000
E = 800000
NUM_GRAPHS = 512


def setup_inputs(seed: int = 0) -> dict:
    key = jax.random.key(seed)
    ks = jax.random.split(key, 16)
    x = jax.random.normal(ks[0], (N, 75), dtype=jnp.float32)
    edge_index = jax.random.randint(ks[1], (2, E), 0, N, dtype=jnp.int32)
    batch = jnp.sort(jax.random.randint(ks[2], (N,), 0, NUM_GRAPHS, dtype=jnp.int32))
    # conv1: GATConv(75, 8, heads=8)
    W1 = jax.random.normal(ks[3], (75, 64), dtype=jnp.float32) * 0.1
    att_src1 = jax.random.normal(ks[4], (8, 8), dtype=jnp.float32) * 0.1
    att_dst1 = jax.random.normal(ks[5], (8, 8), dtype=jnp.float32) * 0.1
    b1 = jnp.zeros((64,), dtype=jnp.float32)
    # conv2: GATConv(64, 128, heads=1, concat=True)
    W2 = jax.random.normal(ks[6], (64, 128), dtype=jnp.float32) * 0.1
    att_src2 = jax.random.normal(ks[7], (1, 128), dtype=jnp.float32) * 0.1
    att_dst2 = jax.random.normal(ks[8], (1, 128), dtype=jnp.float32) * 0.1
    b2 = jnp.zeros((128,), dtype=jnp.float32)
    # gather_layer: Linear(128, 1)
    Wg = jax.random.normal(ks[9], (128, 1), dtype=jnp.float32) * 0.1
    bg = jnp.zeros((1,), dtype=jnp.float32)
    return {"x": x, "edge_index": edge_index, "batch": batch,
            "W1": W1, "att_src1": att_src1, "att_dst1": att_dst1, "b1": b1,
            "W2": W2, "att_src2": att_src2, "att_dst2": att_dst2, "b2": b2,
            "Wg": Wg, "bg": bg}


def gat_conv(x, src, dst, W, att_src, att_dst, bias, heads, out_ch):
    # x: [N, in], W: [in, heads*out_ch]
    xp = (x @ W).reshape(N, heads, out_ch)
    a_src = jnp.sum(xp * att_src[None, :, :], axis=-1)  # [N, H]
    a_dst = jnp.sum(xp * att_dst[None, :, :], axis=-1)  # [N, H]
    alpha = a_src[src] + a_dst[dst]                      # [E, H]
    alpha = jax.nn.leaky_relu(alpha, negative_slope=0.2)
    amax = jax.ops.segment_max(alpha, dst, num_segments=N)
    alpha = jnp.exp(alpha - amax[dst])
    denom = jax.ops.segment_sum(alpha, dst, num_segments=N)
    alpha = alpha / (denom[dst] + 1e-16)
    msg = xp[src] * alpha[:, :, None]                    # [E, H, C]
    out = jax.ops.segment_sum(msg, dst, num_segments=N)  # [N, H, C]
    return out.reshape(N, heads * out_ch) + bias


def reference(x, edge_index, batch, W1, att_src1, att_dst1, b1,
              W2, att_src2, att_dst2, b2, Wg, bg):
    # add self-loops (PyG GATConv default add_self_loops=True)
    loops = jnp.arange(N, dtype=edge_index.dtype)
    src = jnp.concatenate([edge_index[0], loops])
    dst = jnp.concatenate([edge_index[1], loops])
    # eval mode: dropout layers are identity
    x2 = jax.nn.elu(gat_conv(x, src, dst, W1, att_src1, att_dst1, b1, 8, 8))
    x4 = gat_conv(x2, src, dst, W2, att_src2, att_dst2, b2, 1, 128)
    y = jax.ops.segment_sum(x4, batch, num_segments=NUM_GRAPHS)  # global_add_pool
    z = y @ Wg + bg
    return z

if __name__ == "__main__":
    import jax
    _d = setup_inputs()
    print(jax.jit(kernel)(*tuple(_d.values())))

</pallas_src>

<mosaic_0001>
#map = affine_map<(d0, d1) -> (0)>
#map1 = affine_map<(d0, d1) -> (0, 0)>
module attributes {stable_mosaic.version = 14 : i64} {
  func.func @body(%arg0: i32, %arg1: i32, %arg2: memref<50176xf32, #tpu.memory_space<hbm>>, %arg3: memref<50176xi32, #tpu.memory_space<hbm>>, %arg4: memref<32x512xf32, #tpu.memory_space<hbm>>, %arg5: memref<1584xf32, #tpu.memory_space<vmem>>, %arg6: memref<1584xi32, #tpu.memory_space<vmem>>, %arg7: memref<528xf32, #tpu.memory_space<vmem>>, %arg8: memref<!tpu.dma_semaphore, #tpu.memory_space<semaphore_mem>>) attributes {dimension_semantics = [#tpu.dimension_semantics<core_parallel>, #tpu.dimension_semantics<subcore_parallel>], iteration_bounds = array<i64: 2, 16>, scalar_prefetch = 0 : i64, scratch_operands = 4 : i64, tpu.core_type = #tpu.core_type<sc_vector_subcore>, window_params = [{transform_indices = #map}, {transform_indices = #map}, {transform_indices = #map1}]} {
    %mul3A = arith.constant 2 : i32
    %mul3A_0 = arith.muli %arg1, %mul3A : i32
    %add3A = arith.addi %mul3A_0, %arg0 : i32
    %iota3A = tpu.iota {dimensions = array<i32: 0>} : vector<16xi32>
    %broadcast_in_dim3A = arith.constant 0.000000e+00 : f32
    %broadcast_in_dim3A_1 = vector.broadcast %broadcast_in_dim3A : f32 to vector<16xf32>
    %swap3A = arith.constant 0 : index
    %swap3A_2 = tpu.vector_load %arg7[%swap3A] {strides = array<i32>} : memref<528xf32, #tpu.memory_space<vmem>>, vector<16xf32>,
    %swap3A_3 = vector.shape_cast %swap3A_2 : vector<16xf32> to vector<16xf32>
    %swap3A_4 = vector.shape_cast %broadcast_in_dim3A_1 : vector<16xf32> to vector<16xf32>
    tpu.vector_store %arg7[%swap3A], %swap3A_4 {strides = array<i32>} : memref<528xf32, #tpu.memory_space<vmem>>, vector<16xf32>,
    %swap3A_5 = arith.constant 16 : index
    %swap3A_6 = tpu.vector_load %arg7[%swap3A_5] {strides = array<i32>} : memref<528xf32, #tpu.memory_space<vmem>>, vector<16xf32>,
    %swap3A_7 = vector.shape_cast %swap3A_6 : vector<16xf32> to vector<16xf32>
    %swap3A_8 = vector.shape_cast %broadcast_in_dim3A_1 : vector<16xf32> to vector<16xf32>
    tpu.vector_store %arg7[%swap3A_5], %swap3A_8 {strides = array<i32>} : memref<528xf32, #tpu.memory_space<vmem>>, vector<16xf32>,
    %swap3A_9 = arith.constant 32 : index
    %swap3A_10 = tpu.vector_load %arg7[%swap3A_9] {strides = array<i32>} : memref<528xf32, #tpu.memory_space<vmem>>, vector<16xf32>,
    %swap3A_11 = vector.shape_cast %swap3A_10 : vector<16xf32> to vector<16xf32>
    %swap3A_12 = vector.shape_cast %broadcast_in_dim3A_1 : vector<16xf32> to vector<16xf32>
    tpu.vector_store %arg7[%swap3A_9], %swap3A_12 {strides = array<i32>} : memref<528xf32, #tpu.memory_space<vmem>>, vector<16xf32>,
    %swap3A_13 = arith.constant 48 : index
    %swap3A_14 = tpu.vector_load %arg7[%swap3A_13] {strides = array<i32>} : memref<528xf32, #tpu.memory_space<vmem>>, vector<16xf32>,
    %swap3A_15 = vector.shape_cast %swap3A_14 : vector<16xf32> to vector<16xf32>
    %swap3A_16 = vector.shape_cast %broadcast_in_dim3A_1 : vector<16xf32> to vector<16xf32>
    tpu.vector_store %arg7[%swap3A_13], %swap3A_16 {strides = array<i32>} : memref<528xf32, #tpu.memory_space<vmem>>, vector<16xf32>,
    %swap3A_17 = arith.constant 64 : index
    %swap3A_18 = tpu.vector_load %arg7[%swap3A_17] {strides = array<i32>} : memref<528xf32, #tpu.memory_space<vmem>>, vector<16xf32>,
    %swap3A_19 = vector.shape_cast %swap3A_18 : vector<16xf32> to vector<16xf32>
    %swap3A_20 = vector.shape_cast %broadcast_in_dim3A_1 : vector<16xf32> to vector<16xf32>
    tpu.vector_store %arg7[%swap3A_17], %swap3A_20 {strides = array<i32>} : memref<528xf32, #tpu.memory_space<vmem>>, vector<16xf32>,
    %swap3A_21 = arith.constant 80 : index
    %swap3A_22 = tpu.vector_load %arg7[%swap3A_21] {strides = array<i32>} : memref<528xf32, #tpu.memory_space<vmem>>, vector<16xf32>,
    %swap3A_23 = vector.shape_cast %swap3A_22 : vector<16xf32> to vector<16xf32>
    %swap3A_24 = vector.shape_cast %broadcast_in_dim3A_1 : vector<16xf32> to vector<16xf32>
    tpu.vector_store %arg7[%swap3A_21], %swap3A_24 {strides = array<i32>} : memref<528xf32, #tpu.memory_space<vmem>>, vector<16xf32>,
    %swap3A_25 = arith.constant 96 : index
    %swap3A_26 = tpu.vector_load %arg7[%swap3A_25] {strides = array<i32>} : memref<528xf32, #tpu.memory_space<vmem>>, vector<16xf32>,
    %swap3A_27 = vector.shape_cast %swap3A_26 : vector<16xf32> to vector<16xf32>
    %swap3A_28 = vector.shape_cast %broadcast_in_dim3A_1 : vector<16xf32> to vector<16xf32>
    tpu.vector_store %arg7[%swap3A_25], %swap3A_28 {strides = array<i32>} : memref<528xf32, #tpu.memory_space<vmem>>, vector<16xf32>,
    %swap3A_29 = arith.constant 112 : index
    %swap3A_30 = tpu.vector_load %arg7[%swap3A_29] {strides = array<i32>} : memref<528xf32, #tpu.memory_space<vmem>>, vector<16xf32>,
    %swap3A_31 = vector.shape_cast %swap3A_30 : vector<16xf32> to vector<16xf32>
    %swap3A_32 = vector.shape_cast %broadcast_in_dim3A_1 : vector<16xf32> to vector<16xf32>
    tpu.vector_store %arg7[%swap3A_29], %swap3A_32 {strides = array<i32>} : memref<528xf32, #tpu.memory_space<vmem>>, vector<16xf32>,
    %swap3A_33 = arith.constant 128 : index
    %swap3A_34 = tpu.vector_load %arg7[%swap3A_33] {strides = array<i32>} : memref<528xf32, #tpu.memory_space<vmem>>, vector<16xf32>,
    %swap3A_35 = vector.shape_cast %swap3A_34 : vector<16xf32> to vector<16xf32>
    %swap3A_36 = vector.shape_cast %broadcast_in_dim3A_1 : vector<16xf32> to vector<16xf32>
    tpu.vector_store %arg7[%swap3A_33], %swap3A_36 {strides = array<i32>} : memref<528xf32, #tpu.memory_space<vmem>>, vector<16xf32>,
    %swap3A_37 = arith.constant 144 : index
    %swap3A_38 = tpu.vector_load %arg7[%swap3A_37] {strides = array<i32>} : memref<528xf32, #tpu.memory_space<vmem>>, vector<16xf32>,
    %swap3A_39 = vector.shape_cast %swap3A_38 : vector<16xf32> to vector<16xf32>
    %swap3A_40 = vector.shape_cast %broadcast_in_dim3A_1 : vector<16xf32> to vector<16xf32>
    tpu.vector_store %arg7[%swap3A_37], %swap3A_40 {strides = array<i32>} : memref<528xf32, #tpu.memory_space<vmem>>, vector<16xf32>,
    %swap3A_41 = arith.constant 160 : index
    %swap3A_42 = tpu.vector_load %arg7[%swap3A_41] {strides = array<i32>} : memref<528xf32, #tpu.memory_space<vmem>>, vector<16xf32>,
    %swap3A_43 = vector.shape_cast %swap3A_42 : vector<16xf32> to vector<16xf32>
    %swap3A_44 = vector.shape_cast %broadcast_in_dim3A_1 : vector<16xf32> to vector<16xf32>
    tpu.vector_store %arg7[%swap3A_41], %swap3A_44 {strides = array<i32>} : memref<528xf32, #tpu.memory_space<vmem>>, vector<16xf32>,
    %swap3A_45 = arith.constant 176 : index
    %swap3A_46 = tpu.vector_load %arg7[%swap3A_45] {strides = array<i32>} : memref<528xf32, #tpu.memory_space<vmem>>, vector<16xf32>,
    %swap3A_47 = vector.shape_cast %swap3A_46 : vector<16xf32> to vector<16xf32>
    %swap3A_48 = vector.shape_cast %broadcast_in_dim3A_1 : vector<16xf32> to vector<16xf32>
    tpu.vector_store %arg7[%swap3A_45], %swap3A_48 {strides = array<i32>} : memref<528xf32, #tpu.memory_space<vmem>>, vector<16xf32>,
    %swap3A_49 = arith.constant 192 : index
    %swap3A_50 = tpu.vector_load %arg7[%swap3A_49] {strides = array<i32>} : memref<528xf32, #tpu.memory_space<vmem>>, vector<16xf32>,
    %swap3A_51 = vector.shape_cast %swap3A_50 : vector<16xf32> to vector<16xf32>
    %swap3A_52 = vector.shape_cast %broadcast_in_dim3A_1 : vector<16xf32> to vector<16xf32>
    tpu.vector_store %arg7[%swap3A_49], %swap3A_52 {strides = array<i32>} : memref<528xf32, #tpu.memory_space<vmem>>, vector<16xf32>,
    %swap3A_53 = arith.constant 208 : index
    %swap3A_54 = tpu.vector_load %arg7[%swap3A_53] {strides = array<i32>} : memref<528xf32, #tpu.memory_space<vmem>>, vector<16xf32>,
    %swap3A_55 = vector.shape_cast %swap3A_54 : vector<16xf32> to vector<16xf32>
    %swap3A_56 = vector.shape_cast %broadcast_in_dim3A_1 : vector<16xf32> to vector<16xf32>
    tpu.vector_store %arg7[%swap3A_53], %swap3A_56 {strides = array<i32>} : memref<528xf32, #tpu.memory_space<vmem>>, vector<16xf32>,
    %swap3A_57 = arith.constant 224 : index
    %swap3A_58 = tpu.vector_load %arg7[%swap3A_57] {strides = array<i32>} : memref<528xf32, #tpu.memory_space<vmem>>, vector<16xf32>,
    %swap3A_59 = vector.shape_cast %swap3A_58 : vector<16xf32> to vector<16xf32>
    %swap3A_60 = vector.shape_cast %broadcast_in_dim3A_1 : vector<16xf32> to vector<16xf32>
    tpu.vector_store %arg7[%swap3A_57], %swap3A_60 {strides = array<i32>} : memref<528xf32, #tpu.memory_space<vmem>>, vector<16xf32>,
    %swap3A_61 = arith.constant 240 : index
    %swap3A_62 = tpu.vector_load %arg7[%swap3A_61] {strides = array<i32>} : memref<528xf32, #tpu.memory_space<vmem>>, vector<16xf32>,
    %swap3A_63 = vector.shape_cast %swap3A_62 : vector<16xf32> to vector<16xf32>
    %swap3A_64 = vector.shape_cast %broadcast_in_dim3A_1 : vector<16xf32> to vector<16xf32>
    tpu.vector_store %arg7[%swap3A_61], %swap3A_64 {strides = array<i32>} : memref<528xf32, #tpu.memory_space<vmem>>, vector<16xf32>,
    %swap3A_65 = arith.constant 256 : index
    %swap3A_66 = tpu.vector_load %arg7[%swap3A_65] {strides = array<i32>} : memref<528xf32, #tpu.memory_space<vmem>>, vector<16xf32>,
    %swap3A_67 = vector.shape_cast %swap3A_66 : vector<16xf32> to vector<16xf32>
    %swap3A_68 = vector.shape_cast %broadcast_in_dim3A_1 : vector<16xf32> to vector<16xf32>
    tpu.vector_store %arg7[%swap3A_65], %swap3A_68 {strides = array<i32>} : memref<528xf32, #tpu.memory_space<vmem>>, vector<16xf32>,
    %swap3A_69 = arith.constant 272 : index
    %swap3A_70 = tpu.vector_load %arg7[%swap3A_69] {strides = array<i32>} : memref<528xf32, #tpu.memory_space<vmem>>, vector<16xf32>,
    %swap3A_71 = vector.shape_cast %swap3A_70 : vector<16xf32> to vector<16xf32>
    %swap3A_72 = vector.shape_cast %broadcast_in_dim3A_1 : vector<16xf32> to vector<16xf32>
    tpu.vector_store %arg7[%swap3A_69], %swap3A_72 {strides = array<i32>} : memref<528xf32, #tpu.memory_space<vmem>>, vector<16xf32>,
    %swap3A_73 = arith.constant 288 : index
    %swap3A_74 = tpu.vector_load %arg7[%swap3A_73] {strides = array<i32>} : memref<528xf32, #tpu.memory_space<vmem>>, vector<16xf32>,
    %swap3A_75 = vector.shape_cast %swap3A_74 : vector<16xf32> to vector<16xf32>
    %swap3A_76 = vector.shape_cast %broadcast_in_dim3A_1 : vector<16xf32> to vector<16xf32>
    tpu.vector_store %arg7[%swap3A_73], %swap3A_76 {strides = array<i32>} : memref<528xf32, #tpu.memory_space<vmem>>, vector<16xf32>,
    %swap3A_77 = arith.constant 304 : index
    %swap3A_78 = tpu.vector_load %arg7[%swap3A_77] {strides = array<i32>} : memref<528xf32, #tpu.memory_space<vmem>>, vector<16xf32>,
    %swap3A_79 = vector.shape_cast %swap3A_78 : vector<16xf32> to vector<16xf32>
    %swap3A_80 = vector.shape_cast %broadcast_in_dim3A_1 : vector<16xf32> to vector<16xf32>
    tpu.vector_store %arg7[%swap3A_77], %swap3A_80 {strides = array<i32>} : memref<528xf32, #tpu.memory_space<vmem>>, vector<16xf32>,
    %swap3A_81 = arith.constant 320 : index
    %swap3A_82 = tpu.vector_load %arg7[%swap3A_81] {strides = array<i32>} : memref<528xf32, #tpu.memory_space<vmem>>, vector<16xf32>,
    %swap3A_83 = vector.shape_cast %swap3A_82 : vector<16xf32> to vector<16xf32>
    %swap3A_84 = vector.shape_cast %broadcast_in_dim3A_1 : vector<16xf32> to vector<16xf32>
    tpu.vector_store %arg7[%swap3A_81], %swap3A_84 {strides = array<i32>} : memref<528xf32, #tpu.memory_space<vmem>>, vector<16xf32>,
    %swap3A_85 = arith.constant 336 : index
    %swap3A_86 = tpu.vector_load %arg7[%swap3A_85] {strides = array<i32>} : memref<528xf32, #tpu.memory_space<vmem>>, vector<16xf32>,
    %swap3A_87 = vector.shape_cast %swap3A_86 : vector<16xf32> to vector<16xf32>
    %swap3A_88 = vector.shape_cast %broadcast_in_dim3A_1 : vector<16xf32> to vector<16xf32>
    tpu.vector_store %arg7[%swap3A_85], %swap3A_88 {strides = array<i32>} : memref<528xf32, #tpu.memory_space<vmem>>, vector<16xf32>,
    %swap3A_89 = arith.constant 352 : index
    %swap3A_90 = tpu.vector_load %arg7[%swap3A_89] {strides = array<i32>} : memref<528xf32, #tpu.memory_space<vmem>>, vector<16xf32>,
    %swap3A_91 = vector.shape_cast %swap3A_90 : vector<16xf32> to vector<16xf32>
    %swap3A_92 = vector.shape_cast %broadcast_in_dim3A_1 : vector<16xf32> to vector<16xf32>
    tpu.vector_store %arg7[%swap3A_89], %swap3A_92 {strides = array<i32>} : memref<528xf32, #tpu.memory_space<vmem>>, vector<16xf32>,
    %swap3A_93 = arith.constant 368 : index
    %swap3A_94 = tpu.vector_load %arg7[%swap3A_93] {strides = array<i32>} : memref<528xf32, #tpu.memory_space<vmem>>, vector<16xf32>,
    %swap3A_95 = vector.shape_cast %swap3A_94 : vector<16xf32> to vector<16xf32>
    %swap3A_96 = vector.shape_cast %broadcast_in_dim3A_1 : vector<16xf32> to vector<16xf32>
    tpu.vector_store %arg7[%swap3A_93], %swap3A_96 {strides = array<i32>} : memref<528xf32, #tpu.memory_space<vmem>>, vector<16xf32>,
    %swap3A_97 = arith.constant 384 : index
    %swap3A_98 = tpu.vector_load %arg7[%swap3A_97] {strides = array<i32>} : memref<528xf32, #tpu.memory_space<vmem>>, vector<16xf32>,
    %swap3A_99 = vector.shape_cast %swap3A_98 : vector<16xf32> to vector<16xf32>
    %swap3A_100 = vector.shape_cast %broadcast_in_dim3A_1 : vector<16xf32> to vector<16xf32>
    tpu.vector_store %arg7[%swap3A_97], %swap3A_100 {strides = array<i32>} : memref<528xf32, #tpu.memory_space<vmem>>, vector<16xf32>,
    %swap3A_101 = arith.constant 400 : index
    %swap3A_102 = tpu.vector_load %arg7[%swap3A_101] {strides = array<i32>} : memref<528xf32, #tpu.memory_space<vmem>>, vector<16xf32>,
    %swap3A_103 = vector.shape_cast %swap3A_102 : vector<16xf32> to vector<16xf32>
    %swap3A_104 = vector.shape_cast %broadcast_in_dim3A_1 : vector<16xf32> to vector<16xf32>
    tpu.vector_store %arg7[%swap3A_101], %swap3A_104 {strides = array<i32>} : memref<528xf32, #tpu.memory_space<vmem>>, vector<16xf32>,
    %swap3A_105 = arith.constant 416 : index
    %swap3A_106 = tpu.vector_load %arg7[%swap3A_105] {strides = array<i32>} : memref<528xf32, #tpu.memory_space<vmem>>, vector<16xf32>,
    %swap3A_107 = vector.shape_cast %swap3A_106 : vector<16xf32> to vector<16xf32>
    %swap3A_108 = vector.shape_cast %broadcast_in_dim3A_1 : vector<16xf32> to vector<16xf32>
    tpu.vector_store %arg7[%swap3A_105], %swap3A_108 {strides = array<i32>} : memref<528xf32, #tpu.memory_space<vmem>>, vector<16xf32>,
    %swap3A_109 = arith.constant 432 : index
    %swap3A_110 = tpu.vector_load %arg7[%swap3A_109] {strides = array<i32>} : memref<528xf32, #tpu.memory_space<vmem>>, vector<16xf32>,
    %swap3A_111 = vector.shape_cast %swap3A_110 : vector<16xf32> to vector<16xf32>
    %swap3A_112 = vector.shape_cast %broadcast_in_dim3A_1 : vector<16xf32> to vector<16xf32>
    tpu.vector_store %arg7[%swap3A_109], %swap3A_112 {strides = array<i32>} : memref<528xf32, #tpu.memory_space<vmem>>, vector<16xf32>,
    %swap3A_113 = arith.constant 448 : index
    %swap3A_114 = tpu.vector_load %arg7[%swap3A_113] {strides = array<i32>} : memref<528xf32, #tpu.memory_space<vmem>>, vector<16xf32>,
    %swap3A_115 = vector.shape_cast %swap3A_114 : vector<16xf32> to vector<16xf32>
    %swap3A_116 = vector.shape_cast %broadcast_in_dim3A_1 : vector<16xf32> to vector<16xf32>
    tpu.vector_store %arg7[%swap3A_113], %swap3A_116 {strides = array<i32>} : memref<528xf32, #tpu.memory_space<vmem>>, vector<16xf32>,
    %swap3A_117 = arith.constant 464 : index
    %swap3A_118 = tpu.vector_load %arg7[%swap3A_117] {strides = array<i32>} : memref<528xf32, #tpu.memory_space<vmem>>, vector<16xf32>,
    %swap3A_119 = vector.shape_cast %swap3A_118 : vector<16xf32> to vector<16xf32>
    %swap3A_120 = vector.shape_cast %broadcast_in_dim3A_1 : vector<16xf32> to vector<16xf32>
    tpu.vector_store %arg7[%swap3A_117], %swap3A_120 {strides = array<i32>} : memref<528xf32, #tpu.memory_space<vmem>>, vector<16xf32>,
    %swap3A_121 = arith.constant 480 : index
    %swap3A_122 = tpu.vector_load %arg7[%swap3A_121] {strides = array<i32>} : memref<528xf32, #tpu.memory_space<vmem>>, vector<16xf32>,
    %swap3A_123 = vector.shape_cast %swap3A_122 : vector<16xf32> to vector<16xf32>
    %swap3A_124 = vector.shape_cast %broadcast_in_dim3A_1 : vector<16xf32> to vector<16xf32>
    tpu.vector_store %arg7[%swap3A_121], %swap3A_124 {strides = array<i32>} : memref<528xf32, #tpu.memory_space<vmem>>, vector<16xf32>,
    %swap3A_125 = arith.constant 496 : index
    %swap3A_126 = tpu.vector_load %arg7[%swap3A_125] {strides = array<i32>} : memref<528xf32, #tpu.memory_space<vmem>>, vector<16xf32>,
    %swap3A_127 = vector.shape_cast %swap3A_126 : vector<16xf32> to vector<16xf32>
    %swap3A_128 = vector.shape_cast %broadcast_in_dim3A_1 : vector<16xf32> to vector<16xf32>
    tpu.vector_store %arg7[%swap3A_125], %swap3A_128 {strides = array<i32>} : memref<528xf32, #tpu.memory_space<vmem>>, vector<16xf32>,
    %swap3A_129 = arith.constant 512 : index
    %swap3A_130 = tpu.vector_load %arg7[%swap3A_129] {strides = array<i32>} : memref<528xf32, #tpu.memory_space<vmem>>, vector<16xf32>,
    %swap3A_131 = vector.shape_cast %swap3A_130 : vector<16xf32> to vector<16xf32>
    %swap3A_132 = vector.shape_cast %broadcast_in_dim3A_1 : vector<16xf32> to vector<16xf32>
    tpu.vector_store %arg7[%swap3A_129], %swap3A_132 {strides = array<i32>} : memref<528xf32, #tpu.memory_space<vmem>>, vector<16xf32>,
    %mul3A_133 = arith.constant 1568 : i32
    %mul3A_134 = arith.muli %add3A, %mul3A_133 : i32
    "tpu.region"() ({
      %run_scoped3A = tpu.sem_alloc : memref<!tpu.dma_semaphore, #tpu.memory_space<semaphore_mem>>
      %dma_start3A = arith.constant 0 : i32
      %dma_start3A_143 = tpu.memref_slice %arg5[%dma_start3A] : memref<1584xf32, #tpu.memory_space<vmem>> -> memref<1568xf32, #tpu.memory_space<vmem>>
      %dma_start3A_144 = tpu.memref_slice %arg2[%mul3A_134] : memref<50176xf32, #tpu.memory_space<hbm>> -> memref<1568xf32, #tpu.memory_space<hbm>>
      %dma_start3A_145 = arith.constant 0 : i32
      %dma_start3A_146 = tpu.memref_slice %arg5[%dma_start3A_145] : memref<1584xf32, #tpu.memory_space<vmem>> -> memref<1568xf32, #tpu.memory_space<vmem>>
      %dma_start3A_147 = tpu.memref_slice %arg2[%mul3A_134] : memref<50176xf32, #tpu.memory_space<hbm>> -> memref<1568xf32, #tpu.memory_space<hbm>>
      tpu.enqueue_dma source(%dma_start3A_147 : memref<1568xf32, #tpu.memory_space<hbm>>) target(%dma_start3A_146 : memref<1568xf32, #tpu.memory_space<vmem>>) target_semaphore(%run_scoped3A : memref<!tpu.dma_semaphore, #tpu.memory_space<semaphore_mem>>)
      %dma_wait3A = arith.constant 0 : i32
      %dma_wait3A_148 = tpu.memref_slice %arg5[%dma_wait3A] : memref<1584xf32, #tpu.memory_space<vmem>> -> memref<1568xf32, #tpu.memory_space<vmem>>
      %dma_wait3A_149 = tpu.memref_slice %arg2[%mul3A_134] : memref<50176xf32, #tpu.memory_space<hbm>> -> memref<1568xf32, #tpu.memory_space<hbm>>
      %dma_wait3A_150 = arith.constant 0 : i32
      %dma_wait3A_151 = tpu.memref_slice %arg5[%dma_wait3A_150] : memref<1584xf32, #tpu.memory_space<vmem>> -> memref<1568xf32, #tpu.memory_space<vmem>>
      %dma_wait3A_152 = tpu.memref_slice %arg2[%mul3A_134] : memref<50176xf32, #tpu.memory_space<hbm>> -> memref<1568xf32, #tpu.memory_space<hbm>>
      tpu.wait_dma2 semaphore(%run_scoped3A : memref<!tpu.dma_semaphore, #tpu.memory_space<semaphore_mem>>) src(%dma_wait3A_152 : memref<1568xf32, #tpu.memory_space<hbm>>) dst(%dma_wait3A_151 : memref<1568xf32, #tpu.memory_space<vmem>>)
      tpu.yield
    }) : () -> ()
    %mul3A_135 = arith.constant 1568 : i32
    %mul3A_136 = arith.muli %add3A, %mul3A_135 : i32
    "tpu.region"() ({
      %run_scoped3A = tpu.sem_alloc : memref<!tpu.dma_semaphore, #tpu.memory_space<semaphore_mem>>
      %dma_start3A = arith.constant 0 : i32
      %dma_start3A_143 = tpu.memref_slice %arg6[%dma_start3A] : memref<1584xi32, #tpu.memory_space<vmem>> -> memref<1568xi32, #tpu.memory_space<vmem>>
      %dma_start3A_144 = tpu.memref_slice %arg3[%mul3A_136] : memref<50176xi32, #tpu.memory_space<hbm>> -> memref<1568xi32, #tpu.memory_space<hbm>>
      %dma_start3A_145 = arith.constant 0 : i32
      %dma_start3A_146 = tpu.memref_slice %arg6[%dma_start3A_145] : memref<1584xi32, #tpu.memory_space<vmem>> -> memref<1568xi32, #tpu.memory_space<vmem>>
      %dma_start3A_147 = tpu.memref_slice %arg3[%mul3A_136] : memref<50176xi32, #tpu.memory_space<hbm>> -> memref<1568xi32, #tpu.memory_space<hbm>>
      tpu.enqueue_dma source(%dma_start3A_147 : memref<1568xi32, #tpu.memory_space<hbm>>) target(%dma_start3A_146 : memref<1568xi32, #tpu.memory_space<vmem>>) target_semaphore(%run_scoped3A : memref<!tpu.dma_semaphore, #tpu.memory_space<semaphore_mem>>)
      %dma_wait3A = arith.constant 0 : i32
      %dma_wait3A_148 = tpu.memref_slice %arg6[%dma_wait3A] : memref<1584xi32, #tpu.memory_space<vmem>> -> memref<1568xi32, #tpu.memory_space<vmem>>
      %dma_wait3A_149 = tpu.memref_slice %arg3[%mul3A_136] : memref<50176xi32, #tpu.memory_space<hbm>> -> memref<1568xi32, #tpu.memory_space<hbm>>
      %dma_wait3A_150 = arith.constant 0 : i32
      %dma_wait3A_151 = tpu.memref_slice %arg6[%dma_wait3A_150] : memref<1584xi32, #tpu.memory_space<vmem>> -> memref<1568xi32, #tpu.memory_space<vmem>>
      %dma_wait3A_152 = tpu.memref_slice %arg3[%mul3A_136] : memref<50176xi32, #tpu.memory_space<hbm>> -> memref<1568xi32, #tpu.memory_space<hbm>>
      tpu.wait_dma2 semaphore(%run_scoped3A : memref<!tpu.dma_semaphore, #tpu.memory_space<semaphore_mem>>) src(%dma_wait3A_152 : memref<1568xi32, #tpu.memory_space<hbm>>) dst(%dma_wait3A_151 : memref<1568xi32, #tpu.memory_space<vmem>>)
      tpu.yield
    }) : () -> ()
    %scan3A = arith.constant 0 : i32
    %scan3A_137 = arith.constant 0 : i32
    %scan3A_138 = arith.constant 1568 : i32
    %scan3A_139 = arith.addi %scan3A_137, %scan3A_138 : i32
    %scan3A_140 = arith.constant 1 : i32
    %scan3A_141 = scf.for %scan3A_143 = %scan3A_137 to %scan3A_139 step %scan3A_140 iter_args(%scan3A_144 = %scan3A) -> (i32)  : i32 {
      %get3A = arith.index_cast %scan3A_143 : i32 to index
      %get3A_145 = tpu.vector_load %arg6[%get3A] {strides = array<i32>} : memref<1584xi32, #tpu.memory_space<vmem>>, vector<16xi32>,
      %get3A_146 = vector.shape_cast %get3A_145 : vector<16xi32> to vector<16xi32>
      %slice3A = vector.extract_strided_slice %get3A_146 {offsets = [0], sizes = [1], strides = [1]} : vector<16xi32> to vector<1xi32>
      %squeeze3A = vector.extract %slice3A[0] : i32 from vector<1xi32>
      %get3A_147 = arith.index_cast %scan3A_143 : i32 to index
      %get3A_148 = tpu.vector_load %arg5[%get3A_147] {strides = array<i32>} : memref<1584xf32, #tpu.memory_space<vmem>>, vector<16xf32>,
      %get3A_149 = vector.shape_cast %get3A_148 : vector<16xf32> to vector<16xf32>
      %slice3A_150 = vector.extract_strided_slice %get3A_149 {offsets = [0], sizes = [1], strides = [1]} : vector<16xf32> to vector<1xf32>
      %squeeze3A_151 = vector.extract %slice3A_150[0] : f32 from vector<1xf32>
      %get3A_152 = arith.index_cast %squeeze3A : i32 to index
      %get3A_153 = tpu.vector_load %arg7[%get3A_152] {strides = array<i32>} : memref<528xf32, #tpu.memory_space<vmem>>, vector<16xf32>,
      %get3A_154 = vector.shape_cast %get3A_153 : vector<16xf32> to vector<16xf32>
      %lt3A = arith.constant 1 : i32
      %lt3A_155 = vector.broadcast %lt3A : i32 to vector<16xi32>
      %lt3A_156 = arith.cmpi slt, %iota3A, %lt3A_155 : vector<16xi32>
      %broadcast_in_dim3A_157 = vector.broadcast %squeeze3A_151 : f32 to vector<16xf32>
      %select_n3A = arith.select %lt3A_156, %broadcast_in_dim3A_157, %broadcast_in_dim3A_1 : vector<16xi1>, vector<16xf32>
      %add3A_158 = arith.addf %get3A_154, %select_n3A : vector<16xf32>
      %swap3A_159 = arith.index_cast %squeeze3A : i32 to index
      %swap3A_160 = tpu.vector_load %arg7[%swap3A_159] {strides = array<i32>} : memref<528xf32, #tpu.memory_space<vmem>>, vector<16xf32>,
      %swap3A_161 = vector.shape_cast %swap3A_160 : vector<16xf32> to vector<16xf32>
      %swap3A_162 = vector.shape_cast %add3A_158 : vector<16xf32> to vector<16xf32>
      tpu.vector_store %arg7[%swap3A_159], %swap3A_162 {strides = array<i32>} : memref<528xf32, #tpu.memory_space<vmem>>, vector<16xf32>,
      %scan3A_163 = arith.constant 0 : i32
      scf.yield %scan3A_163 : i32
    }
    %scan3A_142 = arith.constant 1568 : i32
    "tpu.region"() ({
      %run_scoped3A = tpu.sem_alloc : memref<!tpu.dma_semaphore, #tpu.memory_space<semaphore_mem>>
      %dma_start3A = arith.constant 0 : i32
      %dma_start3A_143 = tpu.memref_slice %arg7[%dma_start3A] : memref<528xf32, #tpu.memory_space<vmem>> -> memref<512xf32, #tpu.memory_space<vmem>>
      %dma_start3A_144 = arith.constant 0 : i32
      %dma_start3A_145 = tpu.memref_slice %arg4[%add3A, %dma_start3A_144] : memref<32x512xf32, #tpu.memory_space<hbm>> -> memref<1x512xf32, #tpu.memory_space<hbm>>
      %dma_start3A_146 = tpu.memref_squeeze %dma_start3A_145 : memref<1x512xf32, #tpu.memory_space<hbm>> -> memref<512xf32, #tpu.memory_space<hbm>>
      %dma_start3A_147 = arith.constant 0 : i32
      %dma_start3A_148 = tpu.memref_slice %arg4[%add3A, %dma_start3A_147] : memref<32x512xf32, #tpu.memory_space<hbm>> -> memref<1x512xf32, #tpu.memory_space<hbm>>
      %dma_start3A_149 = tpu.memref_squeeze %dma_start3A_148 : memref<1x512xf32, #tpu.memory_space<hbm>> -> memref<512xf32, #tpu.memory_space<hbm>>
      %dma_start3A_150 = arith.constant 0 : i32
      %dma_start3A_151 = tpu.memref_slice %arg7[%dma_start3A_150] : memref<528xf32, #tpu.memory_space<vmem>> -> memref<512xf32, #tpu.memory_space<vmem>>
      tpu.enqueue_dma source(%dma_start3A_151 : memref<512xf32, #tpu.memory_space<vmem>>) target(%dma_start3A_149 : memref<512xf32, #tpu.memory_space<hbm>>) target_semaphore(%run_scoped3A : memref<!tpu.dma_semaphore, #tpu.memory_space<semaphore_mem>>)
      %dma_wait3A = arith.constant 0 : i32
      %dma_wait3A_152 = tpu.memref_slice %arg7[%dma_wait3A] : memref<528xf32, #tpu.memory_space<vmem>> -> memref<512xf32, #tpu.memory_space<vmem>>
      %dma_wait3A_153 = arith.constant 0 : i32
      %dma_wait3A_154 = tpu.memref_slice %arg4[%add3A, %dma_wait3A_153] : memref<32x512xf32, #tpu.memory_space<hbm>> -> memref<1x512xf32, #tpu.memory_space<hbm>>
      %dma_wait3A_155 = tpu.memref_squeeze %dma_wait3A_154 : memref<1x512xf32, #tpu.memory_space<hbm>> -> memref<512xf32, #tpu.memory_space<hbm>>
      %dma_wait3A_156 = arith.constant 0 : i32
      %dma_wait3A_157 = tpu.memref_slice %arg4[%add3A, %dma_wait3A_156] : memref<32x512xf32, #tpu.memory_space<hbm>> -> memref<1x512xf32, #tpu.memory_space<hbm>>
      %dma_wait3A_158 = tpu.memref_squeeze %dma_wait3A_157 : memref<1x512xf32, #tpu.memory_space<hbm>> -> memref<512xf32, #tpu.memory_space<hbm>>
      %dma_wait3A_159 = arith.constant 0 : i32
      %dma_wait3A_160 = tpu.memref_slice %arg7[%dma_wait3A_159] : memref<528xf32, #tpu.memory_space<vmem>> -> memref<512xf32, #tpu.memory_space<vmem>>
      tpu.wait_dma2 semaphore(%run_scoped3A : memref<!tpu.dma_semaphore, #tpu.memory_space<semaphore_mem>>) src(%dma_wait3A_160 : memref<512xf32, #tpu.memory_space<vmem>>) dst(%dma_wait3A_158 : memref<512xf32, #tpu.memory_space<hbm>>)
      tpu.yield
    }) : () -> ()
    return
  }
}

module attributes {stable_mosaic.version = 14 : i64} {
  func.func @_pre_kernel(%arg0: i32, %arg1: memref<2000x75xf32, #tpu.memory_space<vmem>>, %arg2: memref<75x128xf32, #tpu.memory_space<vmem>>, %arg3: memref<2000x128xf32, #tpu.memory_space<vmem>>) attributes {dimension_semantics = [#tpu.dimension_semantics<arbitrary>], iteration_bounds = array<i64: 25>, scalar_prefetch = 0 : i64, scratch_operands = 0 : i64, tpu.core_type = #tpu.core_type<tc>, window_params = [{transform_indices = @transform_0, window_bounds = array<i64: 2000, 75>}, {pipeline_mode = #tpu.pipeline_mode<synchronous>, transform_indices = @transform_1, window_bounds = array<i64: 75, 128>}, {transform_indices = @transform_2, window_bounds = array<i64: 2000, 128>}]} {
    %get3A = arith.constant 0 : index
    %get3A_0 = arith.constant 0 : index
    %get3A_1 = vector.load %arg1[%get3A, %get3A_0] : memref<2000x75xf32, #tpu.memory_space<vmem>>, vector<2000x75xf32>
    %get3A_2 = arith.constant 0 : index
    %get3A_3 = arith.constant 0 : index
    %get3A_4 = vector.load %arg2[%get3A_2, %get3A_3] : memref<75x128xf32, #tpu.memory_space<vmem>>, vector<75x128xf32>
    %dot_general3A = arith.constant dense<0.000000e+00> : vector<2000x128xf32>
    %dot_general3A_5 = tpu.matmul %get3A_1, %get3A_4, %dot_general3A {dimension_numbers = #tpu.dot_dimension_numbers<[1], [0], [0], [1], [0, 0, 1, 1], [], []>, transpose_lhs_hint = false} : vector<2000x75xf32>, vector<75x128xf32>, vector<2000x128xf32> -> vector<2000x128xf32>
    %swap3A = arith.constant 0 : index
    %swap3A_6 = arith.constant 0 : index
    %swap3A_7 = vector.load %arg3[%swap3A, %swap3A_6] : memref<2000x128xf32, #tpu.memory_space<vmem>>, vector<2000x128xf32>
    tpu.vector_store %arg3[%swap3A, %swap3A_6], %dot_general3A_5 {strides = array<i32>} : memref<2000x128xf32, #tpu.memory_space<vmem>>, vector<2000x128xf32>,
    return
  }
  func.func @transform_0(%arg0: i32) -> (i32, i32) {
    %c0_i32 = arith.constant 0 : i32
    %c0_i32_0 = arith.constant 0 : i32
    return %arg0, %c0_i32 : i32, i32
  }
  func.func @transform_1(%arg0: i32) -> (i32, i32) {
    %c0_i32 = arith.constant 0 : i32
    %c0_i32_0 = arith.constant 0 : i32
    %c0_i32_1 = arith.constant 0 : i32
    return %c0_i32, %c0_i32_0 : i32, i32
  }
  func.func @transform_2(%arg0: i32) -> (i32, i32) {
    %c0_i32 = arith.constant 0 : i32
    %c0_i32_0 = arith.constant 0 : i32
    return %arg0, %c0_i32 : i32, i32
  }
}

module attributes {stable_mosaic.version = 14 : i64} {
  func.func @_mid_kernel(%arg0: i32, %arg1: memref<2000x128xf32, #tpu.memory_space<vmem>>, %arg2: memref<2000x128xf32, #tpu.memory_space<vmem>>, %arg3: memref<1x64xf32, #tpu.memory_space<vmem>>, %arg4: memref<8x64xf32, #tpu.memory_space<vmem>>, %arg5: memref<64x256xf32, #tpu.memory_space<vmem>>, %arg6: memref<2000x256xf32, #tpu.memory_space<vmem>>) attributes {dimension_semantics = [#tpu.dimension_semantics<arbitrary>], iteration_bounds = array<i64: 25>, scalar_prefetch = 0 : i64, scratch_operands = 0 : i64, tpu.core_type = #tpu.core_type<tc>, window_params = [{transform_indices = @transform_0, window_bounds = array<i64: 2000, 128>}, {transform_indices = @transform_1, window_bounds = array<i64: 2000, 128>}, {pipeline_mode = #tpu.pipeline_mode<synchronous>, transform_indices = @transform_2, window_bounds = array<i64: 1, 64>}, {pipeline_mode = #tpu.pipeline_mode<synchronous>, transform_indices = @transform_3, window_bounds = array<i64: 8, 64>}, {pipeline_mode = #tpu.pipeline_mode<synchronous>, transform_indices = @transform_4, window_bounds = array<i64: 64, 256>}, {transform_indices = @transform_5, window_bounds = array<i64: 2000, 256>}]} {
    %get3A = arith.constant 0 : index
    %get3A_0 = arith.constant 0 : index
    %get3A_1 = vector.load %arg1[%get3A, %get3A_0] : memref<2000x128xf32, #tpu.memory_space<vmem>>, vector<2000x128xf32>
    %get3A_2 = arith.constant 0 : index
    %get3A_3 = arith.constant 64 : index
    %get3A_4 = vector.load %arg2[%get3A_2, %get3A_3] : memref<2000x128xf32, #tpu.memory_space<vmem>>, vector<2000x8xf32>
    %get3A_5 = arith.constant 0 : index
    %get3A_6 = arith.constant 72 : index
    %get3A_7 = vector.load %arg2[%get3A_5, %get3A_6] : memref<2000x128xf32, #tpu.memory_space<vmem>>, vector<2000x8xf32>
    %add3A = arith.addf %get3A_4, %get3A_7 : vector<2000x8xf32>
    %gt3A = arith.constant 0.000000e+00 : f32
    %gt3A_8 = vector.broadcast %gt3A : f32 to vector<2000x8xf32>
    %gt3A_9 = arith.cmpf ogt, %add3A, %gt3A_8 : vector<2000x8xf32>
    %mul3A = arith.constant 2.000000e-01 : f32
    %mul3A_10 = vector.broadcast %mul3A : f32 to vector<2000x8xf32>
    %mul3A_11 = arith.mulf %add3A, %mul3A_10 : vector<2000x8xf32>
    %select_n3A = arith.select %gt3A_9, %add3A, %mul3A_11 : vector<2000x8xi1>, vector<2000x8xf32>
    %exp3A = math.exp %select_n3A : vector<2000x8xf32>
    %get3A_12 = arith.constant 0 : index
    %get3A_13 = arith.constant 0 : index
    %get3A_14 = vector.load %arg4[%get3A_12, %get3A_13] : memref<8x64xf32, #tpu.memory_space<vmem>>, vector<8x64xf32>
    %slice3A = vector.extract_strided_slice %get3A_1 {offsets = [0, 0], sizes = [2000, 64], strides = [1, 1]} : vector<2000x128xf32> to vector<2000x64xf32>
    %dot_general3A = arith.constant dense<0.000000e+00> : vector<2000x64xf32>
    %dot_general3A_15 = tpu.matmul %exp3A, %get3A_14, %dot_general3A {dimension_numbers = #tpu.dot_dimension_numbers<[1], [0], [0], [1], [0, 0, 1, 1], [], []>, transpose_lhs_hint = false} : vector<2000x8xf32>, vector<8x64xf32>, vector<2000x64xf32> -> vector<2000x64xf32>
    %get3A_16 = arith.constant 0 : index
    %get3A_17 = arith.constant 0 : index
    %get3A_18 = vector.load %arg2[%get3A_16, %get3A_17] : memref<2000x128xf32, #tpu.memory_space<vmem>>, vector<2000x64xf32>
    %mul3A_19 = arith.mulf %dot_general3A_15, %get3A_18 : vector<2000x64xf32>
    %add3A_20 = arith.addf %slice3A, %mul3A_19 : vector<2000x64xf32>
    %slice3A_21 = vector.extract_strided_slice %get3A_1 {offsets = [0, 64], sizes = [2000, 8], strides = [1, 1]} : vector<2000x128xf32> to vector<2000x8xf32>
    %add3A_22 = arith.addf %slice3A_21, %exp3A : vector<2000x8xf32>
    %dot_general3A_23 = arith.constant dense<0.000000e+00> : vector<2000x64xf32>
    %dot_general3A_24 = tpu.matmul %add3A_22, %get3A_14, %dot_general3A_23 {dimension_numbers = #tpu.dot_dimension_numbers<[1], [0], [0], [1], [0, 0, 1, 1], [], []>, transpose_lhs_hint = false} : vector<2000x8xf32>, vector<8x64xf32>, vector<2000x64xf32> -> vector<2000x64xf32>
    %add3A_25 = arith.constant 1.000000e-16 : f32
    %add3A_26 = vector.broadcast %add3A_25 : f32 to vector<2000x64xf32>
    %add3A_27 = arith.addf %dot_general3A_24, %add3A_26 : vector<2000x64xf32>
    %div3A = arith.divf %add3A_20, %add3A_27 : vector<2000x64xf32>
    %get3A_28 = arith.constant 0 : index
    %get3A_29 = arith.constant 0 : index
    %get3A_30 = vector.load %arg3[%get3A_28, %get3A_29] : memref<1x64xf32, #tpu.memory_space<vmem>>, vector<1x64xf32>
    %add3A_31 = vector.broadcast %get3A_30 : vector<1x64xf32> to vector<2000x64xf32>
    %add3A_32 = arith.addf %div3A, %add3A_31 : vector<2000x64xf32>
    %gt3A_33 = arith.constant 0.000000e+00 : f32
    %gt3A_34 = vector.broadcast %gt3A_33 : f32 to vector<2000x64xf32>
    %gt3A_35 = arith.cmpf ogt, %add3A_32, %gt3A_34 : vector<2000x64xf32>
    %exp3A_36 = math.exp %add3A_32 : vector<2000x64xf32>
    %sub3A = arith.constant 1.000000e+00 : f32
    %sub3A_37 = vector.broadcast %sub3A : f32 to vector<2000x64xf32>
    %sub3A_38 = arith.subf %exp3A_36, %sub3A_37 : vector<2000x64xf32>
    %select_n3A_39 = arith.select %gt3A_35, %add3A_32, %sub3A_38 : vector<2000x64xi1>, vector<2000x64xf32>
    %get3A_40 = arith.constant 0 : index
    %get3A_41 = arith.constant 0 : index
    %get3A_42 = vector.load %arg5[%get3A_40, %get3A_41] : memref<64x256xf32, #tpu.memory_space<vmem>>, vector<64x256xf32>
    %dot_general3A_43 = arith.constant dense<0.000000e+00> : vector<2000x256xf32>
    %dot_general3A_44 = tpu.matmul %select_n3A_39, %get3A_42, %dot_general3A_43 {dimension_numbers = #tpu.dot_dimension_numbers<[1], [0], [0], [1], [0, 0, 1, 1], [], []>, transpose_lhs_hint = false} : vector<2000x64xf32>, vector<64x256xf32>, vector<2000x256xf32> -> vector<2000x256xf32>
    %swap3A = arith.constant 0 : index
    %swap3A_45 = arith.constant 0 : index
    %swap3A_46 = vector.load %arg6[%swap3A, %swap3A_45] : memref<2000x256xf32, #tpu.memory_space<vmem>>, vector<2000x256xf32>
    tpu.vector_store %arg6[%swap3A, %swap3A_45], %dot_general3A_44 {strides = array<i32>} : memref<2000x256xf32, #tpu.memory_space<vmem>>, vector<2000x256xf32>,
    return
  }
  func.func @transform_0(%arg0: i32) -> (i32, i32) {
    %c0_i32 = arith.constant 0 : i32
    %c0_i32_0 = arith.constant 0 : i32
    return %arg0, %c0_i32 : i32, i32
  }
  func.func @transform_1(%arg0: i32) -> (i32, i32) {
    %c0_i32 = arith.constant 0 : i32
    %c0_i32_0 = arith.constant 0 : i32
    return %arg0, %c0_i32 : i32, i32
  }
  func.func @transform_2(%arg0: i32) -> (i32, i32) {
    %c0_i32 = arith.constant 0 : i32
    %c0_i32_0 = arith.constant 0 : i32
    %c0_i32_1 = arith.constant 0 : i32
    return %c0_i32, %c0_i32_0 : i32, i32
  }
  func.func @transform_3(%arg0: i32) -> (i32, i32) {
    %c0_i32 = arith.constant 0 : i32
    %c0_i32_0 = arith.constant 0 : i32
    %c0_i32_1 = arith.constant 0 : i32
    return %c0_i32, %c0_i32_0 : i32, i32
  }
  func.func @transform_4(%arg0: i32) -> (i32, i32) {
    %c0_i32 = arith.constant 0 : i32
    %c0_i32_0 = arith.constant 0 : i32
    %c0_i32_1 = arith.constant 0 : i32
    return %c0_i32, %c0_i32_0 : i32, i32
  }
  func.func @transform_5(%arg0: i32) -> (i32, i32) {
    %c0_i32 = arith.constant 0 : i32
    %c0_i32_0 = arith.constant 0 : i32
    return %arg0, %c0_i32 : i32, i32
  }
}

module attributes {stable_mosaic.version = 14 : i64} {
  func.func @_post_kernel(%arg0: i32, %arg1: memref<1000x256xf32, #tpu.memory_space<vmem>>, %arg2: memref<1000x256xf32, #tpu.memory_space<vmem>>, %arg3: memref<1x128xf32, #tpu.memory_space<vmem>>, %arg4: memref<128x1xf32, #tpu.memory_space<vmem>>, %arg5: memref<1000x1xf32, #tpu.memory_space<vmem>>) attributes {dimension_semantics = [#tpu.dimension_semantics<arbitrary>], iteration_bounds = array<i64: 50>, scalar_prefetch = 0 : i64, scratch_operands = 0 : i64, tpu.core_type = #tpu.core_type<tc>, window_params = [{transform_indices = @transform_0, window_bounds = array<i64: 1000, 256>}, {transform_indices = @transform_1, window_bounds = array<i64: 1000, 256>}, {pipeline_mode = #tpu.pipeline_mode<synchronous>, transform_indices = @transform_2, window_bounds = array<i64: 1, 128>}, {pipeline_mode = #tpu.pipeline_mode<synchronous>, transform_indices = @transform_3, window_bounds = array<i64: 128, 1>}, {transform_indices = @transform_4, window_bounds = array<i64: 1000, 1>}]} {
    %get3A = arith.constant 0 : index
    %get3A_0 = arith.constant 0 : index
    %get3A_1 = vector.load %arg1[%get3A, %get3A_0] : memref<1000x256xf32, #tpu.memory_space<vmem>>, vector<1000x256xf32>
    %get3A_2 = arith.constant 0 : index
    %get3A_3 = arith.constant 128 : index
    %get3A_4 = vector.load %arg2[%get3A_2, %get3A_3] : memref<1000x256xf32, #tpu.memory_space<vmem>>, vector<1000x1xf32>
    %get3A_5 = arith.constant 0 : index
    %get3A_6 = arith.constant 129 : index
    %get3A_7 = vector.load %arg2[%get3A_5, %get3A_6] : memref<1000x256xf32, #tpu.memory_space<vmem>>, vector<1000x1xf32>
    %add3A = arith.addf %get3A_4, %get3A_7 : vector<1000x1xf32>
    %gt3A = arith.constant 0.000000e+00 : f32
    %gt3A_8 = vector.broadcast %gt3A : f32 to vector<1000x1xf32>
    %gt3A_9 = arith.cmpf ogt, %add3A, %gt3A_8 : vector<1000x1xf32>
    %mul3A = arith.constant 2.000000e-01 : f32
    %mul3A_10 = vector.broadcast %mul3A : f32 to vector<1000x1xf32>
    %mul3A_11 = arith.mulf %add3A, %mul3A_10 : vector<1000x1xf32>
    %select_n3A = arith.select %gt3A_9, %add3A, %mul3A_11 : vector<1000x1xi1>, vector<1000x1xf32>
    %exp3A = math.exp %select_n3A : vector<1000x1xf32>
    %slice3A = vector.extract_strided_slice %get3A_1 {offsets = [0, 0], sizes = [1000, 128], strides = [1, 1]} : vector<1000x256xf32> to vector<1000x128xf32>
    %get3A_12 = arith.constant 0 : index
    %get3A_13 = arith.constant 0 : index
    %get3A_14 = vector.load %arg2[%get3A_12, %get3A_13] : memref<1000x256xf32, #tpu.memory_space<vmem>>, vector<1000x128xf32>
    %mul3A_15 = vector.broadcast %exp3A : vector<1000x1xf32> to vector<1000x128xf32>
    %mul3A_16 = arith.mulf %mul3A_15, %get3A_14 : vector<1000x128xf32>
    %add3A_17 = arith.addf %slice3A, %mul3A_16 : vector<1000x128xf32>
    %slice3A_18 = vector.extract_strided_slice %get3A_1 {offsets = [0, 128], sizes = [1000, 1], strides = [1, 1]} : vector<1000x256xf32> to vector<1000x1xf32>
    %add3A_19 = arith.addf %slice3A_18, %exp3A : vector<1000x1xf32>
    %add3A_20 = arith.constant 1.000000e-16 : f32
    %add3A_21 = vector.broadcast %add3A_20 : f32 to vector<1000x1xf32>
    %add3A_22 = arith.addf %add3A_19, %add3A_21 : vector<1000x1xf32>
    %div3A = vector.broadcast %add3A_22 : vector<1000x1xf32> to vector<1000x128xf32>
    %div3A_23 = arith.divf %add3A_17, %div3A : vector<1000x128xf32>
    %get3A_24 = arith.constant 0 : index
    %get3A_25 = arith.constant 0 : index
    %get3A_26 = vector.load %arg3[%get3A_24, %get3A_25] : memref<1x128xf32, #tpu.memory_space<vmem>>, vector<1x128xf32>
    %add3A_27 = vector.broadcast %get3A_26 : vector<1x128xf32> to vector<1000x128xf32>
    %add3A_28 = arith.addf %div3A_23, %add3A_27 : vector<1000x128xf32>
    %get3A_29 = arith.constant 0 : index
    %get3A_30 = arith.constant 0 : index
    %get3A_31 = vector.load %arg4[%get3A_29, %get3A_30] : memref<128x1xf32, #tpu.memory_space<vmem>>, vector<128x1xf32>
    %dot_general3A = arith.constant dense<0.000000e+00> : vector<1000x1xf32>
    %dot_general3A_32 = tpu.matmul %add3A_28, %get3A_31, %dot_general3A {dimension_numbers = #tpu.dot_dimension_numbers<[1], [0], [0], [1], [0, 0, 1, 1], [], []>, transpose_lhs_hint = false} : vector<1000x128xf32>, vector<128x1xf32>, vector<1000x1xf32> -> vector<1000x1xf32>
    %swap3A = arith.constant 0 : index
    %swap3A_33 = arith.constant 0 : index
    %swap3A_34 = vector.load %arg5[%swap3A, %swap3A_33] : memref<1000x1xf32, #tpu.memory_space<vmem>>, vector<1000x1xf32>
    tpu.vector_store %arg5[%swap3A, %swap3A_33], %dot_general3A_32 {strides = array<i32>} : memref<1000x1xf32, #tpu.memory_space<vmem>>, vector<1000x1xf32>,
    return
  }
  func.func @transform_0(%arg0: i32) -> (i32, i32) {
    %c0_i32 = arith.constant 0 : i32
    %c0_i32_0 = arith.constant 0 : i32
    return %arg0, %c0_i32 : i32, i32
  }
  func.func @transform_1(%arg0: i32) -> (i32, i32) {
    %c0_i32 = arith.constant 0 : i32
    %c0_i32_0 = arith.constant 0 : i32
    return %arg0, %c0_i32 : i32, i32
  }
  func.func @transform_2(%arg0: i32) -> (i32, i32) {
    %c0_i32 = arith.constant 0 : i32
    %c0_i32_0 = arith.constant 0 : i32
    %c0_i32_1 = arith.constant 0 : i32
    return %c0_i32, %c0_i32_0 : i32, i32
  }
  func.func @transform_3(%arg0: i32) -> (i32, i32) {
    %c0_i32 = arith.constant 0 : i32
    %c0_i32_0 = arith.constant 0 : i32
    %c0_i32_1 = arith.constant 0 : i32
    return %c0_i32, %c0_i32_0 : i32, i32
  }
  func.func @transform_4(%arg0: i32) -> (i32, i32) {
    %c0_i32 = arith.constant 0 : i32
    %c0_i32_0 = arith.constant 0 : i32
    return %arg0, %c0_i32 : i32, i32
  }
}

module attributes {stable_mosaic.version = 14 : i64} {
  func.func @_zsum_kernel(%arg0: memref<32x512xf32, #tpu.memory_space<vmem>>, %arg1: memref<1x1xf32, #tpu.memory_space<vmem>>, %arg2: memref<512x1xf32, #tpu.memory_space<vmem>>) attributes {dimension_semantics = [], scalar_prefetch = 0 : i64, scratch_operands = 0 : i64, tpu.core_type = #tpu.core_type<tc>} {
    %broadcast_in_dim3A = arith.constant 1.000000e+00 : f32
    %broadcast_in_dim3A_0 = vector.broadcast %broadcast_in_dim3A : f32 to vector<32x1xf32>
    %get3A = arith.constant 0 : index
    %get3A_1 = arith.constant 0 : index
    %get3A_2 = vector.load %arg0[%get3A, %get3A_1] : memref<32x512xf32, #tpu.memory_space<vmem>>, vector<32x512xf32>
    %dot_general3A = arith.constant dense<0.000000e+00> : vector<512x1xf32>
    %dot_general3A_3 = tpu.matmul %get3A_2, %broadcast_in_dim3A_0, %dot_general3A {dimension_numbers = #tpu.dot_dimension_numbers<[0], [0], [1], [1], [0, 1, 1, 1], [], []>, transpose_lhs_hint = false} : vector<32x512xf32>, vector<32x1xf32>, vector<512x1xf32> -> vector<512x1xf32>
    %get3A_4 = arith.constant 0 : index
    %get3A_5 = arith.constant 0 : index
    %get3A_6 = vector.load %arg1[%get3A_4, %get3A_5] : memref<1x1xf32, #tpu.memory_space<vmem>>, vector<1x1xf32>
    %add3A = vector.broadcast %get3A_6 : vector<1x1xf32> to vector<512x1xf32>
    %add3A_7 = arith.addf %dot_general3A_3, %add3A : vector<512x1xf32>
    %swap3A = arith.constant 0 : index
    %swap3A_8 = arith.constant 0 : index
    %swap3A_9 = vector.load %arg2[%swap3A, %swap3A_8] : memref<512x1xf32, #tpu.memory_space<vmem>>, vector<512x1xf32>
    tpu.vector_store %arg2[%swap3A, %swap3A_8], %add3A_7 {strides = array<i32>} : memref<512x1xf32, #tpu.memory_space<vmem>>, vector<512x1xf32>,
    return
  }
}

</mosaic_0001>

<sc_bundles>
// kernel: gather_offload_async_start.1
scs
__scs_entry_jumppad:
0x0: {  	(pc) =	sbr.rel $0x88, $3  }
0x1: {  	(tag) =	ssettag $0x0;
	lr =	simm.s32 $0x1  }
0x2: {  	[smem:$0x3F94] =	sst lr;
	_ =	strace $0xD0000000  }
0x3: {  	_ = 	snop  }
0x4: {  	_ = 	snop  }
0x5: {  	_ = 	snop  }
0x6: {  	_ = 	snop  }
0x7: {  	_ = 	snop  }
__scs_overlays_trampoline_lowered:
0x8: {  	[smem:$0x3FA3] =	sst s0  }
0x9: {  	[smem:$0x3FA4] =	sst s1  }
0xa: {  	[smem:$0x3FA5] =	sst s2  }
0xb: {  	[smem:$0x3FA6] =	sst s3  }
0xc: {  	[smem:$0x3FA7] =	sst s4  }
0xd: {  	[smem:$0x3FA8] =	sst s5  }
0xe: {  	[smem:$0x3FA9] =	sst s6  }
0xf: {  	[smem:$0x3FAA] =	sst s7  }
0x10: {  	[smem:$0x3FAB] =	sst s8  }
0x11: {  	[smem:$0x3FAC] =	sst s9;
	s0 =	simm.s32 @!p0 $0x0  }
0x12: {  	s1 =	sld [smem:$0x3F92];
	s0 =	simm.s32 @p0 $0x1  }
0x13: {  	[smem:$0x3FAD] =	sst s0;
	s0 =	simm.s32 @!p1 $0x0  }
0x14: {  	s2 =	sld [smem:$0x3F91];
	s0 =	simm.s32 @p1 $0x1  }
0x15: {  	[smem:$0x3FAE] =	sst s0;
	s0 =	simm.s32 @!p2 $0x0  }
0x16: {  	s3 =	sld [smem:$0x3FDB];
	s0 =	simm.s32 @p2 $0x1  }
0x17: {  	s4 =	simm.s32 $0x1BF5;
	[smem:$0x3FB0] =	sst s0  }
0x18: {  	s0 =	sld [smem:$0x3F93];
	_ =	swait.ge [sflag:s4], $0x0  }
0x19: {  	s7 =	sld [smem:$0x3F94]  }
0x1a: {  	s8 =	sadd.s32 $0xFFFFE003, lr  }
0x1b: {  	s9 =	sadd.s32 $0xFFFFFEF7, lr;
	s5 =	simm.s32 $0xFFFFFFFF;
	p2 =	slt.u32 s8, $0xFFFFF086  }
0x1c: {  	p1 =	slt.u32 s9, $0xF7A;
	s5 =	simm.s32 @!p2 $0x0  }
0x1d: {  	s5 =	simm.s32 @p1 $0x1;
	p0 =	seq.s32 s7, s2  }
0x1e: {  	s7 =	smul.u32 @!p0 $0xF7A, s2;
	p2 =	seq.s32 @!p0 s5, $0x0  }
0x1f: {  	s9 =	smul.u32 $0xF7A, s1;
	s8 =	simm.s32 @!p0 $0x1BF5;
	p2 =	por !p2, p0  }
0x20: {  	[sflag:s8] =	ssyncset.s32 @!p0 $0xFFFFF086;
	s6 =	sadd.s32 @!p0 s3, s7;
	s7 =	simm.s32 @!p0 $0x108  }
0x21: {  	s3 =	sadd.s32 s3, s9;
	s6 =	sadd.s32 @!p0 $0x88, s6;
	s7 =	simm.s32 @p2 $0x1082  }
0x22: {  	[simem:s7], [sflag:s8] =	dma.local @!p0 [hbm:s6], $0xF7A  }
0x23: {  	s9 =	sor.u32 $0xD0000000, s2;
	s6 =	simm.s32 $0x108;
	_ =	swait.ge @!p0 [sflag:s8], $0x0  }
0x24: {  	s3 =	sadd.s32 $0x88, s3;
	s6 =	simm.s32 @!p1 $0x1082;
	[sflag:s4] =	ssyncset.s32 $0xFFFFF086  }
0x25: {  	[simem:s6], [sflag:s4] =	dma.local [hbm:s3], $0xF7A  }
0x26: {  	[smem:$0x3F94] =	sst s1;
	(tag) =	ssettag s2;
	_ =	strace s9  }
0x27: {  	s1 =	sld [smem:$0x3FA4]  }
0x28: {  	s2 =	sld [smem:$0x3FA5]  }
0x29: {  	s4 =	sld [smem:$0x3FA7]  }
0x2a: {  	p0 =	seq.s32 s5, $0x0;
	s5 =	sld [smem:$0x3FA8]  }
0x2b: {  	s6 =	sld [smem:$0x3FA9]  }
0x2c: {  	s7 =	sld [smem:$0x3FAA]  }
0x2d: {  	s3 =	simm.s32 $0x108;
	s8 =	sld [smem:$0x3FAB]  }
0x2e: {  	s3 =	simm.s32 @!p0 $0x1082;
	s9 =	sld [smem:$0x3FAC]  }
0x2f: {  	lr =	sadd.s32 s0, s3;
	s0 =	sld [smem:$0x3FA3]  }
0x30: {  	s3 =	sld [smem:$0x3FA6]  }
0x31: {  	[smem:$0x3FAF] =	sst s10  }
0x32: {  	s10 =	sld [smem:$0x3FAD];
	_ =	sdelay $0x3  }
0x33: {  	p0 =	seq.s32 s10, $0x1;
	s10 =	sld [smem:$0x3FAF];
	_ =	sdelay $0x3  }
0x34: {  	[smem:$0x3FAF] =	sst s10  }
0x35: {  	s10 =	sld [smem:$0x3FAE];
	_ =	sdelay $0x3  }
0x36: {  	p1 =	seq.s32 s10, $0x1;
	s10 =	sld [smem:$0x3FAF];
	_ =	sdelay $0x3  }
0x37: {  	[smem:$0x3FAF] =	sst s10  }
0x38: {  	s10 =	sld [smem:$0x3FB0]  }
0x39: {  	_ = 	snop;
	(pc) =	sbr.ind lr, $3  }
0x3a: {  	_ = 	snop  }
0x3b: {  	_ = 	snop  }
0x3c: {  	p2 =	seq.s32 s10, $0x1;
	s10 =	sld [smem:$0x3FAF]  }
0x3d: {  	_ =	shalt  }
0x3e: {  	_ =	shalt  }
0x3f: {  	_ =	shalt  }
0x40: {  	_ =	shalt  }
0x41: {  	_ =	shalt  }
0x42: {  	_ =	shalt  }
0x43: {  	_ =	shalt  }
0x44: {  	_ =	shalt  }
0x45: {  	_ =	shalt  }
0x46: {  	_ =	shalt  }
0x47: {  	_ =	shalt  }
0x48: {  	_ =	shalt  }
0x49: {  	_ =	shalt  }
0x4a: {  	_ =	shalt  }
0x4b: {  	_ =	shalt  }
0x4c: {  	_ =	shalt  }
0x4d: {  	_ =	shalt  }
0x4e: {  	_ =	shalt  }
0x4f: {  	_ =	shalt  }
0x50: {  	_ =	shalt  }
0x51: {  	_ =	shalt  }
0x52: {  	_ =	shalt  }
0x53: {  	_ =	shalt  }
0x54: {  	_ =	shalt  }
0x55: {  	_ =	shalt  }
0x56: {  	_ =	shalt  }
0x57: {  	_ =	shalt  }
0x58: {  	_ =	shalt  }
0x59: {  	_ =	shalt  }
0x5a: {  	_ =	shalt  }
0x5b: {  	_ =	shalt  }
0x5c: {  	_ =	shalt  }
0x5d: {  	_ =	shalt  }
0x5e: {  	_ =	shalt  }
0x5f: {  	_ =	shalt  }
0x60: {  	_ =	shalt  }
0x61: {  	_ =	shalt  }
0x62: {  	_ =	shalt  }
0x63: {  	_ =	shalt  }
0x64: {  	_ =	shalt  }
0x65: {  	_ =	shalt  }
0x66: {  	_ =	shalt  }
0x67: {  	_ =	shalt  }
0x68: {  	_ =	shalt  }
0x69: {  	_ =	shalt  }
0x6a: {  	_ =	shalt  }
0x6b: {  	_ =	shalt  }
0x6c: {  	_ =	shalt  }
0x6d: {  	_ =	shalt  }
0x6e: {  	_ =	shalt  }
0x6f: {  	_ =	shalt  }
0x70: {  	_ =	shalt  }
0x71: {  	_ =	shalt  }
0x72: {  	_ =	shalt  }
0x73: {  	_ =	shalt  }
0x74: {  	_ =	shalt  }
0x75: {  	_ =	shalt  }
0x76: {  	_ =	shalt  }
0x77: {  	_ =	shalt  }
0x78: {  	_ =	shalt  }
0x79: {  	_ =	shalt  }
0x7a: {  	_ =	shalt  }
0x7b: {  	_ =	shalt  }
0x7c: {  	_ =	shalt  }
0x7d: {  	_ =	shalt  }
0x7e: {  	_ =	shalt  }
0x7f: {  	_ =	shalt  }
0x80: {  	_ =	shalt  }
0x81: {  	_ =	shalt  }
0x82: {  	_ =	shalt  }
0x83: {  	_ =	shalt  }
0x84: {  	_ =	shalt  }
0x85: {  	_ =	shalt  }
0x86: {  	_ =	shalt  }
0x87: {  	_ =	shalt  }
.Lfunc_end0:
.L_simem_size_0:
called_computation.4_lowered:
.L_overlay_start_0:
0x88: {  	s2 =	sld [smem:$0x3FD9]  }
0x89: {  	s3 =	sld [smem:$0x3FFE];
	_ =	sdelay $0x1  }
0x8a: {  	s1 =	srdreg.scid  }
0x8b: {  	s0 =	sand.u32 $0x1, s1  }
0x8c: {  	s16 =	sshll.u32 s0, $0xA;
	s2 =	sadd.s32 s3, s2  }
0x8d: {  	s2 =	sadd.s32 s2, s16  }
0x8e: {  	[smem:$0x3FBB] =	sst s2  }
0x8f: {  	_ = 	snop  }
0x90: {  	(tm) =	ssettm $0x1  }
0x91: {  	s17 =	sld [smem:$0x3FFB];
	_ =	sdelay $0x3  }
0x92: {  	_ =	strace s17  }
0x93: {  	s2 =	sld [smem:$0x3FFC];
	_ =	sdelay $0x3  }
0x94: {  	_ =	strace s2  }
0x95: {  	s2 =	sld [smem:$0x3FFD];
	_ =	sdelay $0x3  }
0x96: {  	_ =	strace s2  }
0x97: {  	_ =	strace $0x8FFFFFFF  }
0x98: {  	s18 =	sld [smem:$0x3FDB];
	_ =	sdelay $0x1  }
0x99: {  	s19 =	simm.s32 $_scs_section_size  }
0x9a: {  	s4 =	simm.s32 $_size__tile_overlayer_lowered;
	s5 =	simm.s32 $_tile_overlayer_lowered  }
0x9b: {  	s22 =	simm.s32 $0x1BFF;
	s21 =	sshll.u32 s5, $0x1;
	s2 =	sadd.s32 s19, s18  }
0x9c: {  	s6 =	simm.s32 $0x0;
	s20 =	sshll.u32 s4, $0x1;
	s4 =	sadd.s32 s21, s2  }
0x9d: {  	[timem:s6], [sflag:s22] =	dma.local [hbm:s4], s20  }
0x9e: {  	_ =	swait.ge [sflag:s22], s20  }
0x9f: {  	s3 =	ssub.s32 $0x0, s20;
	[sflag:s22] =	ssyncset.done $0x0  }
0xa0: {  	[sflag:s22] =	ssyncadd.s32 s3;
	_ =	sdelay $0x1  }
0xa1: {  	s23 =	simm.s32 $0x1B8B  }
0xa2: {  	_ =	swait.ge [sflag:s23], $0x1  }
0xa3: {  	[sflag:s23] =	ssyncset.done $0x0  }
0xa4: {  	s25 =	simm.s32 $0x1B8E;
	s24 =	sld [smem:$0x3FFE];
	[sflag:s23] =	ssyncadd.s32 $0xFFFFFFFF  }
0xa5: {  	s26 =	simm.s32 $execute0_lowered;
	[smem:$0x3FD2] =	sst s25  }
0xa6: {  	s4 =	sshll.u32 s26, $0x1;
	_ =	strace $0x8000004C;
	[dreg:$0x1] =	wrdreg $0xFFFFFFFF  }
0xa7: {  	s28 =	simm.s32 $_size_execute0_lowered;
	s2 =	sadd.s32 s2, s4;
	[dreg:$0x0] =	wrdreg $0x0  }
0xa8: {  	s4 =	sshll.u32 s28, $0x1;
	[dreg:$0x2] =	wrdreg s2  }
0xa9: {  	[dreg:$0x3] =	wrdreg s4  }
0xaa: {  	[dreg:$0x4] =	wrdreg $0xC0  }
0xab: {  	_ =	task [dreg:s6], $0x5FFFF  }
0xac: {  	[dreg:$0x1] =	wrdreg $0xFFFFFFFF  }
0xad: {  	[dreg:$0x0] =	wrdreg $0x60  }
0xae: {  	[dreg:$0x2] =	wrdreg s24  }
0xaf: {  	[dreg:$0x3] =	wrdreg $0xA  }
0xb0: {  	_ =	task.clear_ibuf [dreg:s6], $0x4FFFF;
	_ =	strace $0x9000004C  }
0xb1: {  	s29 =	simm.s32 $0xA;
	_ =	strace $0x8000004E  }
0xb2: {  	_ =	swait.ge [sflag:s29], $0x1  }
0xb3: {  	[sflag:s29] =	ssyncadd.s32 $0xFFFFFFFF  }
0xb4: {  	_ =	strace $0x9000004E  }
0xb5: {  	_ =	sfence  }
0xb6: {  	s30 =	sld [smem:$0x0];
	_ =	sdelay $0x2  }
0xb7: {  	s31 =	sshll.u32 s1, $0xD;
	s1 =	sshrl.u32 s1, $0x2  }
0xb8: {  	s3 =	sand.u32 $0x4000, s31;
	s1 =	sadd.s32 s1, s30  }
0xb9: {  	s0 =	sor.u32 s3, s0;
	s1 =	sshll.u32 s1, $0x11  }
0xba: {  	s0 =	sor.u32 s1, s0  }
0xbb: {  	s0 =	sadd.s32 $0x8F2B, s0  }
0xbc: {  	[sflag:s0] =	ssyncadd.remote.s32 $0x1  }
0xbd: {  	_ =	sfence.sel $0xFFFF  }
0xbe: {  	[dreg:$0x0] =	wrdreg $0xFFFFFFFF;
	(pc) =	sbr.abs _section_cstart, $3  }
0xbf: {  	[dreg:$0x1] =	wrdreg $0xFFFFFFFF  }
0xc0: {  	_ =	task.clear_ibuf [dreg:s6], $0x2FFFF;
	_ =	strace $0x9FFFFFFF  }
0xc1: {  	(tm) =	ssettm $0x7FFFFFFF  }
tec
execute0_lowered:
.L_overlay_start_1:
0x0: {  	(tag) =	ssettag $0x1  }
0x1: {  	s8 =	rddreg [dreg:$0x0];
	s1 =	stileid.u32  }
0x2: {  	s2 =	srdreg.scid;
	s0 =	rddreg [dreg:$0x1]  }
0x3: {  	_ =	strace $0x8000004D;
	s5 =	simm.s32 $0x1;
	s9 =	simm.s32 $0x1  }
0x4: {  	s10 =	simm.s32 $0x3;
	s2 =	sand.u32 $0x1, s2;
	s3 =	sshll.u32 s1, $0x1  }
0x5: {  	s13 =	simm.s32 $0x0;
	s12 =	simm.s32 $0x0;
	s6 =	sor.u32 s3, s2  }
0x6: {  	[sflag:s5] =	ssyncpa.u1 $0x0;
	s2 =	sadd.s32 $0x143B800, s8;
	s4 =	smul.u32 $0x4E20, s6  }
0x7: {  	s3 =	sadd.s32 $0xDF200, s8;
	p0 =	slt.u32 s6, $0x9;
	s6 =	simm.s32 $0x9C400  }
.Ltmp0:
0x8: {  	s6 =	simm.s32 @!p0 $0x0;
	s7 =	ssub.s32 $0xC3500, s4;
	(pc) =	sbr.rel .LBB2_1-.Ltmp0, $4  }
0x9: {  	s9 =	simm.s32 @!p0 $0x0;
	p0 =	sne.s32 s7, s6;
	s7 =	simm.s32 $0x1  }
0xa: {  	s8 =	sadd.s32 $0x1378200, s8;
	s6 =	simm.s32 $0x2;
	s7 =	simm.s32 @!p0 $0x0  }
0xb: {  	s11 =	smov.u32 s4;
	[sflag:s6] =	ssyncpa.u1 $0x0;
	s7 =	sadd.s32 s9, s7  }
0xc: {  	vm0 =	vmmov $0xffff;
	[sflag:s10] =	ssyncpa.u1 $0x0;
	s10 =	simm.s32 $0x0;
	s9 =	sadd.s32 $0x1, s7  }
.LBB2_4:
0xd: {  	vm1 =	veq.s32 v0, $0x80000000;
	v63 =	vand.u32 $0xFFFF, v0;
	v2 =	vand.u32 $0xFF, v2  }
0xe: {  	v0 =	vsel vm1, $0xFFFFFFFF, v63;
	v2 =	vsel vm1, $0xFFFFFFFF, v2  }
0xf: {  	v3 =	vshll.u32 v0, $0x8;
	v4 =	vshll.u32 v2, $0x3  }
0x10: {  	v0 =	vshll.u32 v0, $0x7;
	v3 =	vand.u32 $0xFFFFF800, v3;
	v4 =	vand.u32 $0xFFFFFC00, v4  }
0x11: {  	v0 =	vand.u32 $0x380, v0;
	v3 =	vadd.s32 v3, v4  }
0x12: {  	v2 =	vand.u32 $0x7F, v2;
	v0 =	vor.u32 v0, v3  }
0x13: {  	v0 =	vor.u32 v2, v0;
	_ =	sdelay $0x1  }
0x14: {  	(ifvalue) =	ssetifvalue $0x7FFFFFFF;
	s15 =	sadd.s32 $0x10, s15  }
0x15: {  	[tilespmem:s15], [sflag:$0x1] =	stream.indirect_vreg.gather [hbm4b:s2+s10], $0x1, v1, vm0, $0x4038;
	[tilespmem:$0x13880] =	vst v63  }
0x16: {  	(ifvalue) =	ssetifvalue $0x7FFFFFFF;
	s15 =	sadd.s32 $0x10, s15  }
0x17: {  	[tilespmem:s15], [sflag:$0x1] =	stream.indirect_vreg.gather [hbm4b:s2+s10], $0x1, v0, vm0, $0x4038;
	[tilespmem:$0x13880] =	vst v63  }
0x18: {  	_ =	swait.ge [sflag:s5], $0x4E20  }
0x19: {  	s30 =	sshrl.u32 s13, $0x3;
	[sflag:s5] =	ssyncset.done $0x0  }
0x1a: {  	s31 =	sand.u32 $0x7, s13;
	s15 =	sadd.s32 s8, s30;
	[sflag:s5] =	ssyncadd.s32 $0xFFFFB1E0  }
0x1b: {  	[hbm4b:s15+s31] =	stream.linear.scatter [tilespmem:s14], [sflag:$0x3], $0x4E20, $0x38;
	[tilespmem:$0x13880] =	vst v63  }
.LBB2_5:
0x1c: {  	s15 =	sadd.s32 $0x9C400, s11  }
0x1d: {  	p1 =	sgt.s32 s15, $0xC34FF  }
0x1e: {  	s15 =	smov.u32 @p1 s4;
	p1 =	sne.s32 s12, s9  }
.Ltmp1:
0x1f: {  	p0 =	slt.u32 s12, $0x2;
	(pc) =	sbr.rel @!p1 .LBB2_6-.Ltmp1, $4  }
0x20: {  	s14 =	simm.s32 @!p0 $0x3  }
0x21: {  	_ =	swait.ge @!p0 [sflag:s14], $0x4E20  }
0x22: {  	s16 =	sadd.s32 $0x1, s12;
	s13 =	smov.u32 s11;
	[sflag:s14] =	ssyncset.done @!p0 $0x0  }
0x23: {  	s12 =	smov.u32 s16;
	s11 =	smov.u32 s15;
	[sflag:s14] =	ssyncadd.s32 @!p0 $0xFFFFB1E0  }
.LBB2_1:
0x24: {  	p0 =	sge.u32 s12, s7  }
0x25: {  	s14 =	sxor.u32 @!p0 $0x1, s12  }
0x26: {  	s14 =	smul.u32 @!p0 $0x13880, s14  }
0x27: {  	s31 =	sadd.s32 $0xFFFFFFFF, s12;
	s15 =	sshrl.u32 @!p0 s11, $0x3  }
0x28: {  	s16 =	sand.u32 @!p0 $0x7, s11;
	s15 =	sadd.s32 @!p0 s3, s15;
	s14 =	sshra.s32 @!p0 s14, $0x2  }
0x29: {  	[tilespmem:s14], [sflag:$0x2] =	stream.linear.gather @!p0 [hbm4b:s15+s16], $0x4E20, $0x38;
	[tilespmem:$0x13880] =	vst v63  }
0x2a: {  	p0 =	sge.u32 s31, s7  }
.Ltmp2:
0x2b: {  	_ = 	snop;
	(pc) =	sbr.rel @p0 .LBB2_5-.Ltmp2, $1  }
0x2c: {  	_ =	sdelay $0x3  }
0x2d: {  	s14 =	sand.u32 $0x1, s12  }
0x2e: {  	_ =	swait.ge [sflag:s6], $0x4E20;
	p0 =	seq.s32 s14, $0x1;
	s14 =	simm.s32 $0x4E20  }
0x2f: {  	[sflag:s6] =	ssyncset.done $0x0;
	s14 =	simm.s32 @!p0 $0x0  }
0x30: {  	[sflag:s6] =	ssyncadd.s32 $0xFFFFB1E0;
	(ifvalue) =	ssetifvalue $0x7FFFFFFF;
	v0 =	vld.msk [tilespmem:s14+$0x0 ss:$0x1], $0xffff;
	_ =	sdelay $0x3  }
0x31: {  	s15 =	sadd.s32 $0x10, s14  }
0x32: {  	v2 =	vld.msk [tilespmem:s15+$0x0 ss:$0x1], $0xffff;
	v1 =	vshrl.u32 v0, $0x10  }
0x33: {  	vm1 =	veq.s32 v0, $0x80000000;
	v0 =	vand.u32 $0xFFFF, v0;
	v1 =	vand.u32 $0xFF, v1  }
0x34: {  	v0 =	vsel vm1, $0xFFFFFFFF, v0;
	v1 =	vsel vm1, $0xFFFFFFFF, v1  }
0x35: {  	v3 =	vshll.u32 v0, $0x8;
	v4 =	vshll.u32 v1, $0x3  }
0x36: {  	v0 =	vshll.u32 v0, $0x7;
	v3 =	vand.u32 $0xFFFFF800, v3;
	v4 =	vand.u32 $0xFFFFFC00, v4  }
0x37: {  	vm1 =	veq.s32 v2, $0x80000000;
	v0 =	vand.u32 $0x380, v0;
	v3 =	vadd.s32 v3, v4  }
0x38: {  	v1 =	vand.u32 $0x7F, v1;
	v0 =	vor.u32 v0, v3;
	v3 =	vshrl.u32 v2, $0x10  }
0x39: {  	s15 =	sadd.s32 $0x10, s15;
	v2 =	vand.u32 $0xFFFF, v2;
	v1 =	vor.u32 v1, v0;
	v3 =	vand.u32 $0xFF, v3  }
0x3a: {  	v0 =	vld.msk [tilespmem:s15+$0x0 ss:$0x1], $0xffff;
	v2 =	vsel vm1, $0xFFFFFFFF, v2;
	v3 =	vsel vm1, $0xFFFFFFFF, v3  }
0x3b: {  	v63 =	vshll.u32 v2, $0x8;
	v5 =	vshll.u32 v3, $0x3  }
0x3c: {  	v2 =	vshll.u32 v2, $0x7;
	v4 =	vand.u32 $0xFFFFF800, v63;
	v5 =	vand.u32 $0xFFFFFC00, v5  }
0x3d: {  	s14 =	sadd.s32 $0x9C40, s14;
	(ifvalue) =	ssetifvalue $0x7FFFFFFF;
	v2 =	vand.u32 $0x380, v2;
	v4 =	vadd.s32 v4, v5  }
0x3e: {  	[tilespmem:s14], [sflag:$0x1] =	stream.indirect_vreg.gather [hbm4b:s2+s10], $0x1, v1, vm0, $0x4038;
	v1 =	vand.u32 $0x7F, v3;
	v3 =	vor.u32 v2, v4;
	[tilespmem:$0x13880] =	vst v63  }
0x3f: {  	s16 =	simm.s32 $0x20;
	s17 =	sadd.s32 $0x10, s15;
	s15 =	smov.u32 s14;
	v2 =	vshrl.u32 v0, $0x10;
	v1 =	vor.u32 v1, v3  }
.LBB2_3:
0x40: {  	s16 =	sadd.s32 $0x10, s16;
	vm1 =	veq.s32 v0, $0x80000000;
	v3 =	vand.u32 $0xFFFF, v0;
	v0 =	vld.msk [tilespmem:s17+$0x0 ss:$0x1], $0xffff;
	v2 =	vand.u32 $0xFF, v2  }
0x41: {  	p0 =	slt.u32 s16, $0x4E10;
	v3 =	vsel vm1, $0xFFFFFFFF, v3;
	v2 =	vsel vm1, $0xFFFFFFFF, v2  }
.Ltmp3:
0x42: {  	v4 =	vshll.u32 v3, $0x8;
	v5 =	vshll.u32 v2, $0x3;
	(pc) =	sbr.rel @p0 .LBB2_3-.Ltmp3, $4  }
0x43: {  	s15 =	sadd.s32 $0x10, s15;
	v3 =	vshll.u32 v3, $0x7;
	v4 =	vand.u32 $0xFFFFF800, v4;
	v5 =	vand.u32 $0xFFFFFC00, v5;
	(ifvalue) =	ssetifvalue $0x7FFFFFFF  }
0x44: {  	v3 =	vand.u32 $0x380, v3;
	v4 =	vadd.s32 v4, v5;
	[tilespmem:s15], [sflag:$0x1] =	stream.indirect_vreg.gather [hbm4b:s2+s10], $0x1, v1, vm0, $0x4038;
	[tilespmem:$0x13880] =	vst v63  }
0x45: {  	v1 =	vand.u32 $0x7F, v2;
	v3 =	vor.u32 v3, v4  }
0x46: {  	s17 =	sadd.s32 $0x10, s17;
	v2 =	vshrl.u32 v0, $0x10;
	v1 =	vor.u32 v1, v3  }
.Ltmp4:
0x47: {  	_ = 	snop;
	(pc) =	sbr.rel .LBB2_4-.Ltmp4, $1  }
0x48: {  	_ =	sdelay $0x3  }
.LBB2_6:
0x49: {  	_ =	sfence.sel $0x180000  }
0x4a: {  	s2 =	simm.s32 $0x2;
	[bflag:$0x0] =	sbarrier.arrive $0xFFFF  }
0x4b: {  	s30 =	simm.s32 $0x3;
	[sflag:s2] =	ssyncpa.u1 $0x1  }
0x4c: {  	s31 =	simm.s32 $0x1;
	[sflag:s30] =	ssyncpa.u1 $0x1  }
0x4d: {  	[sflag:s31] =	ssyncpa.u1 $0x1  }
0x4e: {  	p0 =	sne.s32 s1, $0x0;
	_ =	strace $0x9000004D  }
0x4f: {  	s0 =	sadd.s32 @!p0 $0x100000, s0;
	[bflag:$0x2] =	sbarrier.arrive $0xFFFF  }
0x50: {  	[sflag:s0] =	ssyncadd.tile.s32 @!p0 $0x1;
	_ =	shalt  }
.Lfunc_end2:
_tile_overlayer_lowered:
.L_overlay_start_2:
0x51: {  	(tag) =	ssettag $0x2  }
0x52: {  	s0 =	rddreg [dreg:$0x0];
	s2 =	stileid.u32  }
0x53: {  	s1 =	rddreg [dreg:$0x1];
	p0 =	sne.s32 s2, $0x0  }
0x54: {  	s3 =	rddreg [dreg:$0x2];
	[bflag:$0x3] =	sbarrier.arrive $0xFFFF;
	s2 =	simm.s32 @!p0 $0x1C01  }
0x55: {  	[timem:s3], [sflag:s2] =	dma.local @!p0 [hbm:s0], s1  }
0x56: {  	s0 =	simm.s32 @!p0 $0x1  }
0x57: {  	_ =	swait.ge @!p0 [sflag:s0], s1  }
0x58: {  	s1 =	ssub.s32 @!p0 $0x0, s1;
	[sflag:s0] =	ssyncset.done @!p0 $0x0  }
0x59: {  	[sflag:s0] =	ssyncadd.s32 @!p0 s1  }
0x5a: {  	[bflag:$0x3] =	sbarrier.arrive $0xFFFF  }
0x5b: {  	_ =	shalt  }

// kernel: gather_offload_async_start
scs
__scs_entry_jumppad:
0x0: {  	(pc) =	sbr.rel $0x88, $3  }
0x1: {  	(tag) =	ssettag $0x0;
	lr =	simm.s32 $0x1  }
0x2: {  	[smem:$0x3F94] =	sst lr;
	_ =	strace $0xD0000000  }
0x3: {  	_ = 	snop  }
0x4: {  	_ = 	snop  }
0x5: {  	_ = 	snop  }
0x6: {  	_ = 	snop  }
0x7: {  	_ = 	snop  }
__scs_overlays_trampoline_lowered:
0x8: {  	[smem:$0x3FA3] =	sst s0  }
0x9: {  	[smem:$0x3FA4] =	sst s1  }
0xa: {  	[smem:$0x3FA5] =	sst s2  }
0xb: {  	[smem:$0x3FA6] =	sst s3  }
0xc: {  	[smem:$0x3FA7] =	sst s4  }
0xd: {  	[smem:$0x3FA8] =	sst s5  }
0xe: {  	[smem:$0x3FA9] =	sst s6  }
0xf: {  	[smem:$0x3FAA] =	sst s7  }
0x10: {  	[smem:$0x3FAB] =	sst s8  }
0x11: {  	[smem:$0x3FAC] =	sst s9;
	s0 =	simm.s32 @!p0 $0x0  }
0x12: {  	s1 =	sld [smem:$0x3F92];
	s0 =	simm.s32 @p0 $0x1  }
0x13: {  	[smem:$0x3FAD] =	sst s0;
	s0 =	simm.s32 @!p1 $0x0  }
0x14: {  	s2 =	sld [smem:$0x3F91];
	s0 =	simm.s32 @p1 $0x1  }
0x15: {  	[smem:$0x3FAE] =	sst s0;
	s0 =	simm.s32 @!p2 $0x0  }
0x16: {  	s3 =	sld [smem:$0x3FDB];
	s0 =	simm.s32 @p2 $0x1  }
0x17: {  	s4 =	simm.s32 $0x1BF5;
	[smem:$0x3FB0] =	sst s0  }
0x18: {  	s0 =	sld [smem:$0x3F93];
	_ =	swait.ge [sflag:s4], $0x0  }
0x19: {  	s7 =	sld [smem:$0x3F94]  }
0x1a: {  	s8 =	sadd.s32 $0xFFFFE003, lr  }
0x1b: {  	s9 =	sadd.s32 $0xFFFFFEF7, lr;
	s5 =	simm.s32 $0xFFFFFFFF;
	p2 =	slt.u32 s8, $0xFFFFF086  }
0x1c: {  	p1 =	slt.u32 s9, $0xF7A;
	s5 =	simm.s32 @!p2 $0x0  }
0x1d: {  	s5 =	simm.s32 @p1 $0x1;
	p0 =	seq.s32 s7, s2  }
0x1e: {  	s7 =	smul.u32 @!p0 $0xF7A, s2;
	p2 =	seq.s32 @!p0 s5, $0x0  }
0x1f: {  	s9 =	smul.u32 $0xF7A, s1;
	s8 =	simm.s32 @!p0 $0x1BF5;
	p2 =	por !p2, p0  }
0x20: {  	[sflag:s8] =	ssyncset.s32 @!p0 $0xFFFFF086;
	s6 =	sadd.s32 @!p0 s3, s7;
	s7 =	simm.s32 @!p0 $0x108  }
0x21: {  	s3 =	sadd.s32 s3, s9;
	s6 =	sadd.s32 @!p0 $0x88, s6;
	s7 =	simm.s32 @p2 $0x1082  }
0x22: {  	[simem:s7], [sflag:s8] =	dma.local @!p0 [hbm:s6], $0xF7A  }
0x23: {  	s9 =	sor.u32 $0xD0000000, s2;
	s6 =	simm.s32 $0x108;
	_ =	swait.ge @!p0 [sflag:s8], $0x0  }
0x24: {  	s3 =	sadd.s32 $0x88, s3;
	s6 =	simm.s32 @!p1 $0x1082;
	[sflag:s4] =	ssyncset.s32 $0xFFFFF086  }
0x25: {  	[simem:s6], [sflag:s4] =	dma.local [hbm:s3], $0xF7A  }
0x26: {  	[smem:$0x3F94] =	sst s1;
	(tag) =	ssettag s2;
	_ =	strace s9  }
0x27: {  	s1 =	sld [smem:$0x3FA4]  }
0x28: {  	s2 =	sld [smem:$0x3FA5]  }
0x29: {  	s4 =	sld [smem:$0x3FA7]  }
0x2a: {  	p0 =	seq.s32 s5, $0x0;
	s5 =	sld [smem:$0x3FA8]  }
0x2b: {  	s6 =	sld [smem:$0x3FA9]  }
0x2c: {  	s7 =	sld [smem:$0x3FAA]  }
0x2d: {  	s3 =	simm.s32 $0x108;
	s8 =	sld [smem:$0x3FAB]  }
0x2e: {  	s3 =	simm.s32 @!p0 $0x1082;
	s9 =	sld [smem:$0x3FAC]  }
0x2f: {  	lr =	sadd.s32 s0, s3;
	s0 =	sld [smem:$0x3FA3]  }
0x30: {  	s3 =	sld [smem:$0x3FA6]  }
0x31: {  	[smem:$0x3FAF] =	sst s10  }
0x32: {  	s10 =	sld [smem:$0x3FAD];
	_ =	sdelay $0x3  }
0x33: {  	p0 =	seq.s32 s10, $0x1;
	s10 =	sld [smem:$0x3FAF];
	_ =	sdelay $0x3  }
0x34: {  	[smem:$0x3FAF] =	sst s10  }
0x35: {  	s10 =	sld [smem:$0x3FAE];
	_ =	sdelay $0x3  }
0x36: {  	p1 =	seq.s32 s10, $0x1;
	s10 =	sld [smem:$0x3FAF];
	_ =	sdelay $0x3  }
0x37: {  	[smem:$0x3FAF] =	sst s10  }
0x38: {  	s10 =	sld [smem:$0x3FB0]  }
0x39: {  	_ = 	snop;
	(pc) =	sbr.ind lr, $3  }
0x3a: {  	_ = 	snop  }
0x3b: {  	_ = 	snop  }
0x3c: {  	p2 =	seq.s32 s10, $0x1;
	s10 =	sld [smem:$0x3FAF]  }
0x3d: {  	_ =	shalt  }
0x3e: {  	_ =	shalt  }
0x3f: {  	_ =	shalt  }
0x40: {  	_ =	shalt  }
0x41: {  	_ =	shalt  }
0x42: {  	_ =	shalt  }
0x43: {  	_ =	shalt  }
0x44: {  	_ =	shalt  }
0x45: {  	_ =	shalt  }
0x46: {  	_ =	shalt  }
0x47: {  	_ =	shalt  }
0x48: {  	_ =	shalt  }
0x49: {  	_ =	shalt  }
0x4a: {  	_ =	shalt  }
0x4b: {  	_ =	shalt  }
0x4c: {  	_ =	shalt  }
0x4d: {  	_ =	shalt  }
0x4e: {  	_ =	shalt  }
0x4f: {  	_ =	shalt  }
0x50: {  	_ =	shalt  }
0x51: {  	_ =	shalt  }
0x52: {  	_ =	shalt  }
0x53: {  	_ =	shalt  }
0x54: {  	_ =	shalt  }
0x55: {  	_ =	shalt  }
0x56: {  	_ =	shalt  }
0x57: {  	_ =	shalt  }
0x58: {  	_ =	shalt  }
0x59: {  	_ =	shalt  }
0x5a: {  	_ =	shalt  }
0x5b: {  	_ =	shalt  }
0x5c: {  	_ =	shalt  }
0x5d: {  	_ =	shalt  }
0x5e: {  	_ =	shalt  }
0x5f: {  	_ =	shalt  }
0x60: {  	_ =	shalt  }
0x61: {  	_ =	shalt  }
0x62: {  	_ =	shalt  }
0x63: {  	_ =	shalt  }
0x64: {  	_ =	shalt  }
0x65: {  	_ =	shalt  }
0x66: {  	_ =	shalt  }
0x67: {  	_ =	shalt  }
0x68: {  	_ =	shalt  }
0x69: {  	_ =	shalt  }
0x6a: {  	_ =	shalt  }
0x6b: {  	_ =	shalt  }
0x6c: {  	_ =	shalt  }
0x6d: {  	_ =	shalt  }
0x6e: {  	_ =	shalt  }
0x6f: {  	_ =	shalt  }
0x70: {  	_ =	shalt  }
0x71: {  	_ =	shalt  }
0x72: {  	_ =	shalt  }
0x73: {  	_ =	shalt  }
0x74: {  	_ =	shalt  }
0x75: {  	_ =	shalt  }
0x76: {  	_ =	shalt  }
0x77: {  	_ =	shalt  }
0x78: {  	_ =	shalt  }
0x79: {  	_ =	shalt  }
0x7a: {  	_ =	shalt  }
0x7b: {  	_ =	shalt  }
0x7c: {  	_ =	shalt  }
0x7d: {  	_ =	shalt  }
0x7e: {  	_ =	shalt  }
0x7f: {  	_ =	shalt  }
0x80: {  	_ =	shalt  }
0x81: {  	_ =	shalt  }
0x82: {  	_ =	shalt  }
0x83: {  	_ =	shalt  }
0x84: {  	_ =	shalt  }
0x85: {  	_ =	shalt  }
0x86: {  	_ =	shalt  }
0x87: {  	_ =	shalt  }
.Lfunc_end0:
.L_simem_size_0:
called_computation.3_lowered:
.L_overlay_start_0:
0x88: {  	s2 =	sld [smem:$0x3FD9]  }
0x89: {  	s3 =	sld [smem:$0x3FFE];
	_ =	sdelay $0x1  }
0x8a: {  	s1 =	srdreg.scid  }
0x8b: {  	s0 =	sand.u32 $0x1, s1  }
0x8c: {  	s17 =	sshll.u32 s0, $0xA;
	s2 =	sadd.s32 s3, s2  }
0x8d: {  	s2 =	sadd.s32 s2, s17  }
0x8e: {  	[smem:$0x3FBB] =	sst s2  }
0x8f: {  	_ = 	snop  }
0x90: {  	(tm) =	ssettm $0x1  }
0x91: {  	s18 =	sld [smem:$0x3FFB];
	_ =	sdelay $0x3  }
0x92: {  	_ =	strace s18  }
0x93: {  	s2 =	sld [smem:$0x3FFC];
	_ =	sdelay $0x3  }
0x94: {  	_ =	strace s2  }
0x95: {  	s2 =	sld [smem:$0x3FFD];
	_ =	sdelay $0x3  }
0x96: {  	_ =	strace s2  }
0x97: {  	_ =	strace $0x8FFFFFFF  }
0x98: {  	s19 =	sld [smem:$0x3FDB];
	_ =	sdelay $0x1  }
0x99: {  	s20 =	simm.s32 $_scs_section_size  }
0x9a: {  	s4 =	simm.s32 $_size__tile_overlayer_lowered;
	s5 =	simm.s32 $_tile_overlayer_lowered  }
0x9b: {  	s6 =	simm.s32 $0x1BFF;
	s21 =	sshll.u32 s5, $0x1;
	s3 =	sadd.s32 s20, s19  }
0x9c: {  	s22 =	simm.s32 $0x0;
	s4 =	sshll.u32 s4, $0x1;
	s5 =	sadd.s32 s21, s3  }
0x9d: {  	[timem:s22], [sflag:s6] =	dma.local [hbm:s5], s4  }
0x9e: {  	_ =	swait.ge [sflag:s6], s4  }
0x9f: {  	s4 =	ssub.s32 $0x0, s4;
	[sflag:s6] =	ssyncset.done $0x0  }
0xa0: {  	[sflag:s6] =	ssyncadd.s32 s4;
	_ =	sdelay $0x1  }
0xa1: {  	s23 =	simm.s32 $0x1B8B  }
0xa2: {  	_ =	swait.ge [sflag:s23], $0x1  }
0xa3: {  	[sflag:s23] =	ssyncset.done $0x0  }
0xa4: {  	[sflag:s23] =	ssyncadd.s32 $0xFFFFFFFF  }
0xa5: {  	s4 =	sld [smem:$0x0]  }
0xa6: {  	s5 =	sand.u32 $0xFFFFFFFE, s1  }
0xa7: {  	p0 =	sne.s32 s1, s5  }
0xa8: {  	s5 =	sshll.u32 @p0 s5, $0xE  }
0xa9: {  	s5 =	sadd.s32 @p0 $0x11B8D, s5;
	s6 =	sshll.u32 @p0 s4, $0x11  }
0xaa: {  	s5 =	sor.u32 @p0 s6, s5  }
0xab: {  	[sflag:s5] =	ssyncadd.remote.s32 @p0 $0x1;
	_ =	sdelay $0x1  }
0xac: {  	s5 =	simm.s32 @p0 $0x1B8D  }
0xad: {  	_ =	swait.eq @p0 [sflag:s5], $0x1  }
0xae: {  	[sflag:s5] =	ssyncadd.s32 @p0 $0xFFFFFFFF  }
0xaf: {  	s6 =	sshll.u32 @!p0 s1, $0xE  }
0xb0: {  	s6 =	sor.u32 @!p0 $0x4000, s6;
	s5 =	simm.s32 @!p0 $0x1B8D  }
0xb1: {  	s4 =	sshll.u32 @!p0 s4, $0x11;
	s6 =	sadd.s32 @!p0 $0x11B8D, s6;
	_ =	swait.eq @!p0 [sflag:s5], $0x1  }
0xb2: {  	s4 =	sor.u32 @!p0 s4, s6;
	[sflag:s5] =	ssyncadd.s32 @!p0 $0xFFFFFFFF  }
0xb3: {  	s25 =	simm.s32 $0x1B8E;
	s24 =	sld [smem:$0x3FFE];
	[sflag:s4] =	ssyncadd.remote.s32 @!p0 $0x1  }
0xb4: {  	s26 =	simm.s32 $execute0_lowered;
	[smem:$0x3FD2] =	sst s25  }
0xb5: {  	s5 =	sshll.u32 s26, $0x1;
	_ =	strace $0x8000004F;
	[dreg:$0x1] =	wrdreg $0xFFFFFFFF  }
0xb6: {  	s28 =	simm.s32 $_size_execute0_lowered;
	s3 =	sadd.s32 s3, s5;
	[dreg:$0x0] =	wrdreg $0x0  }
0xb7: {  	s5 =	sshll.u32 s28, $0x1;
	[dreg:$0x2] =	wrdreg s3  }
0xb8: {  	[dreg:$0x3] =	wrdreg s5  }
0xb9: {  	[dreg:$0x4] =	wrdreg $0xC0  }
0xba: {  	_ =	task [dreg:s22], $0x5FFFF  }
0xbb: {  	[dreg:$0x1] =	wrdreg $0xFFFFFFFF  }
0xbc: {  	[dreg:$0x0] =	wrdreg $0x60  }
0xbd: {  	[dreg:$0x2] =	wrdreg s24  }
0xbe: {  	[dreg:$0x3] =	wrdreg $0x9  }
0xbf: {  	_ =	task.clear_ibuf [dreg:s22], $0x4FFFF;
	_ =	strace $0x9000004F  }
0xc0: {  	s29 =	simm.s32 $0x9;
	_ =	strace $0x80000051  }
0xc1: {  	_ =	swait.ge [sflag:s29], $0x1  }
0xc2: {  	[sflag:s29] =	ssyncadd.s32 $0xFFFFFFFF  }
0xc3: {  	_ =	strace $0x90000051  }
0xc4: {  	_ =	sfence  }
0xc5: {  	s30 =	sld [smem:$0x0];
	_ =	sdelay $0x2  }
0xc6: {  	s31 =	sshll.u32 s1, $0xD;
	s1 =	sshrl.u32 s1, $0x2  }
0xc7: {  	s4 =	sand.u32 $0x4000, s31;
	s1 =	sadd.s32 s1, s30  }
0xc8: {  	s0 =	sor.u32 s4, s0;
	s1 =	sshll.u32 s1, $0x11  }
0xc9: {  	s0 =	sor.u32 s1, s0  }
0xca: {  	s0 =	sadd.s32 $0x8F2B, s0  }
0xcb: {  	[sflag:s0] =	ssyncadd.remote.s32 $0x1  }
0xcc: {  	_ =	sfence.sel $0xFFFF  }
0xcd: {  	[dreg:$0x0] =	wrdreg $0xFFFFFFFF;
	(pc) =	sbr.abs _section_cstart, $3  }
0xce: {  	[dreg:$0x1] =	wrdreg $0xFFFFFFFF  }
0xcf: {  	_ =	task.clear_ibuf [dreg:s22], $0x2FFFF;
	_ =	strace $0x9FFFFFFF  }
0xd0: {  	(tm) =	ssettm $0x7FFFFFFF  }
0xd1: {  	_ =	shalt  }
tec
execute0_lowered:
.L_overlay_start_1:
0x0: {  	(tag) =	ssettag $0x1  }
0x1: {  	s8 =	rddreg [dreg:$0x0];
	s1 =	stileid.u32  }
0x2: {  	s2 =	srdreg.scid;
	s0 =	rddreg [dreg:$0x1]  }
0x3: {  	_ =	strace $0x80000050;
	s5 =	simm.s32 $0x1;
	s9 =	simm.s32 $0x1  }
0x4: {  	s10 =	simm.s32 $0x3;
	s2 =	sand.u32 $0x1, s2;
	s3 =	sshll.u32 s1, $0x1  }
0x5: {  	s13 =	simm.s32 $0x0;
	s12 =	simm.s32 $0x0;
	s6 =	sor.u32 s3, s2  }
0x6: {  	[sflag:s5] =	ssyncpa.u1 $0x0;
	s2 =	sadd.s32 $0x143B800, s8;
	s4 =	smul.u32 $0x4E20, s6  }
0x7: {  	s3 =	sadd.s32 $0xF7A00, s8;
	p0 =	slt.u32 s6, $0x9;
	s6 =	simm.s32 $0x9C400  }
.Ltmp0:
0x8: {  	s6 =	simm.s32 @!p0 $0x0;
	s7 =	ssub.s32 $0xC3500, s4;
	(pc) =	sbr.rel .LBB2_1-.Ltmp0, $4  }
0x9: {  	s9 =	simm.s32 @!p0 $0x0;
	p0 =	sne.s32 s7, s6;
	s7 =	simm.s32 $0x1  }
0xa: {  	s8 =	sadd.s32 $0x1390A00, s8;
	s6 =	simm.s32 $0x2;
	s7 =	simm.s32 @!p0 $0x0  }
0xb: {  	s11 =	smov.u32 s4;
	[sflag:s6] =	ssyncpa.u1 $0x0;
	s7 =	sadd.s32 s9, s7  }
0xc: {  	vm0 =	vmmov $0xffff;
	[sflag:s10] =	ssyncpa.u1 $0x0;
	s10 =	simm.s32 $0x0;
	s9 =	sadd.s32 $0x1, s7  }
.LBB2_4:
0xd: {  	vm1 =	veq.s32 v0, $0x80000000;
	v63 =	vand.u32 $0xFFFF, v0;
	v2 =	vand.u32 $0xFF, v2  }
0xe: {  	v0 =	vsel vm1, $0xFFFFFFFF, v63;
	v2 =	vsel vm1, $0xFFFFFFFF, v2  }
0xf: {  	v3 =	vshll.u32 v0, $0x8;
	v4 =	vshll.u32 v2, $0x3  }
0x10: {  	v0 =	vshll.u32 v0, $0x7;
	v3 =	vand.u32 $0xFFFFF800, v3;
	v4 =	vand.u32 $0xFFFFFC00, v4  }
0x11: {  	v0 =	vand.u32 $0x380, v0;
	v3 =	vadd.s32 v3, v4  }
0x12: {  	v2 =	vand.u32 $0x7F, v2;
	v0 =	vor.u32 v0, v3  }
0x13: {  	v0 =	vor.u32 v2, v0;
	_ =	sdelay $0x1  }
0x14: {  	(ifvalue) =	ssetifvalue $0x7FFFFFFF;
	s15 =	sadd.s32 $0x10, s15  }
0x15: {  	[tilespmem:s15], [sflag:$0x1] =	stream.indirect_vreg.gather [hbm4b:s2+s10], $0x1, v1, vm0, $0x4038;
	[tilespmem:$0x13880] =	vst v63  }
0x16: {  	(ifvalue) =	ssetifvalue $0x7FFFFFFF;
	s15 =	sadd.s32 $0x10, s15  }
0x17: {  	[tilespmem:s15], [sflag:$0x1] =	stream.indirect_vreg.gather [hbm4b:s2+s10], $0x1, v0, vm0, $0x4038;
	[tilespmem:$0x13880] =	vst v63  }
0x18: {  	_ =	swait.ge [sflag:s5], $0x4E20  }
0x19: {  	s30 =	sshrl.u32 s13, $0x3;
	[sflag:s5] =	ssyncset.done $0x0  }
0x1a: {  	s31 =	sand.u32 $0x7, s13;
	s15 =	sadd.s32 s8, s30;
	[sflag:s5] =	ssyncadd.s32 $0xFFFFB1E0  }
0x1b: {  	[hbm4b:s15+s31] =	stream.linear.scatter [tilespmem:s14], [sflag:$0x3], $0x4E20, $0x38;
	[tilespmem:$0x13880] =	vst v63  }
.LBB2_5:
0x1c: {  	s15 =	sadd.s32 $0x9C400, s11  }
0x1d: {  	p1 =	sgt.s32 s15, $0xC34FF  }
0x1e: {  	s15 =	smov.u32 @p1 s4;
	p1 =	sne.s32 s12, s9  }
.Ltmp1:
0x1f: {  	p0 =	slt.u32 s12, $0x2;
	(pc) =	sbr.rel @!p1 .LBB2_6-.Ltmp1, $4  }
0x20: {  	s14 =	simm.s32 @!p0 $0x3  }
0x21: {  	_ =	swait.ge @!p0 [sflag:s14], $0x4E20  }
0x22: {  	s16 =	sadd.s32 $0x1, s12;
	s13 =	smov.u32 s11;
	[sflag:s14] =	ssyncset.done @!p0 $0x0  }
0x23: {  	s12 =	smov.u32 s16;
	s11 =	smov.u32 s15;
	[sflag:s14] =	ssyncadd.s32 @!p0 $0xFFFFB1E0  }
.LBB2_1:
0x24: {  	p0 =	sge.u32 s12, s7  }
0x25: {  	s14 =	sxor.u32 @!p0 $0x1, s12  }
0x26: {  	s14 =	smul.u32 @!p0 $0x13880, s14  }
0x27: {  	s31 =	sadd.s32 $0xFFFFFFFF, s12;
	s15 =	sshrl.u32 @!p0 s11, $0x3  }
0x28: {  	s16 =	sand.u32 @!p0 $0x7, s11;
	s15 =	sadd.s32 @!p0 s3, s15;
	s14 =	sshra.s32 @!p0 s14, $0x2  }
0x29: {  	[tilespmem:s14], [sflag:$0x2] =	stream.linear.gather @!p0 [hbm4b:s15+s16], $0x4E20, $0x38;
	[tilespmem:$0x13880] =	vst v63  }
0x2a: {  	p0 =	sge.u32 s31, s7  }
.Ltmp2:
0x2b: {  	_ = 	snop;
	(pc) =	sbr.rel @p0 .LBB2_5-.Ltmp2, $1  }
0x2c: {  	_ =	sdelay $0x3  }
0x2d: {  	s14 =	sand.u32 $0x1, s12  }
0x2e: {  	_ =	swait.ge [sflag:s6], $0x4E20;
	p0 =	seq.s32 s14, $0x1;
	s14 =	simm.s32 $0x4E20  }
0x2f: {  	[sflag:s6] =	ssyncset.done $0x0;
	s14 =	simm.s32 @!p0 $0x0  }
0x30: {  	[sflag:s6] =	ssyncadd.s32 $0xFFFFB1E0;
	(ifvalue) =	ssetifvalue $0x7FFFFFFF;
	v0 =	vld.msk [tilespmem:s14+$0x0 ss:$0x1], $0xffff;
	_ =	sdelay $0x3  }
0x31: {  	s15 =	sadd.s32 $0x10, s14  }
0x32: {  	v2 =	vld.msk [tilespmem:s15+$0x0 ss:$0x1], $0xffff;
	v1 =	vshrl.u32 v0, $0x10  }
0x33: {  	vm1 =	veq.s32 v0, $0x80000000;
	v0 =	vand.u32 $0xFFFF, v0;
	v1 =	vand.u32 $0xFF, v1  }
0x34: {  	v0 =	vsel vm1, $0xFFFFFFFF, v0;
	v1 =	vsel vm1, $0xFFFFFFFF, v1  }
0x35: {  	v3 =	vshll.u32 v0, $0x8;
	v4 =	vshll.u32 v1, $0x3  }
0x36: {  	v0 =	vshll.u32 v0, $0x7;
	v3 =	vand.u32 $0xFFFFF800, v3;
	v4 =	vand.u32 $0xFFFFFC00, v4  }
0x37: {  	vm1 =	veq.s32 v2, $0x80000000;
	v0 =	vand.u32 $0x380, v0;
	v3 =	vadd.s32 v3, v4  }
0x38: {  	v1 =	vand.u32 $0x7F, v1;
	v0 =	vor.u32 v0, v3;
	v3 =	vshrl.u32 v2, $0x10  }
0x39: {  	s15 =	sadd.s32 $0x10, s15;
	v2 =	vand.u32 $0xFFFF, v2;
	v1 =	vor.u32 v1, v0;
	v3 =	vand.u32 $0xFF, v3  }
0x3a: {  	v0 =	vld.msk [tilespmem:s15+$0x0 ss:$0x1], $0xffff;
	v2 =	vsel vm1, $0xFFFFFFFF, v2;
	v3 =	vsel vm1, $0xFFFFFFFF, v3  }
0x3b: {  	v63 =	vshll.u32 v2, $0x8;
	v5 =	vshll.u32 v3, $0x3  }
0x3c: {  	v2 =	vshll.u32 v2, $0x7;
	v4 =	vand.u32 $0xFFFFF800, v63;
	v5 =	vand.u32 $0xFFFFFC00, v5  }
0x3d: {  	s14 =	sadd.s32 $0x9C40, s14;
	(ifvalue) =	ssetifvalue $0x7FFFFFFF;
	v2 =	vand.u32 $0x380, v2;
	v4 =	vadd.s32 v4, v5  }
0x3e: {  	[tilespmem:s14], [sflag:$0x1] =	stream.indirect_vreg.gather [hbm4b:s2+s10], $0x1, v1, vm0, $0x4038;
	v1 =	vand.u32 $0x7F, v3;
	v3 =	vor.u32 v2, v4;
	[tilespmem:$0x13880] =	vst v63  }
0x3f: {  	s16 =	simm.s32 $0x20;
	s17 =	sadd.s32 $0x10, s15;
	s15 =	smov.u32 s14;
	v2 =	vshrl.u32 v0, $0x10;
	v1 =	vor.u32 v1, v3  }
.LBB2_3:
0x40: {  	s16 =	sadd.s32 $0x10, s16;
	vm1 =	veq.s32 v0, $0x80000000;
	v3 =	vand.u32 $0xFFFF, v0;
	v0 =	vld.msk [tilespmem:s17+$0x0 ss:$0x1], $0xffff;
	v2 =	vand.u32 $0xFF, v2  }
0x41: {  	p0 =	slt.u32 s16, $0x4E10;
	v3 =	vsel vm1, $0xFFFFFFFF, v3;
	v2 =	vsel vm1, $0xFFFFFFFF, v2  }
.Ltmp3:
0x42: {  	v4 =	vshll.u32 v3, $0x8;
	v5 =	vshll.u32 v2, $0x3;
	(pc) =	sbr.rel @p0 .LBB2_3-.Ltmp3, $4  }
0x43: {  	s15 =	sadd.s32 $0x10, s15;
	v3 =	vshll.u32 v3, $0x7;
	v4 =	vand.u32 $0xFFFFF800, v4;
	v5 =	vand.u32 $0xFFFFFC00, v5;
	(ifvalue) =	ssetifvalue $0x7FFFFFFF  }
0x44: {  	v3 =	vand.u32 $0x380, v3;
	v4 =	vadd.s32 v4, v5;
	[tilespmem:s15], [sflag:$0x1] =	stream.indirect_vreg.gather [hbm4b:s2+s10], $0x1, v1, vm0, $0x4038;
	[tilespmem:$0x13880] =	vst v63  }
0x45: {  	v1 =	vand.u32 $0x7F, v2;
	v3 =	vor.u32 v3, v4  }
0x46: {  	s17 =	sadd.s32 $0x10, s17;
	v2 =	vshrl.u32 v0, $0x10;
	v1 =	vor.u32 v1, v3  }
.Ltmp4:
0x47: {  	_ = 	snop;
	(pc) =	sbr.rel .LBB2_4-.Ltmp4, $1  }
0x48: {  	_ =	sdelay $0x3  }
.LBB2_6:
0x49: {  	_ =	sfence.sel $0x180000  }
0x4a: {  	s2 =	simm.s32 $0x2;
	[bflag:$0x0] =	sbarrier.arrive $0xFFFF  }
0x4b: {  	s30 =	simm.s32 $0x3;
	[sflag:s2] =	ssyncpa.u1 $0x1  }
0x4c: {  	s31 =	simm.s32 $0x1;
	[sflag:s30] =	ssyncpa.u1 $0x1  }
0x4d: {  	[sflag:s31] =	ssyncpa.u1 $0x1  }
0x4e: {  	p0 =	sne.s32 s1, $0x0;
	_ =	strace $0x90000050  }
0x4f: {  	s0 =	sadd.s32 @!p0 $0x100000, s0;
	[bflag:$0x2] =	sbarrier.arrive $0xFFFF  }
0x50: {  	[sflag:s0] =	ssyncadd.tile.s32 @!p0 $0x1;
	_ =	shalt  }
.Lfunc_end2:
_tile_overlayer_lowered:
.L_overlay_start_2:
0x51: {  	(tag) =	ssettag $0x2  }
0x52: {  	s0 =	rddreg [dreg:$0x0];
	s2 =	stileid.u32  }
0x53: {  	s1 =	rddreg [dreg:$0x1];
	p0 =	sne.s32 s2, $0x0  }
0x54: {  	s3 =	rddreg [dreg:$0x2];
	[bflag:$0x3] =	sbarrier.arrive $0xFFFF;
	s2 =	simm.s32 @!p0 $0x1C01  }
0x55: {  	[timem:s3], [sflag:s2] =	dma.local @!p0 [hbm:s0], s1  }
0x56: {  	s0 =	simm.s32 @!p0 $0x1  }
0x57: {  	_ =	swait.ge @!p0 [sflag:s0], s1  }
0x58: {  	s1 =	ssub.s32 @!p0 $0x0, s1;
	[sflag:s0] =	ssyncset.done @!p0 $0x0  }
0x59: {  	[sflag:s0] =	ssyncadd.s32 @!p0 s1  }
0x5a: {  	[bflag:$0x3] =	sbarrier.arrive $0xFFFF  }
0x5b: {  	_ =	shalt  }

// kernel: kernel.7.cloned.1.call-start
scs
__scs_entry_jumppad:
0x0: {  	(pc) =	sbr.rel $0x88, $3  }
0x1: {  	(tag) =	ssettag $0x0;
	lr =	simm.s32 $0x1  }
0x2: {  	[smem:$0x3F94] =	sst lr;
	_ =	strace $0xD0000000  }
0x3: {  	_ = 	snop  }
0x4: {  	_ = 	snop  }
0x5: {  	_ = 	snop  }
0x6: {  	_ = 	snop  }
0x7: {  	_ = 	snop  }
__scs_overlays_trampoline_lowered:
0x8: {  	[smem:$0x3FA3] =	sst s0  }
0x9: {  	[smem:$0x3FA4] =	sst s1  }
0xa: {  	[smem:$0x3FA5] =	sst s2  }
0xb: {  	[smem:$0x3FA6] =	sst s3  }
0xc: {  	[smem:$0x3FA7] =	sst s4  }
0xd: {  	[smem:$0x3FA8] =	sst s5  }
0xe: {  	[smem:$0x3FA9] =	sst s6  }
0xf: {  	[smem:$0x3FAA] =	sst s7  }
0x10: {  	[smem:$0x3FAB] =	sst s8  }
0x11: {  	[smem:$0x3FAC] =	sst s9;
	s0 =	simm.s32 @!p0 $0x0  }
0x12: {  	s1 =	sld [smem:$0x3F92];
	s0 =	simm.s32 @p0 $0x1  }
0x13: {  	[smem:$0x3FAD] =	sst s0;
	s0 =	simm.s32 @!p1 $0x0  }
0x14: {  	s2 =	sld [smem:$0x3F91];
	s0 =	simm.s32 @p1 $0x1  }
0x15: {  	[smem:$0x3FAE] =	sst s0;
	s0 =	simm.s32 @!p2 $0x0  }
0x16: {  	s3 =	sld [smem:$0x3FDB];
	s0 =	simm.s32 @p2 $0x1  }
0x17: {  	s4 =	simm.s32 $0x1BF5;
	[smem:$0x3FB0] =	sst s0  }
0x18: {  	s0 =	sld [smem:$0x3F93];
	_ =	swait.ge [sflag:s4], $0x0  }
0x19: {  	s7 =	sld [smem:$0x3F94]  }
0x1a: {  	s8 =	sadd.s32 $0xFFFFE003, lr  }
0x1b: {  	s9 =	sadd.s32 $0xFFFFFEF7, lr;
	s5 =	simm.s32 $0xFFFFFFFF;
	p2 =	slt.u32 s8, $0xFFFFF086  }
0x1c: {  	p1 =	slt.u32 s9, $0xF7A;
	s5 =	simm.s32 @!p2 $0x0  }
0x1d: {  	s5 =	simm.s32 @p1 $0x1;
	p0 =	seq.s32 s7, s2  }
0x1e: {  	s7 =	smul.u32 @!p0 $0xF7A, s2;
	p2 =	seq.s32 @!p0 s5, $0x0  }
0x1f: {  	s9 =	smul.u32 $0xF7A, s1;
	s8 =	simm.s32 @!p0 $0x1BF5;
	p2 =	por !p2, p0  }
0x20: {  	[sflag:s8] =	ssyncset.s32 @!p0 $0xFFFFF086;
	s6 =	sadd.s32 @!p0 s3, s7;
	s7 =	simm.s32 @!p0 $0x108  }
0x21: {  	s3 =	sadd.s32 s3, s9;
	s6 =	sadd.s32 @!p0 $0x88, s6;
	s7 =	simm.s32 @p2 $0x1082  }
0x22: {  	[simem:s7], [sflag:s8] =	dma.local @!p0 [hbm:s6], $0xF7A  }
0x23: {  	s9 =	sor.u32 $0xD0000000, s2;
	s6 =	simm.s32 $0x108;
	_ =	swait.ge @!p0 [sflag:s8], $0x0  }
0x24: {  	s3 =	sadd.s32 $0x88, s3;
	s6 =	simm.s32 @!p1 $0x1082;
	[sflag:s4] =	ssyncset.s32 $0xFFFFF086  }
0x25: {  	[simem:s6], [sflag:s4] =	dma.local [hbm:s3], $0xF7A  }
0x26: {  	[smem:$0x3F94] =	sst s1;
	(tag) =	ssettag s2;
	_ =	strace s9  }
0x27: {  	s1 =	sld [smem:$0x3FA4]  }
0x28: {  	s2 =	sld [smem:$0x3FA5]  }
0x29: {  	s4 =	sld [smem:$0x3FA7]  }
0x2a: {  	p0 =	seq.s32 s5, $0x0;
	s5 =	sld [smem:$0x3FA8]  }
0x2b: {  	s6 =	sld [smem:$0x3FA9]  }
0x2c: {  	s7 =	sld [smem:$0x3FAA]  }
0x2d: {  	s3 =	simm.s32 $0x108;
	s8 =	sld [smem:$0x3FAB]  }
0x2e: {  	s3 =	simm.s32 @!p0 $0x1082;
	s9 =	sld [smem:$0x3FAC]  }
0x2f: {  	lr =	sadd.s32 s0, s3;
	s0 =	sld [smem:$0x3FA3]  }
0x30: {  	s3 =	sld [smem:$0x3FA6]  }
0x31: {  	[smem:$0x3FAF] =	sst s10  }
0x32: {  	s10 =	sld [smem:$0x3FAD];
	_ =	sdelay $0x3  }
0x33: {  	p0 =	seq.s32 s10, $0x1;
	s10 =	sld [smem:$0x3FAF];
	_ =	sdelay $0x3  }
0x34: {  	[smem:$0x3FAF] =	sst s10  }
0x35: {  	s10 =	sld [smem:$0x3FAE];
	_ =	sdelay $0x3  }
0x36: {  	p1 =	seq.s32 s10, $0x1;
	s10 =	sld [smem:$0x3FAF];
	_ =	sdelay $0x3  }
0x37: {  	[smem:$0x3FAF] =	sst s10  }
0x38: {  	s10 =	sld [smem:$0x3FB0]  }
0x39: {  	_ = 	snop;
	(pc) =	sbr.ind lr, $3  }
0x3a: {  	_ = 	snop  }
0x3b: {  	_ = 	snop  }
0x3c: {  	p2 =	seq.s32 s10, $0x1;
	s10 =	sld [smem:$0x3FAF]  }
0x3d: {  	_ =	shalt  }
0x3e: {  	_ =	shalt  }
0x3f: {  	_ =	shalt  }
0x40: {  	_ =	shalt  }
0x41: {  	_ =	shalt  }
0x42: {  	_ =	shalt  }
0x43: {  	_ =	shalt  }
0x44: {  	_ =	shalt  }
0x45: {  	_ =	shalt  }
0x46: {  	_ =	shalt  }
0x47: {  	_ =	shalt  }
0x48: {  	_ =	shalt  }
0x49: {  	_ =	shalt  }
0x4a: {  	_ =	shalt  }
0x4b: {  	_ =	shalt  }
0x4c: {  	_ =	shalt  }
0x4d: {  	_ =	shalt  }
0x4e: {  	_ =	shalt  }
0x4f: {  	_ =	shalt  }
0x50: {  	_ =	shalt  }
0x51: {  	_ =	shalt  }
0x52: {  	_ =	shalt  }
0x53: {  	_ =	shalt  }
0x54: {  	_ =	shalt  }
0x55: {  	_ =	shalt  }
0x56: {  	_ =	shalt  }
0x57: {  	_ =	shalt  }
0x58: {  	_ =	shalt  }
0x59: {  	_ =	shalt  }
0x5a: {  	_ =	shalt  }
0x5b: {  	_ =	shalt  }
0x5c: {  	_ =	shalt  }
0x5d: {  	_ =	shalt  }
0x5e: {  	_ =	shalt  }
0x5f: {  	_ =	shalt  }
0x60: {  	_ =	shalt  }
0x61: {  	_ =	shalt  }
0x62: {  	_ =	shalt  }
0x63: {  	_ =	shalt  }
0x64: {  	_ =	shalt  }
0x65: {  	_ =	shalt  }
0x66: {  	_ =	shalt  }
0x67: {  	_ =	shalt  }
0x68: {  	_ =	shalt  }
0x69: {  	_ =	shalt  }
0x6a: {  	_ =	shalt  }
0x6b: {  	_ =	shalt  }
0x6c: {  	_ =	shalt  }
0x6d: {  	_ =	shalt  }
0x6e: {  	_ =	shalt  }
0x6f: {  	_ =	shalt  }
0x70: {  	_ =	shalt  }
0x71: {  	_ =	shalt  }
0x72: {  	_ =	shalt  }
0x73: {  	_ =	shalt  }
0x74: {  	_ =	shalt  }
0x75: {  	_ =	shalt  }
0x76: {  	_ =	shalt  }
0x77: {  	_ =	shalt  }
0x78: {  	_ =	shalt  }
0x79: {  	_ =	shalt  }
0x7a: {  	_ =	shalt  }
0x7b: {  	_ =	shalt  }
0x7c: {  	_ =	shalt  }
0x7d: {  	_ =	shalt  }
0x7e: {  	_ =	shalt  }
0x7f: {  	_ =	shalt  }
0x80: {  	_ =	shalt  }
0x81: {  	_ =	shalt  }
0x82: {  	_ =	shalt  }
0x83: {  	_ =	shalt  }
0x84: {  	_ =	shalt  }
0x85: {  	_ =	shalt  }
0x86: {  	_ =	shalt  }
0x87: {  	_ =	shalt  }
.Lfunc_end0:
.L_simem_size_0:
called_computation.5_lowered:
.L_overlay_start_0:
0x88: {  	s2 =	sld [smem:$0x3FD9]  }
0x89: {  	s3 =	sld [smem:$0x3FFE];
	_ =	sdelay $0x1  }
0x8a: {  	s1 =	srdreg.scid  }
0x8b: {  	s0 =	sand.u32 $0x1, s1  }
0x8c: {  	s16 =	sshll.u32 s0, $0xA;
	s2 =	sadd.s32 s3, s2  }
0x8d: {  	s2 =	sadd.s32 s2, s16  }
0x8e: {  	[smem:$0x3FBB] =	sst s2  }
0x8f: {  	_ = 	snop  }
0x90: {  	(tm) =	ssettm $0x1  }
0x91: {  	s17 =	sld [smem:$0x3FFB];
	_ =	sdelay $0x3  }
0x92: {  	_ =	strace s17  }
0x93: {  	s2 =	sld [smem:$0x3FFC];
	_ =	sdelay $0x3  }
0x94: {  	_ =	strace s2  }
0x95: {  	s2 =	sld [smem:$0x3FFD];
	_ =	sdelay $0x3  }
0x96: {  	_ =	strace s2  }
0x97: {  	_ =	strace $0x8FFFFFFF  }
0x98: {  	s18 =	sld [smem:$0x3FDB];
	_ =	sdelay $0x1  }
0x99: {  	s19 =	simm.s32 $_scs_section_size  }
0x9a: {  	s4 =	simm.s32 $_size__tile_overlayer_lowered;
	s5 =	simm.s32 $_tile_overlayer_lowered  }
0x9b: {  	s22 =	simm.s32 $0x1BFF;
	s21 =	sshll.u32 s5, $0x1;
	s2 =	sadd.s32 s19, s18  }
0x9c: {  	s6 =	simm.s32 $0x0;
	s20 =	sshll.u32 s4, $0x1;
	s4 =	sadd.s32 s21, s2  }
0x9d: {  	[timem:s6], [sflag:s22] =	dma.local [hbm:s4], s20  }
0x9e: {  	_ =	swait.ge [sflag:s22], s20  }
0x9f: {  	s3 =	ssub.s32 $0x0, s20;
	[sflag:s22] =	ssyncset.done $0x0  }
0xa0: {  	[sflag:s22] =	ssyncadd.s32 s3;
	_ =	sdelay $0x1  }
0xa1: {  	s23 =	simm.s32 $0x1B8B  }
0xa2: {  	_ =	swait.ge [sflag:s23], $0x1  }
0xa3: {  	[sflag:s23] =	ssyncset.done $0x0  }
0xa4: {  	s25 =	simm.s32 $0x1B8E;
	s24 =	sld [smem:$0x3FFE];
	[sflag:s23] =	ssyncadd.s32 $0xFFFFFFFF  }
0xa5: {  	s26 =	simm.s32 $execute0_lowered;
	[smem:$0x3FD2] =	sst s25  }
0xa6: {  	s4 =	sshll.u32 s26, $0x1;
	_ =	strace $0x80000055;
	[dreg:$0x1] =	wrdreg $0xFFFFFFFF  }
0xa7: {  	s28 =	simm.s32 $_size_execute0_lowered;
	s2 =	sadd.s32 s2, s4;
	[dreg:$0x0] =	wrdreg $0x0  }
0xa8: {  	s4 =	sshll.u32 s28, $0x1;
	[dreg:$0x2] =	wrdreg s2  }
0xa9: {  	[dreg:$0x3] =	wrdreg s4  }
0xaa: {  	[dreg:$0x4] =	wrdreg $0xC0  }
0xab: {  	_ =	task [dreg:s6], $0x5FFFF  }
0xac: {  	[dreg:$0x1] =	wrdreg $0xFFFFFFFF  }
0xad: {  	[dreg:$0x0] =	wrdreg $0x60  }
0xae: {  	[dreg:$0x2] =	wrdreg s24  }
0xaf: {  	[dreg:$0x3] =	wrdreg $0x9  }
0xb0: {  	_ =	task.clear_ibuf [dreg:s6], $0x4FFFF;
	_ =	strace $0x90000055  }
0xb1: {  	s29 =	simm.s32 $0x9;
	_ =	strace $0x80000057  }
0xb2: {  	_ =	swait.ge [sflag:s29], $0x1  }
0xb3: {  	[sflag:s29] =	ssyncadd.s32 $0xFFFFFFFF  }
0xb4: {  	_ =	strace $0x90000057  }
0xb5: {  	_ =	sfence  }
0xb6: {  	s30 =	sld [smem:$0x0];
	_ =	sdelay $0x2  }
0xb7: {  	s31 =	sshll.u32 s1, $0xD;
	s1 =	sshrl.u32 s1, $0x2  }
0xb8: {  	s3 =	sand.u32 $0x4000, s31;
	s1 =	sadd.s32 s1, s30  }
0xb9: {  	s0 =	sor.u32 s3, s0;
	s1 =	sshll.u32 s1, $0x11  }
0xba: {  	s0 =	sor.u32 s1, s0  }
0xbb: {  	s0 =	sadd.s32 $0x8F2B, s0  }
0xbc: {  	[sflag:s0] =	ssyncadd.remote.s32 $0x1  }
0xbd: {  	_ =	sfence.sel $0xFFFF  }
0xbe: {  	[dreg:$0x0] =	wrdreg $0xFFFFFFFF;
	(pc) =	sbr.abs _section_cstart, $3  }
0xbf: {  	[dreg:$0x1] =	wrdreg $0xFFFFFFFF  }
0xc0: {  	_ =	task.clear_ibuf [dreg:s6], $0x2FFFF;
	_ =	strace $0x9FFFFFFF  }
0xc1: {  	(tm) =	ssettm $0x7FFFFFFF  }
tec
execute0_lowered:
.L_overlay_start_1:
0x0: {  	(tag) =	ssettag $0x1  }
0x1: {  	s1 =	srdreg.scid  }
0x2: {  	s0 =	stileid.u32;
	s4 =	rddreg [dreg:$0x0];
	s2 =	simm.s32 $0x0  }
0x3: {  	s8 =	simm.s32 $0x680;
	s9 =	simm.s32 $0x80;
	s10 =	simm.s32 $0x400  }
0x4: {  	s11 =	simm.s32 $0xD00;
	s3 =	sand.u32 $0x1, s1;
	s1 =	rddreg [dreg:$0x1]  }
0x5: {  	s12 =	simm.s32 $0x0;
	s30 =	sshll.u32 s0, $0x1;
	[smem:$0x7FF] =	sst s2  }
0x6: {  	s7 =	sshll.u32 s0, $0x7;
	s5 =	sor.u32 s3, s30;
	_ =	strace $0x80000056  }
0x7: {  	s3 =	ssub.s32 $0x2, s3;
	s6 =	smul.u32 $0xC4, s5;
	s5 =	sshll.u32 s5, $0x4  }
0x8: {  	s7 =	sand.u32 $0x600, s7;
	s31 =	sshrl.u32 s3, $0x1;
	s5 =	sand.u32 $0x70, s5  }
0x9: {  	s6 =	sadd.s32 s6, s4;
	s4 =	sadd.s32 s7, s4;
	s7 =	ssub.s32 s3, s31  }
0xa: {  	s3 =	sadd.s32 $0x1E00, s6;
	s5 =	sadd.s32 s5, s4;
	s4 =	sadd.s32 $0x1378200, s6  }
0xb: {  	v0 =	vimm.f32 $0.0e+00;
	vm0 =	vmmov $0x1;
	s6 =	smax.u32 s7, $0x1;
	s7 =	simm.s32 $0x1;
	s5 =	sadd.s32 $0x3800, s5  }
.LBB2_1:
0xc: {  	[tilespmem:$0xD00] =	vst v0  }
0xd: {  	[tilespmem:$0xD10] =	vst v0  }
0xe: {  	[tilespmem:$0xD20] =	vst v0  }
0xf: {  	[tilespmem:$0xD30] =	vst v0  }
0x10: {  	[tilespmem:$0xD40] =	vst v0  }
0x11: {  	[tilespmem:$0xD50] =	vst v0  }
0x12: {  	[tilespmem:$0xD60] =	vst v0  }
0x13: {  	[tilespmem:$0xD70] =	vst v0  }
0x14: {  	[tilespmem:$0xD80] =	vst v0  }
0x15: {  	[tilespmem:$0xD90] =	vst v0  }
0x16: {  	[tilespmem:$0xDA0] =	vst v0  }
0x17: {  	[tilespmem:$0xDB0] =	vst v0  }
0x18: {  	[tilespmem:$0xDC0] =	vst v0  }
0x19: {  	[tilespmem:$0xDD0] =	vst v0  }
0x1a: {  	[tilespmem:$0xDE0] =	vst v0  }
0x1b: {  	[tilespmem:$0xDF0] =	vst v0  }
0x1c: {  	[tilespmem:$0xE00] =	vst v0  }
0x1d: {  	[tilespmem:$0xE10] =	vst v0  }
0x1e: {  	[tilespmem:$0xE20] =	vst v0  }
0x1f: {  	[tilespmem:$0xE30] =	vst v0  }
0x20: {  	[tilespmem:$0xE40] =	vst v0  }
0x21: {  	[tilespmem:$0xE50] =	vst v0  }
0x22: {  	[tilespmem:$0xE60] =	vst v0  }
0x23: {  	[tilespmem:$0xE70] =	vst v0  }
0x24: {  	[tilespmem:$0xE80] =	vst v0  }
0x25: {  	[tilespmem:$0xE90] =	vst v0  }
0x26: {  	[tilespmem:$0xEA0] =	vst v0  }
0x27: {  	[tilespmem:$0xEB0] =	vst v0  }
0x28: {  	[tilespmem:$0xEC0] =	vst v0  }
0x29: {  	[tilespmem:$0xED0] =	vst v0  }
0x2a: {  	[tilespmem:$0xEE0] =	vst v0  }
0x2b: {  	[tilespmem:$0xEF0] =	vst v0  }
0x2c: {  	[tilespmem:$0xF00] =	vst v0  }
0x2d: {  	[tilespmem:s2], [sflag:$0x1] =	stream.linear.gather [hbm4b:s3+s2], $0x620, $0x38;
	[tilespmem:$0xF80] =	vst v63  }
0x2e: {  	_ =	swait.ge [sflag:s7], $0x620  }
0x2f: {  	[sflag:s7] =	ssyncset.done $0x0  }
0x30: {  	[sflag:s7] =	ssyncadd.s32 $0xFFFFF9E0  }
0x31: {  	[tilespmem:s8], [sflag:$0x1] =	stream.linear.gather [hbm4b:s4+s2], $0x620, $0x38;
	[tilespmem:$0xF80] =	vst v63  }
0x32: {  	_ =	swait.ge [sflag:s7], $0x620  }
0x33: {  	[sflag:s7] =	ssyncset.done $0x0  }
0x34: {  	s14 =	simm.s32 $0x0;
	s13 =	simm.s32 $0x4;
	[sflag:s7] =	ssyncadd.s32 $0xFFFFF9E0  }
.LBB2_2:
0x35: {  	p0 =	sne.s32 s13, $0x187C;
	v1 =	vld [tilespmem:s14+$0x680];
	_ =	sdelay $0x4  }
0x36: {  	(v2sf) =	vpush v1, $0x0;
	_ =	sdelay $0xe  }
0x37: {  	v1 =	vld [tilespmem:s14+$0x0];
	s15 =	spop (v2sf)  }
0x38: {  	v2 =	vld [tilespmem:s15+$0xD00];
	_ =	sdelay $0x2  }
.Ltmp0:
0x39: {  	(pc) =	sbr.rel @p0 .LBB2_2-.Ltmp0, $3  }
0x3a: {  	v1 =	vnsel vm0, $0x0, v1  }
0x3b: {  	v1 =	vadd.f32 v1, v2;
	_ =	sdelay $0x1  }
0x3c: {  	s14 =	sshra.s32 s13, $0x2;
	s13 =	sadd.s32 $0x4, s13;
	[tilespmem:s15+$0xD00] =	vst v1  }
0x3d: {  	v1 =	vld [tilespmem:s14+$0x680];
	_ =	sdelay $0x4  }
0x3e: {  	(v2sf) =	vpush v1, $0x0;
	_ =	sdelay $0xe  }
0x3f: {  	v1 =	vld [tilespmem:s14+$0x0];
	s13 =	spop (v2sf)  }
0x40: {  	v2 =	vld [tilespmem:s13+$0xD00];
	_ =	sdelay $0x3  }
0x41: {  	v1 =	vnsel vm0, $0x0, v1  }
0x42: {  	s12 =	sadd.s32 $0x1, s12;
	v1 =	vadd.f32 v1, v2  }
0x43: {  	p0 =	sne.s32 s12, s6  }
.Ltmp1:
0x44: {  	[tilespmem:s13+$0xD00] =	vst v1;
	(pc) =	sbr.rel @p0 .LBB2_1-.Ltmp1, $4  }
0x45: {  	[hbm4b:s5+s9] =	stream.strided.scatter [tilespmem:s11], [sflag:$0x1], $0x200, s10, s9, $0x38;
	[tilespmem:$0xF80] =	vst v63  }
0x46: {  	_ =	swait.ge [sflag:s7], $0x200  }
0x47: {  	[sflag:s7] =	ssyncset.done $0x0  }
0x48: {  	[sflag:s7] =	ssyncadd.s32 $0xFFFFFE00  }
0x49: {  	_ =	sfence.sel $0x180000  }
0x4a: {  	[bflag:$0x0] =	sbarrier.arrive $0xFFFF  }
0x4b: {  	p0 =	sne.s32 s0, $0x0;
	_ =	strace $0x90000056  }
0x4c: {  	s0 =	sadd.s32 @!p0 $0x100000, s1;
	[bflag:$0x2] =	sbarrier.arrive $0xFFFF  }
0x4d: {  	[sflag:s0] =	ssyncadd.tile.s32 @!p0 $0x1;
	_ =	shalt  }
.Lfunc_end2:
_tile_overlayer_lowered:
.L_overlay_start_2:
0x4e: {  	(tag) =	ssettag $0x2  }
0x4f: {  	s0 =	rddreg [dreg:$0x0];
	s2 =	stileid.u32  }
0x50: {  	s1 =	rddreg [dreg:$0x1];
	p0 =	sne.s32 s2, $0x0  }
0x51: {  	s3 =	rddreg [dreg:$0x2];
	[bflag:$0x3] =	sbarrier.arrive $0xFFFF;
	s2 =	simm.s32 @!p0 $0x1C01  }
0x52: {  	[timem:s3], [sflag:s2] =	dma.local @!p0 [hbm:s0], s1  }
0x53: {  	s0 =	simm.s32 @!p0 $0x1  }
0x54: {  	_ =	swait.ge @!p0 [sflag:s0], s1  }
0x55: {  	s1 =	ssub.s32 @!p0 $0x0, s1;
	[sflag:s0] =	ssyncset.done @!p0 $0x0  }
0x56: {  	[sflag:s0] =	ssyncadd.s32 @!p0 s1  }
0x57: {  	[bflag:$0x3] =	sbarrier.arrive $0xFFFF  }
0x58: {  	_ =	shalt  }

// kernel: scatter_offload_async_start.1
scs
__scs_entry_jumppad:
0x0: {  	(pc) =	sbr.rel $0x88, $3  }
0x1: {  	(tag) =	ssettag $0x0;
	lr =	simm.s32 $0x1  }
0x2: {  	[smem:$0x3F94] =	sst lr;
	_ =	strace $0xD0000000  }
0x3: {  	_ = 	snop  }
0x4: {  	_ = 	snop  }
0x5: {  	_ = 	snop  }
0x6: {  	_ = 	snop  }
0x7: {  	_ = 	snop  }
__scs_overlays_trampoline_lowered:
0x8: {  	[smem:$0x3FA3] =	sst s0  }
0x9: {  	[smem:$0x3FA4] =	sst s1  }
0xa: {  	[smem:$0x3FA5] =	sst s2  }
0xb: {  	[smem:$0x3FA6] =	sst s3  }
0xc: {  	[smem:$0x3FA7] =	sst s4  }
0xd: {  	[smem:$0x3FA8] =	sst s5  }
0xe: {  	[smem:$0x3FA9] =	sst s6  }
0xf: {  	[smem:$0x3FAA] =	sst s7  }
0x10: {  	[smem:$0x3FAB] =	sst s8  }
0x11: {  	[smem:$0x3FAC] =	sst s9;
	s0 =	simm.s32 @!p0 $0x0  }
0x12: {  	s1 =	sld [smem:$0x3F92];
	s0 =	simm.s32 @p0 $0x1  }
0x13: {  	[smem:$0x3FAD] =	sst s0;
	s0 =	simm.s32 @!p1 $0x0  }
0x14: {  	s2 =	sld [smem:$0x3F91];
	s0 =	simm.s32 @p1 $0x1  }
0x15: {  	[smem:$0x3FAE] =	sst s0;
	s0 =	simm.s32 @!p2 $0x0  }
0x16: {  	s3 =	sld [smem:$0x3FDB];
	s0 =	simm.s32 @p2 $0x1  }
0x17: {  	s4 =	simm.s32 $0x1BF5;
	[smem:$0x3FB0] =	sst s0  }
0x18: {  	s0 =	sld [smem:$0x3F93];
	_ =	swait.ge [sflag:s4], $0x0  }
0x19: {  	s7 =	sld [smem:$0x3F94]  }
0x1a: {  	s8 =	sadd.s32 $0xFFFFE003, lr  }
0x1b: {  	s9 =	sadd.s32 $0xFFFFFEF7, lr;
	s5 =	simm.s32 $0xFFFFFFFF;
	p2 =	slt.u32 s8, $0xFFFFF086  }
0x1c: {  	p1 =	slt.u32 s9, $0xF7A;
	s5 =	simm.s32 @!p2 $0x0  }
0x1d: {  	s5 =	simm.s32 @p1 $0x1;
	p0 =	seq.s32 s7, s2  }
0x1e: {  	s7 =	smul.u32 @!p0 $0xF7A, s2;
	p2 =	seq.s32 @!p0 s5, $0x0  }
0x1f: {  	s9 =	smul.u32 $0xF7A, s1;
	s8 =	simm.s32 @!p0 $0x1BF5;
	p2 =	por !p2, p0  }
0x20: {  	[sflag:s8] =	ssyncset.s32 @!p0 $0xFFFFF086;
	s6 =	sadd.s32 @!p0 s3, s7;
	s7 =	simm.s32 @!p0 $0x108  }
0x21: {  	s3 =	sadd.s32 s3, s9;
	s6 =	sadd.s32 @!p0 $0x88, s6;
	s7 =	simm.s32 @p2 $0x1082  }
0x22: {  	[simem:s7], [sflag:s8] =	dma.local @!p0 [hbm:s6], $0xF7A  }
0x23: {  	s9 =	sor.u32 $0xD0000000, s2;
	s6 =	simm.s32 $0x108;
	_ =	swait.ge @!p0 [sflag:s8], $0x0  }
0x24: {  	s3 =	sadd.s32 $0x88, s3;
	s6 =	simm.s32 @!p1 $0x1082;
	[sflag:s4] =	ssyncset.s32 $0xFFFFF086  }
0x25: {  	[simem:s6], [sflag:s4] =	dma.local [hbm:s3], $0xF7A  }
0x26: {  	[smem:$0x3F94] =	sst s1;
	(tag) =	ssettag s2;
	_ =	strace s9  }
0x27: {  	s1 =	sld [smem:$0x3FA4]  }
0x28: {  	s2 =	sld [smem:$0x3FA5]  }
0x29: {  	s4 =	sld [smem:$0x3FA7]  }
0x2a: {  	p0 =	seq.s32 s5, $0x0;
	s5 =	sld [smem:$0x3FA8]  }
0x2b: {  	s6 =	sld [smem:$0x3FA9]  }
0x2c: {  	s7 =	sld [smem:$0x3FAA]  }
0x2d: {  	s3 =	simm.s32 $0x108;
	s8 =	sld [smem:$0x3FAB]  }
0x2e: {  	s3 =	simm.s32 @!p0 $0x1082;
	s9 =	sld [smem:$0x3FAC]  }
0x2f: {  	lr =	sadd.s32 s0, s3;
	s0 =	sld [smem:$0x3FA3]  }
0x30: {  	s3 =	sld [smem:$0x3FA6]  }
0x31: {  	[smem:$0x3FAF] =	sst s10  }
0x32: {  	s10 =	sld [smem:$0x3FAD];
	_ =	sdelay $0x3  }
0x33: {  	p0 =	seq.s32 s10, $0x1;
	s10 =	sld [smem:$0x3FAF];
	_ =	sdelay $0x3  }
0x34: {  	[smem:$0x3FAF] =	sst s10  }
0x35: {  	s10 =	sld [smem:$0x3FAE];
	_ =	sdelay $0x3  }
0x36: {  	p1 =	seq.s32 s10, $0x1;
	s10 =	sld [smem:$0x3FAF];
	_ =	sdelay $0x3  }
0x37: {  	[smem:$0x3FAF] =	sst s10  }
0x38: {  	s10 =	sld [smem:$0x3FB0]  }
0x39: {  	_ = 	snop;
	(pc) =	sbr.ind lr, $3  }
0x3a: {  	_ = 	snop  }
0x3b: {  	_ = 	snop  }
0x3c: {  	p2 =	seq.s32 s10, $0x1;
	s10 =	sld [smem:$0x3FAF]  }
0x3d: {  	_ =	shalt  }
0x3e: {  	_ =	shalt  }
0x3f: {  	_ =	shalt  }
0x40: {  	_ =	shalt  }
0x41: {  	_ =	shalt  }
0x42: {  	_ =	shalt  }
0x43: {  	_ =	shalt  }
0x44: {  	_ =	shalt  }
0x45: {  	_ =	shalt  }
0x46: {  	_ =	shalt  }
0x47: {  	_ =	shalt  }
0x48: {  	_ =	shalt  }
0x49: {  	_ =	shalt  }
0x4a: {  	_ =	shalt  }
0x4b: {  	_ =	shalt  }
0x4c: {  	_ =	shalt  }
0x4d: {  	_ =	shalt  }
0x4e: {  	_ =	shalt  }
0x4f: {  	_ =	shalt  }
0x50: {  	_ =	shalt  }
0x51: {  	_ =	shalt  }
0x52: {  	_ =	shalt  }
0x53: {  	_ =	shalt  }
0x54: {  	_ =	shalt  }
0x55: {  	_ =	shalt  }
0x56: {  	_ =	shalt  }
0x57: {  	_ =	shalt  }
0x58: {  	_ =	shalt  }
0x59: {  	_ =	shalt  }
0x5a: {  	_ =	shalt  }
0x5b: {  	_ =	shalt  }
0x5c: {  	_ =	shalt  }
0x5d: {  	_ =	shalt  }
0x5e: {  	_ =	shalt  }
0x5f: {  	_ =	shalt  }
0x60: {  	_ =	shalt  }
0x61: {  	_ =	shalt  }
0x62: {  	_ =	shalt  }
0x63: {  	_ =	shalt  }
0x64: {  	_ =	shalt  }
0x65: {  	_ =	shalt  }
0x66: {  	_ =	shalt  }
0x67: {  	_ =	shalt  }
0x68: {  	_ =	shalt  }
0x69: {  	_ =	shalt  }
0x6a: {  	_ =	shalt  }
0x6b: {  	_ =	shalt  }
0x6c: {  	_ =	shalt  }
0x6d: {  	_ =	shalt  }
0x6e: {  	_ =	shalt  }
0x6f: {  	_ =	shalt  }
0x70: {  	_ =	shalt  }
0x71: {  	_ =	shalt  }
0x72: {  	_ =	shalt  }
0x73: {  	_ =	shalt  }
0x74: {  	_ =	shalt  }
0x75: {  	_ =	shalt  }
0x76: {  	_ =	shalt  }
0x77: {  	_ =	shalt  }
0x78: {  	_ =	shalt  }
0x79: {  	_ =	shalt  }
0x7a: {  	_ =	shalt  }
0x7b: {  	_ =	shalt  }
0x7c: {  	_ =	shalt  }
0x7d: {  	_ =	shalt  }
0x7e: {  	_ =	shalt  }
0x7f: {  	_ =	shalt  }
0x80: {  	_ =	shalt  }
0x81: {  	_ =	shalt  }
0x82: {  	_ =	shalt  }
0x83: {  	_ =	shalt  }
0x84: {  	_ =	shalt  }
0x85: {  	_ =	shalt  }
0x86: {  	_ =	shalt  }
0x87: {  	_ =	shalt  }
.Lfunc_end0:
.L_simem_size_0:
called_computation.1_lowered:
.L_overlay_start_0:
0x88: {  	s2 =	sld [smem:$0x3FD9]  }
0x89: {  	s3 =	sld [smem:$0x3FFE];
	_ =	sdelay $0x1  }
0x8a: {  	s1 =	srdreg.scid  }
0x8b: {  	s0 =	sand.u32 $0x1, s1  }
0x8c: {  	s15 =	sshll.u32 s0, $0xA;
	s2 =	sadd.s32 s3, s2  }
0x8d: {  	s2 =	sadd.s32 s2, s15  }
0x8e: {  	[smem:$0x3FBB] =	sst s2  }
0x8f: {  	_ = 	snop  }
0x90: {  	(tm) =	ssettm $0x1  }
0x91: {  	s16 =	sld [smem:$0x3FFB];
	_ =	sdelay $0x3  }
0x92: {  	_ =	strace s16  }
0x93: {  	s2 =	sld [smem:$0x3FFC];
	_ =	sdelay $0x3  }
0x94: {  	_ =	strace s2  }
0x95: {  	s2 =	sld [smem:$0x3FFD];
	_ =	sdelay $0x3  }
0x96: {  	_ =	strace s2  }
0x97: {  	_ =	strace $0x8FFFFFFF  }
0x98: {  	s17 =	sld [smem:$0x3FDB];
	_ =	sdelay $0x1  }
0x99: {  	s18 =	simm.s32 $_scs_section_size  }
0x9a: {  	s4 =	simm.s32 $_size__tile_overlayer_lowered;
	s5 =	simm.s32 $_tile_overlayer_lowered  }
0x9b: {  	s21 =	simm.s32 $0x1BFF;
	s20 =	sshll.u32 s5, $0x1;
	s2 =	sadd.s32 s18, s17  }
0x9c: {  	s6 =	simm.s32 $0x0;
	s19 =	sshll.u32 s4, $0x1;
	s4 =	sadd.s32 s20, s2  }
0x9d: {  	[timem:s6], [sflag:s21] =	dma.local [hbm:s4], s19  }
0x9e: {  	_ =	swait.ge [sflag:s21], s19  }
0x9f: {  	s3 =	ssub.s32 $0x0, s19;
	[sflag:s21] =	ssyncset.done $0x0  }
0xa0: {  	[sflag:s21] =	ssyncadd.s32 s3;
	_ =	sdelay $0x1  }
0xa1: {  	s22 =	simm.s32 $0x1B8B  }
0xa2: {  	_ =	swait.ge [sflag:s22], $0x1  }
0xa3: {  	[sflag:s22] =	ssyncset.done $0x0  }
0xa4: {  	s23 =	sld [smem:$0x3FFE];
	[sflag:s22] =	ssyncadd.s32 $0xFFFFFFFF  }
0xa5: {  	s25 =	simm.s32 $0x1B8E;
	s24 =	sld [smem:$0x0]  }
0xa6: {  	s26 =	simm.s32 $execute0_lowered;
	[smem:$0x3FD2] =	sst s25  }
0xa7: {  	s5 =	sshll.u32 s26, $0x1;
	_ =	strace $0x80000052;
	[dreg:$0x1] =	wrdreg $0xFFFFFFFF  }
0xa8: {  	s28 =	simm.s32 $_size_execute0_lowered;
	s2 =	sadd.s32 s2, s5;
	[dreg:$0x0] =	wrdreg $0x0  }
0xa9: {  	s5 =	sshll.u32 s28, $0x1;
	[dreg:$0x2] =	wrdreg s2  }
0xaa: {  	[dreg:$0x3] =	wrdreg s5  }
0xab: {  	[dreg:$0x4] =	wrdreg $0xC0  }
0xac: {  	_ =	task [dreg:s6], $0x5FFFF  }
0xad: {  	[dreg:$0x1] =	wrdreg $0xFFFFFFFF  }
0xae: {  	[dreg:$0x0] =	wrdreg $0x60  }
0xaf: {  	[dreg:$0x2] =	wrdreg s23  }
0xb0: {  	[dreg:$0x3] =	wrdreg s1  }
0xb1: {  	[dreg:$0x4] =	wrdreg s24  }
0xb2: {  	[dreg:$0x5] =	wrdreg $0x9  }
0xb3: {  	_ =	task.clear_ibuf [dreg:s6], $0x6FFFF;
	_ =	strace $0x90000052  }
0xb4: {  	s29 =	simm.s32 $0x9;
	_ =	strace $0x80000054  }
0xb5: {  	_ =	swait.ge [sflag:s29], $0x1  }
0xb6: {  	[sflag:s29] =	ssyncadd.s32 $0xFFFFFFFF  }
0xb7: {  	_ =	strace $0x90000054  }
0xb8: {  	_ =	sfence  }
0xb9: {  	s30 =	sld [smem:$0x0];
	_ =	sdelay $0x2  }
0xba: {  	s31 =	sshll.u32 s1, $0xD;
	s1 =	sshrl.u32 s1, $0x2  }
0xbb: {  	s3 =	sand.u32 $0x4000, s31;
	s1 =	sadd.s32 s1, s30  }
0xbc: {  	s0 =	sor.u32 s3, s0;
	s1 =	sshll.u32 s1, $0x11  }
0xbd: {  	s0 =	sor.u32 s1, s0  }
0xbe: {  	s0 =	sadd.s32 $0x8F2B, s0  }
0xbf: {  	[sflag:s0] =	ssyncadd.remote.s32 $0x1  }
0xc0: {  	_ =	sfence.sel $0xFFFF  }
0xc1: {  	[dreg:$0x0] =	wrdreg $0xFFFFFFFF;
	(pc) =	sbr.abs _section_cstart, $3  }
0xc2: {  	[dreg:$0x1] =	wrdreg $0xFFFFFFFF  }
0xc3: {  	_ =	task.clear_ibuf [dreg:s6], $0x2FFFF;
	_ =	strace $0x9FFFFFFF  }
0xc4: {  	(tm) =	ssettm $0x7FFFFFFF  }
0xc5: {  	_ =	shalt  }
tec
execute0_lowered:
.L_overlay_start_1:
0x0: {  	(tag) =	ssettag $0x1  }
0x1: {  	s2 =	rddreg [dreg:$0x0]  }
0x2: {  	s3 =	rddreg [dreg:$0x1];
	_ =	strace $0x80000053;
	s0 =	simm.s32 $0x1  }
0x3: {  	s5 =	simm.s32 $0x208;
	v0 =	vimm.s32 $0x0;
	[sflag:s0] =	ssyncpa.u1 $0x0  }
0x4: {  	[tilespmem:s5+$0x70] =	vst v0  }
0x5: {  	[tilespmem:s5+$0x60] =	vst v0  }
0x6: {  	[tilespmem:s5+$0x50] =	vst v0  }
0x7: {  	[tilespmem:s5+$0x40] =	vst v0  }
0x8: {  	s1 =	sadd.s32 $0x15C2200, s2;
	[tilespmem:s5+$0x30] =	vst v0  }
0x9: {  	s0 =	sadd.s32 $0xC5800, s2;
	s6 =	sadd.s32 $0x21F7200, s2;
	[tilespmem:s5+$0x20] =	vst v0  }
0xa: {  	s4 =	sadd.s32 $0x135FA00, s2;
	s10 =	sand.u32 $0x1, s3;
	s2 =	simm.s32 $0x40;
	[tilespmem:s5+$0x10] =	vst v0  }
.LBB2_1:
0xb: {  	s2 =	sadd.s32 $0x40, s2;
	[tilespmem:s5+$0x0] =	vst v0;
	s5 =	sadd.s32 $0x80, s5  }
0xc: {  	p0 =	slt.u32 s2, $0x3880;
	[tilespmem:s5+$0x70] =	vst v0  }
0xd: {  	[tilespmem:s5+$0x60] =	vst v0  }
.Ltmp0:
0xe: {  	[tilespmem:s5+$0x50] =	vst v0;
	(pc) =	sbr.rel @p0 .LBB2_1-.Ltmp0, $4  }
0xf: {  	[tilespmem:s5+$0x40] =	vst v0  }
0x10: {  	[tilespmem:s5+$0x30] =	vst v0  }
0x11: {  	[tilespmem:s5+$0x20] =	vst v0  }
0x12: {  	[tilespmem:s5+$0x10] =	vst v0  }
0x13: {  	s11 =	stileid.u32  }
0x14: {  	s2 =	smul.u32 $0xDF, s11  }
0x15: {  	s3 =	smin.u32 s11, $0x4  }
0x16: {  	s2 =	sadd.s32 s3, s2  }
0x17: {  	p0 =	slt.u32 s11, $0x4;
	s20 =	smul.u32 $0x70, s2;
	s2 =	simm.s32 $0x6200  }
0x18: {  	s2 =	simm.s32 @!p0 $0x6190  }
0x19: {  	s2 =	sadd.s32 s2, s20  }
0x1a: {  	s8 =	smin.u32 s2, $0x61A80  }
0x1b: {  	s26 =	simm.s32 $0x2;
	s2 =	ssub.s32 s8, s20  }
0x1c: {  	s9 =	simm.s32 $0x9;
	s29 =	simm.s32 $0xA;
	p0 =	sgt.s32 s2, $0x0  }
0x1d: {  	s30 =	simm.s32 $0xB;
	s31 =	smul.u32 $0xC350, s10;
	s2 =	simm.s32 @!p0 $0x0  }
0x1e: {  	[dreg:$0x4] =	wrdreg s10;
	s12 =	simm.s32 $0x1;
	s25 =	smulhi.u32 $0x92492493, s2  }
0x1f: {  	s24 =	simm.s32 $0x0;
	p1 =	por $0x0, $0x0;
	s18 =	simm.s32 $0x80  }
0x20: {  	s19 =	simm.s32 $0x400;
	s17 =	simm.s32 $0xC;
	s3 =	sshrl.u32 s25, $0x6  }
0x21: {  	s21 =	simm.s32 $0x0;
	s23 =	simm.s32 $0x0;
	s28 =	smul.u32 $0x70, s3  }
.Ltmp1:
0x22: {  	[tilespmem:s5+$0x0] =	vst v0;
	v0 =	vimm.s32 $0xFFFFFFFF;
	[sflag:s26] =	ssyncpa.u1 $0x0;
	s16 =	sshll.u32 s11, $0x9;
	(pc) =	sbr.rel .LBB2_3-.Ltmp1, $4  }
0x23: {  	[tilespmem:$0xE408] =	vst v0;
	[sflag:s9] =	ssyncpa.u1 $0x0;
	p0 =	sne.s32 s2, s28;
	s2 =	simm.s32 $0x1  }
0x24: {  	s14 =	sadd.s32 s31, s4;
	[sflag:s29] =	ssyncpa.u1 $0x0;
	s2 =	simm.s32 @!p0 $0x0  }
0x25: {  	s15 =	sadd.s32 s31, s0;
	[sflag:s30] =	ssyncpa.u1 $0x0;
	s13 =	sadd.s32 s2, s3  }
0x26: {  	v0 =	vlaneseq.u32;
	s22 =	smov.u32 s20;
	p0 =	por $0x1, $0x1;
	s11 =	sadd.s32 $0x1, s13  }
.LBB2_24:
0x27: {  	s2 =	sshrl.u32 s4, $0x2  }
.LBB2_26:
0x28: {  	_ =	swait.ge [sflag:s17], s2  }
0x29: {  	s31 =	ssub.s32 $0x0, s2;
	v1 =	vmov s26;
	vm0 =	veq.s32 v0, $0x0;
	[sflag:s17] =	ssyncset.done $0x0  }
0x2a: {  	vm15 =	veq.s32 v0, $0x2;
	v1 =	vsel vm0, s0, v1;
	[sflag:s17] =	ssyncadd.s32 s31  }
0x2b: {  	v1 =	vsel vm15, s24, v1;
	[sflag:s17] =	ssyncpa.u1 $0x1  }
0x2c: {  	[tilespmem:$0xE408] =	vst v1  }
.LBB2_27:
0x2d: {  	s0 =	sadd.s32 $0x70, s22  }
0x2e: {  	s2 =	smov.u32 s20;
	p2 =	slt.s32 s0, s8  }
0x2f: {  	s2 =	smov.u32 @p2 s0;
	p2 =	sne.s32 s23, s11  }
.Ltmp2:
0x30: {  	_ = 	snop;
	(pc) =	sbr.rel @!p2 .LBB2_28-.Ltmp2, $4  }
0x31: {  	_ = 	snop  }
0x32: {  	s24 =	smov.u32 s21  }
0x33: {  	s31 =	sadd.s32 $0x1, s23;
	s21 =	smov.u32 s22;
	p0 =	por !p0, !p0  }
0x34: {  	p1 =	por !p1, !p1;
	s23 =	smov.u32 s31;
	s22 =	smov.u32 s2  }
.LBB2_3:
0x35: {  	p2 =	sge.u32 s23, s13  }
0x36: {  	s0 =	smulhi.u32 @!p2 $0xAAAAAAAB, s23  }
0x37: {  	s2 =	smov.u32 s22;
	p3 =	sgt.s32 @!p2 s22, $0x61A10  }
0x38: {  	s3 =	sshra.s32 @!p2 s22, $0x1F;
	p3 =	por !p3, p2;
	s0 =	sshrl.u32 @!p2 s0, $0x1  }
0x39: {  	s3 =	sand.u32 @!p2 s3, s22;
	s2 =	simm.s32 @p3 $0x61A10;
	s0 =	smul.u32 @!p2 $0x3, s0  }
0x3a: {  	s2 =	ssub.s32 @!p2 s2, s3  }
0x3b: {  	s2 =	sadd.s32 @!p2 $0xFFF9E5F0, s2;
	s0 =	ssub.s32 @!p2 s23, s0  }
0x3c: {  	s3 =	sshll.u32 @!p2 s2, $0x2;
	p3 =	sgt.s32 @!p2 s2, $0x6F;
	s0 =	smul.u32 @!p2 $0x1C0, s0  }
0x3d: {  	s4 =	sand.u32 @!p2 $0x7, s22;
	s2 =	ssub.s32 @!p2 $0x1C0, s3;
	p3 =	por !p3, p2  }
0x3e: {  	s3 =	sshrl.u32 @!p2 s22, $0x3;
	s2 =	sshrl.u32 @!p2 s2, $0x2;
	s0 =	sshrl.u32 @!p2 s0, $0x2  }
0x3f: {  	s3 =	sadd.s32 @!p2 s3, s14;
	s2 =	simm.s32 @!p3 $0x0;
	s0 =	sadd.s32 @!p2 $0x10448, s0  }
0x40: {  	[tilespmem:s0], [sflag:$0xA] =	stream.linear.gather @!p2 [hbm4b:s3+s4], s2, $0x38;
	[tilespmem:$0x1E678] =	vst v63  }
0x41: {  	s2 =	sadd.s32 $0xFFFFFFFF, s23  }
0x42: {  	p2 =	sge.u32 s2, s13  }
0x43: {  	p3 =	sgt.s32 @!p2 s21, $0x61A10  }
0x44: {  	s0 =	smov.u32 s21;
	s3 =	sshra.s32 @!p2 s21, $0x1F;
	p3 =	por !p3, p2  }
0x45: {  	s3 =	sand.u32 @!p2 s3, s21;
	s0 =	simm.s32 @p3 $0x61A10  }
0x46: {  	s0 =	ssub.s32 @!p2 s0, s3  }
0x47: {  	s0 =	sadd.s32 @!p2 $0xFFF9E5F0, s0  }
0x48: {  	s3 =	sshll.u32 @!p2 s0, $0x2  }
0x49: {  	p3 =	sgt.s32 @!p2 s0, $0x6F;
	s0 =	ssub.s32 @!p2 $0x1C0, s3  }
0x4a: {  	p3 =	por !p3, p2;
	s0 =	sshrl.u32 @!p2 s0, $0x2  }
0x4b: {  	s4 =	simm.s32 @!p2 $0xA;
	s3 =	sand.u32 @!p2 $0x1, s2;
	s0 =	simm.s32 @!p3 $0x0  }
0x4c: {  	s3 =	smul.u32 @!p2 $0x1C0, s3;
	_ =	swait.ge @!p2 [sflag:s4], s0  }
0x4d: {  	s5 =	ssub.s32 @!p2 $0x0, s0;
	[sflag:s4] =	ssyncset.done @!p2 $0x0  }
0x4e: {  	s3 =	sshrl.u32 @!p2 s3, $0x2;
	[sflag:s4] =	ssyncadd.s32 @!p2 s5;
	s4 =	sshrl.u32 @!p2 s21, $0x3  }
0x4f: {  	s3 =	sadd.s32 @!p2 $0x10598, s3;
	s5 =	sand.u32 @!p2 $0x7, s21;
	s4 =	sadd.s32 @!p2 s4, s15  }
0x50: {  	[tilespmem:s3], [sflag:$0xB] =	stream.linear.gather @!p2 [hbm4b:s4+s5], s0, $0x38;
	[tilespmem:$0x1E678] =	vst v63  }
0x51: {  	s0 =	ssub.s32 @!p2 $0x61A80, s21  }
0x52: {  	p3 =	slt.s32 @!p2 s0, $0x1  }
0x53: {  	p3 =	por p2, p3  }
.Ltmp3:
0x54: {  	_ = 	snop;
	(pc) =	sbr.rel @p3 .LBB2_9-.Ltmp3, $1  }
0x55: {  	_ =	sdelay $0x3  }
0x56: {  	s3 =	smulhi.u32 $0xAAAAAAAB, s2;
	_ =	sdelay $0x1  }
0x57: {  	s3 =	sshrl.u32 s3, $0x1  }
0x58: {  	s3 =	smul.u32 $0x3, s3;
	_ =	sdelay $0x1  }
0x59: {  	s30 =	ssub.s32 s2, s3  }
0x5a: {  	s4 =	simm.s32 $0x1;
	s2 =	smul.u32 $0x1C0, s30  }
.Ltmp4:
0x5b: {  	s4 =	simm.s32 @!p0 $0x0;
	(pc) =	sbr.rel .LBB2_6-.Ltmp4, $4  }
0x5c: {  	s31 =	smul.u32 $0x1C000, s4  }
0x5d: {  	p3 =	slt.s32 @!p2 s0, $0x70;
	s2 =	sshrl.u32 s2, $0x2  }
0x5e: {  	p2 =	por !p3, p2;
	s3 =	sshrl.u32 s31, $0x2;
	s5 =	sadd.s32 $0x10448, s2  }
0x5f: {  	s0 =	simm.s32 @p2 $0x70;
	s4 =	sor.u32 $0x10678, s3;
	s2 =	simm.s32 $0x0;
	v1 =	vmov s5  }
.LBB2_5:
0x60: {  	p2 =	sge.s32 s2, s0  }
.Ltmp5:
0x61: {  	_ = 	snop;
	(pc) =	sbr.rel @p2 .LBB2_9-.Ltmp5, $2  }
0x62: {  	_ =	sdelay $0x2  }
0x63: {  	s4 =	sadd.s32 $0x1000, s4  }
.LBB2_6:
0x64: {  	p2 =	sle.s32 s0, s2  }
.Ltmp6:
0x65: {  	_ = 	snop;
	(pc) =	sbr.rel @p2 .LBB2_5-.Ltmp6, $2  }
0x66: {  	_ =	sdelay $0x2  }
0x67: {  	s5 =	smov.u32 s2;
	s2 =	sadd.s32 $0x10, s2  }
0x68: {  	s3 =	ssub.s32 s0, s5  }
0x69: {  	p2 =	slt.s32 s3, $0x10  }
0x6a: {  	s3 =	simm.s32 @!p2 $0x10  }
0x6b: {  	v2 =	vmov s3  }
0x6c: {  	vm0 =	vgt.s32 v2, v0;
	_ =	sdelay $0x5  }
0x6d: {  	v2 =	vld.idx.msk [tilespmem:v1+s5+$0x0 ss:$0x1], vm0;
	_ =	sdelay $0x2  }
0x6e: {  	p2 =	slt.s32 s2, s0;
	s3 =	smov.u32 s0  }
0x6f: {  	s9 =	smov.u32 s4;
	s25 =	simm.s32 $0x0;
	s3 =	smov.u32 @p2 s2  }
.LBB2_8:
0x70: {  	(v2sf) =	vpush v2, s25;
	_ =	sdelay $0xe  }
0x71: {  	s25 =	sadd.s32 $0x1, s25;
	s10 =	spop (v2sf)  }
0x72: {  	s31 =	sadd.s32 s25, s5;
	s26 =	sshll.u32 s10, $0x8;
	s10 =	sshll.u32 s10, $0x7  }
0x73: {  	p2 =	slt.s32 s31, s3;
	s26 =	sand.u32 $0xFFFFF800, s26;
	s10 =	sand.u32 $0x380, s10  }
.Ltmp7:
0x74: {  	s10 =	sor.u32 s10, s26;
	(pc) =	sbr.rel @p2 .LBB2_8-.Ltmp7, $4  }
0x75: {  	s10 =	sshrl.u32 s10, $0x3  }
0x76: {  	s10 =	sadd.s32 s6, s10  }
0x77: {  	[tilespmem:s9], [sflag:$0x9] =	stream.strided.gather [hbm4b:s10+s18], $0x100, s19, s18, $0x38;
	[tilespmem:$0x1E678] =	vst v63  }
0x78: {  	s9 =	sadd.s32 $0x100, s9  }
.Ltmp8:
0x79: {  	_ = 	snop;
	(pc) =	sbr.rel .LBB2_5-.Ltmp8, $1  }
0x7a: {  	_ =	sdelay $0x3  }
.LBB2_9:
0x7b: {  	p2 =	slt.u32 s23, $0x2  }
.Ltmp9:
0x7c: {  	_ = 	snop;
	(pc) =	sbr.rel @p2 .LBB2_27-.Ltmp9, $1  }
0x7d: {  	_ =	sdelay $0x3  }
0x7e: {  	p2 =	sgt.s32 s24, $0x61A10  }
0x7f: {  	s0 =	smov.u32 s24;
	s2 =	sshra.s32 s24, $0x1F;
	s3 =	ssub.s32 $0x61A80, s24  }
0x80: {  	s0 =	simm.s32 @!p2 $0x61A10;
	s2 =	sand.u32 s2, s24;
	p2 =	slt.s32 s3, $0x70  }
0x81: {  	s0 =	ssub.s32 s0, s2;
	s3 =	simm.s32 @!p2 $0x70  }
0x82: {  	s0 =	sadd.s32 $0xFFF9E5F0, s0;
	s9 =	sshll.u32 s3, $0x8  }
0x83: {  	s26 =	simm.s32 $0x9;
	s10 =	sshll.u32 s0, $0x2;
	s2 =	sand.u32 $0x3FFFFF00, s9  }
0x84: {  	p2 =	sgt.s32 s0, $0x6F;
	s25 =	ssub.s32 $0x1C0, s10;
	_ =	swait.ge [sflag:s26], s2  }
0x85: {  	s2 =	ssub.s32 $0x0, s2;
	[sflag:s26] =	ssyncset.done $0x0;
	s0 =	sshrl.u32 s25, $0x2  }
0x86: {  	s29 =	simm.s32 $0xB;
	[sflag:s26] =	ssyncadd.s32 s2;
	s0 =	simm.s32 @p2 $0x0  }
0x87: {  	_ =	swait.ge [sflag:s29], s0  }
0x88: {  	s0 =	ssub.s32 $0x0, s0;
	[sflag:s29] =	ssyncset.done $0x0  }
0x89: {  	[sflag:s29] =	ssyncadd.s32 s0  }
0x8a: {  	v1 =	vld [tilespmem:$0xE408];
	_ =	sdelay $0x4  }
0x8b: {  	(v2sf) =	vpush v1, $0x0  }
0x8c: {  	(v2sf) =	vpush v1, $0x1  }
0x8d: {  	(v2sf) =	vpush v1, $0x2;
	_ =	sdelay $0x3  }
0x8e: {  	s0 =	sadd.s32 $0x70, s24  }
0x8f: {  	s2 =	ssub.s32 $0xC3500, s24;
	p2 =	slt.s32 s8, s0  }
0x90: {  	s0 =	smov.u32 @p2 s8;
	p2 =	sgt.s32 s2, $0x0  }
0x91: {  	s0 =	ssub.s32 s0, s24;
	s2 =	simm.s32 @!p2 $0x0  }
0x92: {  	p2 =	slt.s32 s2, s0  }
0x93: {  	s0 =	smov.u32 @p2 s2  }
0x94: {  	s4 =	simm.s32 $0x1;
	p2 =	slt.s32 s0, $0x1  }
.Ltmp10:
0x95: {  	s4 =	simm.s32 @!p1 $0x0;
	(pc) =	sbr.rel @p2 .LBB2_14-.Ltmp10, $4  }
0x96: {  	s30 =	smul.u32 $0x1C0, s4  }
0x97: {  	s5 =	spop (v2sf)  }
0x98: {  	s31 =	sshrl.u32 s30, $0x2;
	s28 =	spop (v2sf)  }
0x99: {  	s25 =	sadd.s32 $0x10598, s31;
	s24 =	spop (v2sf)  }
0x9a: {  	s2 =	smin.u32 s0, $0x10  }
0x9b: {  	v1 =	vmov s2  }
0x9c: {  	vm1 =	vgt.u32 v1, v0  }
0x9d: {  	p3 =	sgt.s32 s0, $0x10  }
.Ltmp11:
0x9e: {  	_ = 	snop;
	(pc) =	sbr.rel @!p3 .LBB2_13-.Ltmp11, $2  }
0x9f: {  	_ =	sdelay $0x2  }
0xa0: {  	s26 =	simm.s32 $0x10;
	s29 =	sadd.s32 $0xFFFFFFF0, s0;
	s2 =	smov.u32 s25;
	vm0 =	vmmov vm1;
	v1 =	vld.msk [tilespmem:s25+$0x0 ss:$0x1], vm1  }
.LBB2_12:
0xa1: {  	s3 =	smin.u32 s29, $0x10;
	s26 =	sadd.s32 $0x10, s26  }
0xa2: {  	v2 =	vmov s3;
	p3 =	slt.s32 s26, s0  }
0xa3: {  	vm1 =	vgt.u32 v2, v0;
	_ =	sdelay $0x1  }
0xa4: {  	v2 =	vshll.u32 v1, $0x5;
	v1 =	vshll.u32 v1, $0x4  }
.Ltmp12:
0xa5: {  	v2 =	vand.u32 $0xFFFFFF00, v2;
	v1 =	vand.u32 $0x70, v1;
	(pc) =	sbr.rel @p3 .LBB2_12-.Ltmp12, $4  }
0xa6: {  	v1 =	vor.u32 v1, v2  }
0xa7: {  	[tilespmem:s2+$0x0] =	vst.msk vm0, v1;
	s2 =	sadd.s32 $0x10, s2;
	vm0 =	vmmov vm1  }
0xa8: {  	v1 =	vld.msk [tilespmem:s2+$0x0 ss:$0x1], vm1  }
0xa9: {  	s29 =	sadd.s32 $0xFFFFFFF0, s29  }
.LBB2_13:
0xaa: {  	_ =	sdelay $0x3  }
0xab: {  	v2 =	vshll.u32 v1, $0x5;
	v1 =	vshll.u32 v1, $0x4  }
0xac: {  	v2 =	vand.u32 $0xFFFFFF00, v2;
	v1 =	vand.u32 $0x70, v1  }
0xad: {  	v1 =	vor.u32 v1, v2  }
0xae: {  	[tilespmem:s2+$0x0] =	vst.msk vm0, v1  }
.LBB2_14:
0xaf: {  	s2 =	sand.u32 $0x1, s23  }
0xb0: {  	s2 =	smul.u32 $0x70, s2  }
0xb1: {  	p3 =	sne.s32 s28, $0xFFFFFFFF  }
0xb2: {  	v1 =	vld.msk @!p3 [tilespmem:s2+$0x10598], $0x1;
	_ =	sdelay $0x4  }
0xb3: {  	(v2sf) =	vpush @!p3 v1, $0x0;
	_ =	sdelay $0xc  }
.Ltmp13:
0xb4: {  	_ = 	snop;
	(pc) =	sbr.rel @p2 .LBB2_25-.Ltmp13, $4  }
0xb5: {  	_ = 	snop  }
0xb6: {  	s31 =	spop @!p3 (v2sf)  }
0xb7: {  	s24 =	simm.s32 @!p3 $0x0;
	s26 =	smov.u32 s31  }
0xb8: {  	[sflag:s17] =	ssyncpa.u1 $0x0;
	s31 =	smov.u32 @p3 s5;
	s26 =	smov.u32 @p3 s28  }
0xb9: {  	v1 =	vld.msk [tilespmem:s25+$0x0], $0x1;
	_ =	sdelay $0x4  }
0xba: {  	(v2sf) =	vpush v1, $0x0;
	_ =	sdelay $0xe  }
0xbb: {  	s7 =	smov.u32 s11;
	s5 =	spop (v2sf)  }
0xbc: {  	s17 =	smov.u32 s15;
	s2 =	smul.u32 $0x1C000, s4;
	p2 =	seq.s32 s31, s5  }
0xbd: {  	s3 =	smov.u32 s31;
	s29 =	ssub.s32 $0x0, s0;
	p3 =	sgt.s32 @!p2 s31, $0x0  }
0xbe: {  	s30 =	simm.s32 $0x0;
	s2 =	sshrl.u32 s2, $0x2;
	p3 =	por !p3, p2  }
0xbf: {  	s0 =	sadd.s32 $0x1, s29;
	s28 =	sor.u32 $0x106F8, s2;
	s3 =	simm.s32 @p3 $0x0  }
0xc0: {  	s2 =	simm.s32 @!p2 $0x1;
	p3 =	seq.s32 s0, $0x0;
	s3 =	smin.u32 @!p2 s3, $0x186970  }
.Ltmp14:
0xc1: {  	s4 =	simm.s32 @!p2 $0x7308;
	s9 =	sand.u32 @!p2 $0x1FFFF8, s3;
	(pc) =	sbr.rel @p3 .LBB2_17-.Ltmp14, $4  }
0xc2: {  	s10 =	sadd.s32 @!p2 $0x80, s3;
	s11 =	sadd.s32 @!p2 s1, s9;
	s9 =	sand.u32 @!p2 $0x7, s3  }
0xc3: {  	[tilespmem:s4], [sflag:$0x2] =	stream.linear.gather @!p2 [hbm4b:s11+s9], $0x80, $0x38;
	[tilespmem:$0x1E678] =	vst v63  }
0xc4: {  	s15 =	smov.u32 s14;
	s2 =	smov.u32 @p2 s30;
	s4 =	sand.u32 @!p2 $0x3FFFF8, s10  }
0xc5: {  	s3 =	simm.s32 @!p2 $0x7388;
	s10 =	sadd.s32 @!p2 s1, s4;
	s4 =	sadd.s32 $0x1, s25  }
.LBB2_16:
0xc6: {  	s11 =	smov.u32 s2  }
0xc7: {  	[tilespmem:s3], [sflag:$0x2] =	stream.linear.gather @!p2 [hbm4b:s10+s9], $0x80, $0x38;
	[tilespmem:$0x1E678] =	vst v63  }
0xc8: {  	s0 =	sadd.s32 $0x1, s0;
	s9 =	smov.u32 s5;
	v1 =	vld.msk [tilespmem:s4+$0x0], $0x1  }
0xc9: {  	p3 =	seq.s32 s0, $0x0;
	_ =	sdelay $0x3  }
0xca: {  	(v2sf) =	vpush v1, $0x0;
	_ =	sdelay $0xe  }
0xcb: {  	s5 =	spop (v2sf)  }
0xcc: {  	p2 =	seq.s32 s9, s5  }
0xcd: {  	p4 =	sgt.s32 @!p2 s9, $0x0;
	s3 =	sshll.u32 @!p2 s2, $0xA;
	s2 =	sadd.s32 @!p2 $0x1, s2  }
0xce: {  	p4 =	por !p4, p2;
	s3 =	sshra.s32 @!p2 s3, $0x2;
	s2 =	smov.u32 @p2 s11  }
0xcf: {  	s9 =	simm.s32 @p4 $0x0;
	s10 =	sadd.s32 @!p2 $0x7308, s3;
	s3 =	sadd.s32 @!p2 $0x7388, s3  }
.Ltmp15:
0xd0: {  	s9 =	smin.u32 @!p2 s9, $0x186970;
	(pc) =	sbr.rel @!p3 .LBB2_16-.Ltmp15, $4  }
0xd1: {  	s11 =	sand.u32 @!p2 $0x1FFFF8, s9;
	s14 =	sadd.s32 @!p2 $0x80, s9  }
0xd2: {  	s9 =	sand.u32 @!p2 $0x7, s9;
	s11 =	sadd.s32 @!p2 s1, s11;
	s14 =	sand.u32 @!p2 $0x3FFFF8, s14  }
0xd3: {  	[tilespmem:s10], [sflag:$0x2] =	stream.linear.gather @!p2 [hbm4b:s11+s9], $0x80, $0x38;
	[tilespmem:$0x1E678] =	vst v63  }
0xd4: {  	s4 =	sadd.s32 $0x1, s4;
	s10 =	sadd.s32 @!p2 s1, s14  }
.LBB2_17:
0xd5: {  	[tilespmem:s3], [sflag:$0x2] =	stream.linear.gather @!p2 [hbm4b:s10+s9], $0x80, $0x38;
	[tilespmem:$0x1E678] =	vst v63  }
0xd6: {  	s0 =	sshll.u32 s2, $0x8  }
.Ltmp16:
0xd7: {  	s14 =	simm.s32 $0x2;
	s0 =	sand.u32 $0x3FFFFF00, s0;
	(pc) =	sbr.rel .LBB2_18-.Ltmp16, $4  }
0xd8: {  	_ =	swait.ge [sflag:s14], s0  }
0xd9: {  	s0 =	ssub.s32 $0x0, s0;
	[sflag:s14] =	ssyncset.done $0x0  }
0xda: {  	s4 =	simm.s32 $0x0;
	s11 =	smov.u32 s7;
	[sflag:s14] =	ssyncadd.s32 s0  }
0xdb: {  	s14 =	smov.u32 s15;
	s15 =	smov.u32 s17;
	s17 =	simm.s32 $0xC  }
.LBB2_19:
0xdc: {  	v1 =	vld [tilespmem:s28+$0xFFFFFF80];
	_ =	sdelay $0x4  }
0xdd: {  	[tilespmem:s5+$0x208] =	vst.add.f32.msk $0xffff, v1  }
0xde: {  	v1 =	vld [tilespmem:s28+$0xFFFFFF90];
	_ =	sdelay $0x4  }
0xdf: {  	[tilespmem:s5+$0x218] =	vst.add.f32.msk $0xffff, v1  }
0xe0: {  	v1 =	vld [tilespmem:s28+$0xFFFFFFA0];
	_ =	sdelay $0x4  }
0xe1: {  	[tilespmem:s5+$0x228] =	vst.add.f32.msk $0xffff, v1  }
0xe2: {  	v1 =	vld [tilespmem:s28+$0xFFFFFFB0];
	_ =	sdelay $0x4  }
0xe3: {  	[tilespmem:s5+$0x238] =	vst.add.f32.msk $0xffff, v1  }
0xe4: {  	v1 =	vld [tilespmem:s28+$0xFFFFFFC0];
	_ =	sdelay $0x4  }
0xe5: {  	[tilespmem:s5+$0x248] =	vst.add.f32.msk $0xffff, v1  }
0xe6: {  	v1 =	vld [tilespmem:s28+$0xFFFFFFD0];
	_ =	sdelay $0x4  }
0xe7: {  	[tilespmem:s5+$0x258] =	vst.add.f32.msk $0xffff, v1  }
0xe8: {  	v1 =	vld [tilespmem:s28+$0xFFFFFFE0];
	_ =	sdelay $0x4  }
0xe9: {  	[tilespmem:s5+$0x268] =	vst.add.f32.msk $0xffff, v1  }
0xea: {  	v1 =	vld [tilespmem:s28+$0xFFFFFFF0];
	_ =	sdelay $0x4  }
0xeb: {  	[tilespmem:s5+$0x278] =	vst.add.f32.msk $0xffff, v1  }
0xec: {  	v1 =	vld [tilespmem:s28+$0x0];
	_ =	sdelay $0x4  }
0xed: {  	[tilespmem:s5+$0x288] =	vst.add.f32.msk $0xffff, v1  }
0xee: {  	v1 =	vld [tilespmem:s28+$0x10];
	_ =	sdelay $0x4  }
0xef: {  	[tilespmem:s5+$0x298] =	vst.add.f32.msk $0xffff, v1  }
0xf0: {  	v1 =	vld [tilespmem:s28+$0x20];
	_ =	sdelay $0x4  }
0xf1: {  	[tilespmem:s5+$0x2A8] =	vst.add.f32.msk $0xffff, v1  }
0xf2: {  	v1 =	vld [tilespmem:s28+$0x30];
	_ =	sdelay $0x4  }
0xf3: {  	[tilespmem:s5+$0x2B8] =	vst.add.f32.msk $0xffff, v1  }
0xf4: {  	v1 =	vld [tilespmem:s28+$0x40];
	_ =	sdelay $0x4  }
0xf5: {  	[tilespmem:s5+$0x2C8] =	vst.add.f32.msk $0xffff, v1  }
0xf6: {  	v1 =	vld [tilespmem:s28+$0x50];
	_ =	sdelay $0x4  }
0xf7: {  	[tilespmem:s5+$0x2D8] =	vst.add.f32.msk $0xffff, v1  }
0xf8: {  	v1 =	vld [tilespmem:s28+$0x60];
	_ =	sdelay $0x4  }
0xf9: {  	[tilespmem:s5+$0x2E8] =	vst.add.f32.msk $0xffff, v1  }
0xfa: {  	v1 =	vld [tilespmem:s28+$0x70];
	_ =	sdelay $0x4  }
0xfb: {  	[tilespmem:s5+$0x2F8] =	vst.add.f32.msk $0xffff, v1  }
.LBB2_23:
0xfc: {  	s29 =	sadd.s32 $0x1, s29  }
0xfd: {  	p2 =	seq.s32 s29, $0x0  }
.Ltmp17:
0xfe: {  	_ = 	snop;
	(pc) =	sbr.rel @p2 .LBB2_24-.Ltmp17, $2  }
0xff: {  	_ =	sdelay $0x2  }
0x100: {  	s25 =	sadd.s32 $0x1, s25;
	s28 =	sadd.s32 $0x100, s28;
	s31 =	smov.u32 s0  }
.LBB2_18:
0x101: {  	v1 =	vld.msk [tilespmem:s25+$0x0], $0x1;
	_ =	sdelay $0x4  }
0x102: {  	(v2sf) =	vpush v1, $0x0;
	_ =	sdelay $0xe  }
0x103: {  	s0 =	spop (v2sf)  }
0x104: {  	p2 =	sne.s32 s31, s0  }
.Ltmp18:
0x105: {  	_ = 	snop;
	(pc) =	sbr.rel @!p2 .LBB2_19-.Ltmp18, $3  }
0x106: {  	_ =	sdelay $0x1  }
0x107: {  	s2 =	sshll.u32 s24, $0xA  }
0x108: {  	s5 =	sshra.s32 s2, $0x2  }
0x109: {  	p2 =	seq.s32 s31, s26  }
.Ltmp19:
0x10a: {  	_ = 	snop;
	(pc) =	sbr.rel @!p2 .LBB2_21-.Ltmp19, $1  }
0x10b: {  	_ =	sdelay $0x3  }
.Ltmp20:
0x10c: {  	s2 =	sadd.s32 $0x208, s5;
	(pc) =	sbr.rel .LBB2_22-.Ltmp20, $4  }
0x10d: {  	[spmem:s16] =	stream.linear.scatter [tilespmem:s2], [sflag:$0x1], $0x100, $0x38;
	[tilespmem:$0x1E678] =	vst v63  }
0x10e: {  	_ =	swait.ge [sflag:s12], $0x100  }
0x10f: {  	[sflag:s12] =	ssyncset.done $0x0  }
0x110: {  	[sflag:s12] =	ssyncadd.s32 $0xFFFFFF00  }
.LBB2_21:
0x111: {  	s2 =	sshll.u32 s30, $0xA  }
0x112: {  	s2 =	sshra.s32 s2, $0x2  }
0x113: {  	v1 =	vld [tilespmem:s2+$0x7308];
	_ =	sdelay $0x4  }
0x114: {  	[tilespmem:s5+$0x208] =	vst.add.f32.msk $0xffff, v1  }
0x115: {  	v1 =	vld [tilespmem:s2+$0x7318];
	_ =	sdelay $0x4  }
0x116: {  	[tilespmem:s5+$0x218] =	vst.add.f32.msk $0xffff, v1  }
0x117: {  	v1 =	vld [tilespmem:s2+$0x7328];
	_ =	sdelay $0x4  }
0x118: {  	[tilespmem:s5+$0x228] =	vst.add.f32.msk $0xffff, v1  }
0x119: {  	v1 =	vld [tilespmem:s2+$0x7338];
	_ =	sdelay $0x4  }
0x11a: {  	[tilespmem:s5+$0x238] =	vst.add.f32.msk $0xffff, v1  }
0x11b: {  	v1 =	vld [tilespmem:s2+$0x7348];
	_ =	sdelay $0x4  }
0x11c: {  	[tilespmem:s5+$0x248] =	vst.add.f32.msk $0xffff, v1  }
0x11d: {  	v1 =	vld [tilespmem:s2+$0x7358];
	_ =	sdelay $0x4  }
0x11e: {  	[tilespmem:s5+$0x258] =	vst.add.f32.msk $0xffff, v1  }
0x11f: {  	v1 =	vld [tilespmem:s2+$0x7368];
	_ =	sdelay $0x4  }
0x120: {  	[tilespmem:s5+$0x268] =	vst.add.f32.msk $0xffff, v1  }
0x121: {  	v1 =	vld [tilespmem:s2+$0x7378];
	_ =	sdelay $0x4  }
0x122: {  	[tilespmem:s5+$0x278] =	vst.add.f32.msk $0xffff, v1  }
0x123: {  	v1 =	vld [tilespmem:s2+$0x7388];
	_ =	sdelay $0x4  }
0x124: {  	[tilespmem:s5+$0x288] =	vst.add.f32.msk $0xffff, v1  }
0x125: {  	v1 =	vld [tilespmem:s2+$0x7398];
	_ =	sdelay $0x4  }
0x126: {  	[tilespmem:s5+$0x298] =	vst.add.f32.msk $0xffff, v1  }
0x127: {  	v1 =	vld [tilespmem:s2+$0x73A8];
	_ =	sdelay $0x4  }
0x128: {  	[tilespmem:s5+$0x2A8] =	vst.add.f32.msk $0xffff, v1  }
0x129: {  	v1 =	vld [tilespmem:s2+$0x73B8];
	_ =	sdelay $0x4  }
0x12a: {  	[tilespmem:s5+$0x2B8] =	vst.add.f32.msk $0xffff, v1  }
0x12b: {  	v1 =	vld [tilespmem:s2+$0x73C8];
	_ =	sdelay $0x4  }
0x12c: {  	[tilespmem:s5+$0x2C8] =	vst.add.f32.msk $0xffff, v1  }
0x12d: {  	v1 =	vld [tilespmem:s2+$0x73D8];
	_ =	sdelay $0x4  }
0x12e: {  	[tilespmem:s5+$0x2D8] =	vst.add.f32.msk $0xffff, v1  }
0x12f: {  	v1 =	vld [tilespmem:s2+$0x73E8];
	_ =	sdelay $0x4  }
0x130: {  	[tilespmem:s5+$0x2E8] =	vst.add.f32.msk $0xffff, v1  }
0x131: {  	v1 =	vld [tilespmem:s2+$0x73F8];
	_ =	sdelay $0x2  }
0x132: {  	p2 =	sgt.u32 s31, $0x186970  }
0x133: {  	s2 =	sand.u32 @!p2 $0x1FFFF8, s31  }
0x134: {  	s3 =	sadd.s32 $0x208, s5;
	s9 =	sand.u32 @!p2 $0x7, s31;
	s2 =	sadd.s32 @!p2 s1, s2;
	[tilespmem:s5+$0x2F8] =	vst.add.f32.msk $0xffff, v1  }
0x135: {  	[hbm4b:s2+s9] =	stream.linear.scatter @!p2 [tilespmem:s3], [sflag:$0xC], $0x80, $0x38;
	[tilespmem:$0x1E678] =	vst v63  }
0x136: {  	s2 =	sadd.s32 @!p2 $0x80, s31  }
0x137: {  	s2 =	sand.u32 @!p2 $0x3FFFF8, s2  }
0x138: {  	s3 =	sadd.s32 $0x288, s5;
	s2 =	sadd.s32 @!p2 s1, s2  }
0x139: {  	[hbm4b:s2+s9] =	stream.linear.scatter @!p2 [tilespmem:s3], [sflag:$0xC], $0x80, $0x38;
	[tilespmem:$0x1E678] =	vst v63  }
0x13a: {  	s2 =	simm.s32 $0x0  }
0x13b: {  	s2 =	simm.s32 @!p2 $0x400  }
0x13c: {  	s4 =	sadd.s32 s2, s4  }
.LBB2_22:
0x13d: {  	s2 =	sadd.s32 $0x1, s24  }
0x13e: {  	s3 =	sshrl.u32 s2, $0x4  }
0x13f: {  	s3 =	smulhi.u32 $0x24924925, s3  }
0x140: {  	v1 =	vld [tilespmem:s28+$0xFFFFFF80]  }
0x141: {  	s3 =	smul.u32 $0x70, s3;
	_ =	sdelay $0x1  }
0x142: {  	s24 =	ssub.s32 s2, s3  }
0x143: {  	s2 =	sshll.u32 s24, $0x8  }
0x144: {  	[tilespmem:s2+$0x208] =	vst v1  }
0x145: {  	v1 =	vld [tilespmem:s28+$0xFFFFFF90];
	_ =	sdelay $0x4  }
0x146: {  	[tilespmem:s2+$0x218] =	vst v1  }
0x147: {  	v1 =	vld [tilespmem:s28+$0xFFFFFFA0];
	_ =	sdelay $0x4  }
0x148: {  	[tilespmem:s2+$0x228] =	vst v1  }
0x149: {  	v1 =	vld [tilespmem:s28+$0xFFFFFFB0];
	_ =	sdelay $0x4  }
0x14a: {  	[tilespmem:s2+$0x238] =	vst v1  }
0x14b: {  	v1 =	vld [tilespmem:s28+$0xFFFFFFC0];
	_ =	sdelay $0x4  }
0x14c: {  	[tilespmem:s2+$0x248] =	vst v1  }
0x14d: {  	v1 =	vld [tilespmem:s28+$0xFFFFFFD0];
	_ =	sdelay $0x4  }
0x14e: {  	[tilespmem:s2+$0x258] =	vst v1  }
0x14f: {  	v1 =	vld [tilespmem:s28+$0xFFFFFFE0];
	_ =	sdelay $0x4  }
0x150: {  	[tilespmem:s2+$0x268] =	vst v1  }
0x151: {  	v1 =	vld [tilespmem:s28+$0xFFFFFFF0];
	_ =	sdelay $0x4  }
0x152: {  	[tilespmem:s2+$0x278] =	vst v1  }
0x153: {  	v1 =	vld [tilespmem:s28+$0x0];
	_ =	sdelay $0x4  }
0x154: {  	[tilespmem:s2+$0x288] =	vst v1  }
0x155: {  	v1 =	vld [tilespmem:s28+$0x10];
	_ =	sdelay $0x4  }
0x156: {  	[tilespmem:s2+$0x298] =	vst v1  }
0x157: {  	v1 =	vld [tilespmem:s28+$0x20];
	_ =	sdelay $0x4  }
0x158: {  	[tilespmem:s2+$0x2A8] =	vst v1  }
0x159: {  	v1 =	vld [tilespmem:s28+$0x30];
	_ =	sdelay $0x4  }
0x15a: {  	[tilespmem:s2+$0x2B8] =	vst v1  }
0x15b: {  	v1 =	vld [tilespmem:s28+$0x40];
	_ =	sdelay $0x4  }
0x15c: {  	[tilespmem:s2+$0x2C8] =	vst v1  }
0x15d: {  	v1 =	vld [tilespmem:s28+$0x50];
	_ =	sdelay $0x4  }
0x15e: {  	[tilespmem:s2+$0x2D8] =	vst v1  }
0x15f: {  	v1 =	vld [tilespmem:s28+$0x60];
	_ =	sdelay $0x4  }
0x160: {  	[tilespmem:s2+$0x2E8] =	vst v1  }
0x161: {  	v1 =	vld [tilespmem:s28+$0x70]  }
.Ltmp21:
0x162: {  	_ = 	snop;
	(pc) =	sbr.rel .LBB2_23-.Ltmp21, $2  }
0x163: {  	_ =	sdelay $0x2  }
0x164: {  	s30 =	sadd.s32 $0x1, s30;
	[tilespmem:s2+$0x2F8] =	vst v1  }
.LBB2_25:
.Ltmp22:
0x165: {  	(pc) =	sbr.rel .LBB2_26-.Ltmp22, $4  }
0x166: {  	_ = 	snop  }
0x167: {  	s0 =	simm.s32 $0x2  }
0x168: {  	_ =	swait.ge [sflag:s0], $0x0  }
0x169: {  	s2 =	simm.s32 $0x0;
	[sflag:s0] =	ssyncset.done $0x0;
	s0 =	smov.u32 s31  }
.LBB2_28:
0x16a: {  	_ =	sfence.sel $0x180000  }
0x16b: {  	s0 =	simm.s32 $0x9;
	[bflag:$0x0] =	sbarrier.arrive $0xFFFF  }
0x16c: {  	s24 =	simm.s32 $0xA;
	[sflag:s0] =	ssyncpa.u1 $0x1  }
0x16d: {  	s25 =	simm.s32 $0xB;
	[sflag:s24] =	ssyncpa.u1 $0x1  }
0x16e: {  	s26 =	simm.s32 $0x2;
	[sflag:s25] =	ssyncpa.u1 $0x1  }
0x16f: {  	[sflag:s26] =	ssyncpa.u1 $0x1  }
0x170: {  	v0 =	vld [tilespmem:$0xE408];
	_ =	sdelay $0x4  }
0x171: {  	(v2sf) =	vpush v0, $0x0  }
0x172: {  	(v2sf) =	vpush v0, $0x1;
	_ =	sdelay $0x1  }
0x173: {  	(v2sf) =	vpush v0, $0x2;
	_ =	sdelay $0xb  }
0x174: {  	s0 =	spop (v2sf)  }
0x175: {  	s2 =	spop (v2sf)  }
0x176: {  	s3 =	smov.u32 s0;
	p0 =	sne.s32 s0, s2  }
0x177: {  	s4 =	spop (v2sf);
	s3 =	simm.s32 @!p0 $0xFFFFFFFF  }
0x178: {  	v2 =	vimm.s32 $0x1;
	v3 =	vlaneseq.u32;
	p0 =	seq.s32 s4, $0xFFFFFFFF;
	v1 =	vmov s3  }
0x179: {  	s15 =	stileid.u32;
	v0 =	vperm.xlane v0, v2;
	p1 =	sne.s32 @!p0 s0, s2;
	v1 =	vperm.xlane v1, v3  }
0x17a: {  	vm0 =	vcmask $0x3F04;
	s6 =	simm.s32 $0xE408;
	s0 =	simm.s32 @!p0 $0x1;
	p1 =	por !p1, p0  }
0x17b: {  	s3 =	sshll.u32 s15, $0x1;
	s2 =	sshll.u32 @!p0 s4, $0xA;
	s0 =	simm.s32 @p1 $0x0;
	v0 =	vsel vm0, v1, v0  }
0x17c: {  	s5 =	sor.u32 $0x2000, s3;
	s2 =	sshra.s32 @!p0 s2, $0x2;
	s0 =	sor.u32 @!p0 s0, s3;
	[tilespmem:$0xE408] =	vst v0  }
0x17d: {  	[spmem:s5] =	stream.linear.scatter [tilespmem:s6], [sflag:$0x1], $0x2, $0x38;
	[tilespmem:$0x1E678] =	vst v63  }
0x17e: {  	s2 =	sadd.s32 @!p0 $0x208, s2;
	s0 =	sshll.u32 @!p0 s0, $0x8  }
0x17f: {  	[spmem:s0] =	stream.linear.scatter @!p0 [tilespmem:s2], [sflag:$0x1], $0x100, $0x38;
	[tilespmem:$0x1E678] =	vst v63  }
0x180: {  	s0 =	simm.s32 @!p0 $0x102  }
0x181: {  	s28 =	simm.s32 $0x1;
	s0 =	simm.s32 @p0 $0x2  }
0x182: {  	_ =	swait.ge [sflag:s28], s0  }
0x183: {  	s0 =	ssub.s32 $0x0, s0;
	[sflag:s28] =	ssyncset.done $0x0  }
0x184: {  	p0 =	sne.s32 s15, $0x0;
	[sflag:s28] =	ssyncadd.s32 s0  }
.Ltmp23:
0x185: {  	_ =	sfence.stream.spmem;
	(pc) =	sbr.rel @p0 .LBB2_45-.Ltmp23, $4  }
0x186: {  	s29 =	simm.s32 $0x3;
	[bflag:$0x0] =	sbarrier.arrive $0xFFFF  }
0x187: {  	s30 =	simm.s32 $0x4;
	[sflag:s29] =	ssyncpa.u1 $0x1  }
0x188: {  	s31 =	simm.s32 $0x3C;
	[sflag:s30] =	ssyncpa.u1 $0x1  }
0x189: {  	s14 =	rddreg [dreg:$0x4];
	[sflag:s31] =	ssyncpa.u1 $0x1  }
0x18a: {  	_ =	sfence.stream.spmem;
	s0 =	simm.s32 $0x5  }
0x18b: {  	s2 =	simm.s32 $0x2000;
	s3 =	simm.s32 $0xE418;
	[sflag:s0] =	ssyncpa.u1 $0x0  }
0x18c: {  	[tilespmem:s3], [sflag:$0x5] =	stream.linear.gather [spmem:s2], $0x20, $0x38;
	[tilespmem:$0x1E678] =	vst v63  }
0x18d: {  	s26 =	simm.s32 $0x0;
	s28 =	simm.s32 $0xE438  }
0x18e: {  	[tilespmem:s28], [sflag:$0x5] =	stream.linear.gather [spmem:s26], $0x2000, $0x38;
	[tilespmem:$0x1E678] =	vst v63  }
0x18f: {  	_ =	swait.ge [sflag:s0], $0x2020  }
0x190: {  	[sflag:s0] =	ssyncset.done $0x0  }
0x191: {  	s29 =	simm.s32 $0x0;
	[sflag:s0] =	ssyncadd.s32 $0xFFFFDFE0  }
0x192: {  	v0 =	vld.msk [tilespmem:s29+$0xE418], $0x1;
	_ =	sdelay $0x1  }
0x193: {  	s30 =	simm.s32 $0x1  }
0x194: {  	v1 =	vld.msk [tilespmem:s30+$0xE418], $0x1;
	_ =	sdelay $0x1  }
0x195: {  	(v2sf) =	vpush v0, $0x0;
	_ =	sdelay $0x2  }
0x196: {  	(v2sf) =	vpush v1, $0x0;
	_ =	sdelay $0x2  }
0x197: {  	s31 =	simm.s32 $0x2  }
0x198: {  	v0 =	vld.msk [tilespmem:s31+$0xE418], $0x1;
	_ =	sdelay $0x2  }
0x199: {  	s2 =	simm.s32 $0xFFFFFFFF;
	s3 =	simm.s32 $0xFFFFFFFF;
	s0 =	simm.s32 $0xC  }
.LBB2_30:
0x19a: {  	s4 =	smov.u32 s3;
	s5 =	smov.u32 s2  }
0x19b: {  	s2 =	sshra.s32 s0, $0x2;
	p1 =	sne.s32 s0, $0x7C;
	s0 =	sadd.s32 $0x4, s0;
	(v2sf) =	vpush v0, $0x0  }
0x19c: {  	v0 =	vld.msk [tilespmem:s2+$0xE418], $0x1  }
.Ltmp24:
0x19d: {  	(pc) =	sbr.rel @p1 .LBB2_30-.Ltmp24, $4  }
0x19e: {  	s3 =	spop (v2sf)  }
0x19f: {  	p2 =	sne.s32 s5, $0xFFFFFFFF;
	s2 =	smov.u32 s3  }
0x1a0: {  	p3 =	seq.s32 s3, $0xFFFFFFFF;
	s2 =	smov.u32 @p2 s5  }
0x1a1: {  	s3 =	smov.u32 @p3 s4;
	s2 =	smov.u32 @p3 s5  }
0x1a2: {  	(v2sf) =	vpush v0, $0x0;
	_ =	sdelay $0x8  }
0x1a3: {  	s0 =	spop (v2sf)  }
0x1a4: {  	p1 =	sne.s32 s2, $0xFFFFFFFF;
	s9 =	simm.s32 $0x6;
	s4 =	smov.u32 s0  }
0x1a5: {  	s6 =	simm.s32 $0x0;
	p2 =	seq.s32 s0, $0xFFFFFFFF;
	s4 =	smov.u32 @p1 s2  }
0x1a6: {  	s10 =	simm.s32 $0xE308;
	s4 =	smov.u32 @p2 s2;
	s2 =	spop (v2sf)  }
0x1a7: {  	s0 =	smov.u32 @p2 s3;
	p1 =	sne.s32 s4, $0xFFFFFFFF;
	s5 =	smov.u32 s2  }
.Ltmp25:
0x1a8: {  	p2 =	seq.s32 s2, $0xFFFFFFFF;
	s5 =	smov.u32 @p1 s4;
	(pc) =	sbr.rel .LBB2_32-.Ltmp25, $4  }
0x1a9: {  	s11 =	simm.s32 $0xE388;
	s5 =	smov.u32 @p2 s4;
	s7 =	spop (v2sf)  }
0x1aa: {  	s12 =	simm.s32 $0x0;
	p1 =	sne.s32 s5, $0xFFFFFFFF;
	s8 =	smov.u32 s7  }
0x1ab: {  	s2 =	smov.u32 @p2 s0;
	p2 =	seq.s32 s7, $0xFFFFFFFF;
	s8 =	smov.u32 @p1 s5  }
0x1ac: {  	[sflag:s9] =	ssyncpa.u1 $0x0;
	s7 =	smov.u32 @p2 s2;
	s8 =	smov.u32 @p2 s5  }
.LBB2_38:
0x1ad: {  	p1 =	sgt.u32 s0, $0x186970  }
0x1ae: {  	p2 =	seq.s32 @!p1 s0, s8  }
0x1af: {  	p1 =	por p1, p2  }
0x1b0: {  	p2 =	sne.s32 @!p1 s0, s7  }
0x1b1: {  	p1 =	por p1, !p2  }
0x1b2: {  	s0 =	sshll.u32 @p1 s12, $0xA  }
0x1b3: {  	s2 =	sand.u32 @!p1 $0x1FFFF8, s0;
	s3 =	sand.u32 @!p1 $0x7, s0;
	s0 =	sadd.s32 @!p1 $0x80, s0  }
0x1b4: {  	s2 =	sadd.s32 @!p1 s1, s2;
	s0 =	sand.u32 @!p1 $0x3FFFF8, s0  }
0x1b5: {  	[tilespmem:s10], [sflag:$0x6] =	stream.linear.gather @!p1 [hbm4b:s2+s3], $0x80, $0x38;
	[tilespmem:$0x1E678] =	vst v63  }
0x1b6: {  	s0 =	sadd.s32 @!p1 s1, s0  }
0x1b7: {  	[tilespmem:s11], [sflag:$0x6] =	stream.linear.gather @!p1 [hbm4b:s0+s3], $0x80, $0x38;
	[tilespmem:$0x1E678] =	vst v63  }
0x1b8: {  	_ =	swait.ge @!p1 [sflag:s9], $0x100  }
0x1b9: {  	[sflag:s9] =	ssyncset.done @!p1 $0x0  }
0x1ba: {  	[sflag:s9] =	ssyncadd.s32 @!p1 $0xFFFFFF00  }
0x1bb: {  	v1 =	vld @!p1 [tilespmem:$0xE308];
	_ =	sdelay $0x2  }
0x1bc: {  	s0 =	sshll.u32 @!p1 s12, $0xA  }
0x1bd: {  	s2 =	sshrl.u32 @!p1 s0, $0x2  }
0x1be: {  	[tilespmem:s2+$0xE438] =	vst.add.f32.msk @!p1 $0xffff, v1  }
0x1bf: {  	v1 =	vld @!p1 [tilespmem:$0xE318];
	_ =	sdelay $0x4  }
0x1c0: {  	[tilespmem:s2+$0xE448] =	vst.add.f32.msk @!p1 $0xffff, v1  }
0x1c1: {  	v1 =	vld @!p1 [tilespmem:$0xE328];
	_ =	sdelay $0x4  }
0x1c2: {  	[tilespmem:s2+$0xE458] =	vst.add.f32.msk @!p1 $0xffff, v1  }
0x1c3: {  	v1 =	vld @!p1 [tilespmem:$0xE338];
	_ =	sdelay $0x4  }
0x1c4: {  	[tilespmem:s2+$0xE468] =	vst.add.f32.msk @!p1 $0xffff, v1  }
0x1c5: {  	v1 =	vld @!p1 [tilespmem:$0xE348];
	_ =	sdelay $0x4  }
0x1c6: {  	[tilespmem:s2+$0xE478] =	vst.add.f32.msk @!p1 $0xffff, v1  }
0x1c7: {  	v1 =	vld @!p1 [tilespmem:$0xE358];
	_ =	sdelay $0x4  }
0x1c8: {  	[tilespmem:s2+$0xE488] =	vst.add.f32.msk @!p1 $0xffff, v1  }
0x1c9: {  	v1 =	vld @!p1 [tilespmem:$0xE368];
	_ =	sdelay $0x4  }
0x1ca: {  	[tilespmem:s2+$0xE498] =	vst.add.f32.msk @!p1 $0xffff, v1  }
0x1cb: {  	v1 =	vld @!p1 [tilespmem:$0xE378];
	_ =	sdelay $0x4  }
0x1cc: {  	[tilespmem:s2+$0xE4A8] =	vst.add.f32.msk @!p1 $0xffff, v1  }
0x1cd: {  	v1 =	vld @!p1 [tilespmem:$0xE388];
	_ =	sdelay $0x4  }
0x1ce: {  	[tilespmem:s2+$0xE4B8] =	vst.add.f32.msk @!p1 $0xffff, v1  }
0x1cf: {  	v1 =	vld @!p1 [tilespmem:$0xE398];
	_ =	sdelay $0x4  }
0x1d0: {  	[tilespmem:s2+$0xE4C8] =	vst.add.f32.msk @!p1 $0xffff, v1  }
0x1d1: {  	v1 =	vld @!p1 [tilespmem:$0xE3A8];
	_ =	sdelay $0x4  }
0x1d2: {  	[tilespmem:s2+$0xE4D8] =	vst.add.f32.msk @!p1 $0xffff, v1  }
0x1d3: {  	v1 =	vld @!p1 [tilespmem:$0xE3B8];
	_ =	sdelay $0x4  }
0x1d4: {  	[tilespmem:s2+$0xE4E8] =	vst.add.f32.msk @!p1 $0xffff, v1  }
0x1d5: {  	v1 =	vld @!p1 [tilespmem:$0xE3C8];
	_ =	sdelay $0x4  }
0x1d6: {  	[tilespmem:s2+$0xE4F8] =	vst.add.f32.msk @!p1 $0xffff, v1  }
0x1d7: {  	v1 =	vld @!p1 [tilespmem:$0xE3D8];
	_ =	sdelay $0x4  }
0x1d8: {  	[tilespmem:s2+$0xE508] =	vst.add.f32.msk @!p1 $0xffff, v1  }
0x1d9: {  	v1 =	vld @!p1 [tilespmem:$0xE3E8];
	_ =	sdelay $0x4  }
0x1da: {  	[tilespmem:s2+$0xE518] =	vst.add.f32.msk @!p1 $0xffff, v1  }
0x1db: {  	v1 =	vld @!p1 [tilespmem:$0xE3F8];
	_ =	sdelay $0x4  }
0x1dc: {  	[tilespmem:s2+$0xE528] =	vst.add.f32.msk @!p1 $0xffff, v1  }
0x1dd: {  	s0 =	sshrl.u32 s0, $0x2;
	[tilespmem:s6+$0xE418] =	vst.msk $0x1, v0  }
0x1de: {  	v0 =	vld [tilespmem:s0+$0xE438];
	_ =	sdelay $0x2  }
0x1df: {  	s31 =	sshll.u32 s6, $0xA  }
0x1e0: {  	s2 =	sshra.s32 s31, $0x2  }
0x1e1: {  	[tilespmem:s2+$0xE438] =	vst v0  }
0x1e2: {  	v0 =	vld [tilespmem:s0+$0xE448];
	_ =	sdelay $0x4  }
0x1e3: {  	[tilespmem:s2+$0xE448] =	vst v0  }
0x1e4: {  	v0 =	vld [tilespmem:s0+$0xE458];
	_ =	sdelay $0x4  }
0x1e5: {  	[tilespmem:s2+$0xE458] =	vst v0  }
0x1e6: {  	v0 =	vld [tilespmem:s0+$0xE468];
	_ =	sdelay $0x4  }
0x1e7: {  	[tilespmem:s2+$0xE468] =	vst v0  }
0x1e8: {  	v0 =	vld [tilespmem:s0+$0xE478];
	_ =	sdelay $0x4  }
0x1e9: {  	[tilespmem:s2+$0xE478] =	vst v0  }
0x1ea: {  	v0 =	vld [tilespmem:s0+$0xE488];
	_ =	sdelay $0x4  }
0x1eb: {  	[tilespmem:s2+$0xE488] =	vst v0  }
0x1ec: {  	v0 =	vld [tilespmem:s0+$0xE498];
	_ =	sdelay $0x4  }
0x1ed: {  	[tilespmem:s2+$0xE498] =	vst v0  }
0x1ee: {  	v0 =	vld [tilespmem:s0+$0xE4A8];
	_ =	sdelay $0x4  }
0x1ef: {  	[tilespmem:s2+$0xE4A8] =	vst v0  }
0x1f0: {  	v0 =	vld [tilespmem:s0+$0xE4B8];
	_ =	sdelay $0x4  }
0x1f1: {  	[tilespmem:s2+$0xE4B8] =	vst v0  }
0x1f2: {  	v0 =	vld [tilespmem:s0+$0xE4C8];
	_ =	sdelay $0x4  }
0x1f3: {  	[tilespmem:s2+$0xE4C8] =	vst v0  }
0x1f4: {  	v0 =	vld [tilespmem:s0+$0xE4D8];
	_ =	sdelay $0x4  }
0x1f5: {  	[tilespmem:s2+$0xE4D8] =	vst v0  }
0x1f6: {  	v0 =	vld [tilespmem:s0+$0xE4E8];
	_ =	sdelay $0x4  }
0x1f7: {  	[tilespmem:s2+$0xE4E8] =	vst v0  }
0x1f8: {  	v0 =	vld [tilespmem:s0+$0xE4F8];
	_ =	sdelay $0x4  }
0x1f9: {  	[tilespmem:s2+$0xE4F8] =	vst v0  }
0x1fa: {  	v0 =	vld [tilespmem:s0+$0xE508];
	_ =	sdelay $0x4  }
0x1fb: {  	[tilespmem:s2+$0xE508] =	vst v0  }
0x1fc: {  	v0 =	vld [tilespmem:s0+$0xE518];
	_ =	sdelay $0x4  }
0x1fd: {  	[tilespmem:s2+$0xE518] =	vst v0  }
0x1fe: {  	v0 =	vld [tilespmem:s0+$0xE528];
	_ =	sdelay $0x4  }
0x1ff: {  	s6 =	sadd.s32 $0x1, s6;
	[tilespmem:s2+$0xE528] =	vst v0  }
.LBB2_39:
0x200: {  	s12 =	sadd.s32 $0x1, s12  }
0x201: {  	p1 =	sne.s32 s12, $0x20  }
.Ltmp26:
0x202: {  	_ = 	snop;
	(pc) =	sbr.rel @!p1 .LBB2_40-.Ltmp26, $1  }
0x203: {  	_ =	sdelay $0x3  }
.LBB2_32:
0x204: {  	v0 =	vld.msk [tilespmem:s12+$0xE418], $0x1;
	_ =	sdelay $0x4  }
0x205: {  	(v2sf) =	vpush v0, $0x0;
	_ =	sdelay $0xe  }
0x206: {  	s0 =	spop (v2sf)  }
0x207: {  	p1 =	seq.s32 s0, $0xFFFFFFFF  }
.Ltmp27:
0x208: {  	_ = 	snop;
	(pc) =	sbr.rel @p1 .LBB2_39-.Ltmp27, $1  }
0x209: {  	_ =	sdelay $0x3  }
0x20a: {  	p1 =	slt.s32 s6, $0x1  }
.Ltmp28:
0x20b: {  	_ = 	snop;
	(pc) =	sbr.rel @p1 .LBB2_38-.Ltmp28, $1  }
0x20c: {  	_ =	sdelay $0x3  }
0x20d: {  	s4 =	simm.s32 $0xE418;
	p1 =	por $0x0, $0x0  }
0x20e: {  	v1 =	vld.msk @!p1 [tilespmem:s4+$0x0], $0x1;
	_ =	sdelay $0x4  }
0x20f: {  	(v2sf) =	vpush @!p1 v1, $0x0;
	_ =	sdelay $0xd  }
0x210: {  	p3 =	sne.s32 s6, $0x1  }
.Ltmp29:
0x211: {  	s2 =	spop @!p1 (v2sf);
	(pc) =	sbr.rel @!p3 .LBB2_36-.Ltmp29, $4  }
0x212: {  	p2 =	seq.s32 @!p1 s0, s2  }
0x213: {  	s5 =	simm.s32 $0x0;
	p2 =	por !p2, p1  }
0x214: {  	s2 =	simm.s32 $0xFFFFFFFF;
	s5 =	simm.s32 @p2 $0xFFFFFFFF  }
0x215: {  	s13 =	simm.s32 $0x1;
	s5 =	smov.u32 @p1 s2  }
.LBB2_35:
0x216: {  	s2 =	smov.u32 s5;
	p1 =	sne.s32 s5, $0xFFFFFFFF  }
0x217: {  	s4 =	sadd.s32 $0x1, s4;
	s5 =	smov.u32 s13;
	s13 =	sadd.s32 $0x1, s13  }
0x218: {  	p2 =	sne.s32 s6, s13;
	v1 =	vld.msk @!p1 [tilespmem:s4+$0x0], $0x1;
	_ =	sdelay $0x4  }
0x219: {  	(v2sf) =	vpush @!p1 v1, $0x0;
	_ =	sdelay $0xe  }
.Ltmp30:
0x21a: {  	s3 =	spop @!p1 (v2sf);
	(pc) =	sbr.rel @p2 .LBB2_35-.Ltmp30, $4  }
0x21b: {  	p3 =	seq.s32 @!p1 s0, s3  }
0x21c: {  	p3 =	por !p3, p1  }
0x21d: {  	s5 =	simm.s32 @p3 $0xFFFFFFFF  }
0x21e: {  	s5 =	smov.u32 @p1 s2  }
.LBB2_36:
0x21f: {  	p1 =	seq.s32 s5, $0xFFFFFFFF  }
.Ltmp31:
0x220: {  	_ = 	snop;
	(pc) =	sbr.rel @p1 .LBB2_38-.Ltmp31, $1  }
0x221: {  	_ =	sdelay $0x3  }
0x222: {  	s0 =	sshll.u32 s12, $0x8  }
0x223: {  	s0 =	sand.u32 $0x3FFFFF00, s0  }
0x224: {  	v0 =	vld [tilespmem:s0+$0xE438];
	_ =	sdelay $0x2  }
0x225: {  	s2 =	sshll.u32 s5, $0xA  }
0x226: {  	s2 =	sshra.s32 s2, $0x2  }
0x227: {  	[tilespmem:s2+$0xE438] =	vst.add.f32.msk $0xffff, v0  }
0x228: {  	v0 =	vld [tilespmem:s0+$0xE448];
	_ =	sdelay $0x4  }
0x229: {  	[tilespmem:s2+$0xE448] =	vst.add.f32.msk $0xffff, v0  }
0x22a: {  	v0 =	vld [tilespmem:s0+$0xE458];
	_ =	sdelay $0x4  }
0x22b: {  	[tilespmem:s2+$0xE458] =	vst.add.f32.msk $0xffff, v0  }
0x22c: {  	v0 =	vld [tilespmem:s0+$0xE468];
	_ =	sdelay $0x4  }
0x22d: {  	[tilespmem:s2+$0xE468] =	vst.add.f32.msk $0xffff, v0  }
0x22e: {  	v0 =	vld [tilespmem:s0+$0xE478];
	_ =	sdelay $0x4  }
0x22f: {  	[tilespmem:s2+$0xE478] =	vst.add.f32.msk $0xffff, v0  }
0x230: {  	v0 =	vld [tilespmem:s0+$0xE488];
	_ =	sdelay $0x4  }
0x231: {  	[tilespmem:s2+$0xE488] =	vst.add.f32.msk $0xffff, v0  }
0x232: {  	v0 =	vld [tilespmem:s0+$0xE498];
	_ =	sdelay $0x4  }
0x233: {  	[tilespmem:s2+$0xE498] =	vst.add.f32.msk $0xffff, v0  }
0x234: {  	v0 =	vld [tilespmem:s0+$0xE4A8];
	_ =	sdelay $0x4  }
0x235: {  	[tilespmem:s2+$0xE4A8] =	vst.add.f32.msk $0xffff, v0  }
0x236: {  	v0 =	vld [tilespmem:s0+$0xE4B8];
	_ =	sdelay $0x4  }
0x237: {  	[tilespmem:s2+$0xE4B8] =	vst.add.f32.msk $0xffff, v0  }
0x238: {  	v0 =	vld [tilespmem:s0+$0xE4C8];
	_ =	sdelay $0x4  }
0x239: {  	[tilespmem:s2+$0xE4C8] =	vst.add.f32.msk $0xffff, v0  }
0x23a: {  	v0 =	vld [tilespmem:s0+$0xE4D8];
	_ =	sdelay $0x4  }
0x23b: {  	[tilespmem:s2+$0xE4D8] =	vst.add.f32.msk $0xffff, v0  }
0x23c: {  	v0 =	vld [tilespmem:s0+$0xE4E8];
	_ =	sdelay $0x4  }
0x23d: {  	[tilespmem:s2+$0xE4E8] =	vst.add.f32.msk $0xffff, v0  }
0x23e: {  	v0 =	vld [tilespmem:s0+$0xE4F8];
	_ =	sdelay $0x4  }
0x23f: {  	[tilespmem:s2+$0xE4F8] =	vst.add.f32.msk $0xffff, v0  }
0x240: {  	v0 =	vld [tilespmem:s0+$0xE508];
	_ =	sdelay $0x4  }
0x241: {  	[tilespmem:s2+$0xE508] =	vst.add.f32.msk $0xffff, v0  }
0x242: {  	v0 =	vld [tilespmem:s0+$0xE518];
	_ =	sdelay $0x4  }
0x243: {  	[tilespmem:s2+$0xE518] =	vst.add.f32.msk $0xffff, v0  }
0x244: {  	v0 =	vld [tilespmem:s0+$0xE528]  }
.Ltmp32:
0x245: {  	_ = 	snop;
	(pc) =	sbr.rel .LBB2_39-.Ltmp32, $2  }
0x246: {  	_ =	sdelay $0x2  }
0x247: {  	[tilespmem:s2+$0xE528] =	vst.add.f32.msk $0xffff, v0  }
.LBB2_40:
0x248: {  	s0 =	simm.s32 $0x6;
	p1 =	seq.s32 s6, $0x0  }
0x249: {  	[sflag:s0] =	ssyncpa.u1 $0x1;
	v0 =	vimm.s32 @p1 $0xFFFFFFFF  }
0x24a: {  	s0 =	sadd.s32 $0xFFFFFFFF, s6;
	[tilespmem:$0x10438] =	vst @p1 v0  }
0x24b: {  	v0 =	vld.msk @!p1 [tilespmem:s0+$0xE418], $0x1;
	_ =	sdelay $0x1  }
0x24c: {  	v1 =	vld.msk @!p1 [tilespmem:$0xE418], $0x1;
	_ =	sdelay $0x2  }
0x24d: {  	p2 =	seq.s32 @!p1 s0, $0x0;
	v0 =	vbroadcast @!p1 v0, $0x0  }
0x24e: {  	vm0 =	vmmov @!p1 $0x1;
	p2 =	por !p2, p1  }
0x24f: {  	v1 =	vnsel @!p1 vm0, $0xFFFFFFFF, v1;
	vm0 =	vcmask @!p1 $0x308;
	v0 =	vpsel !p2, $0xFFFFFFFF, v0  }
0x250: {  	p2 =	sne.s32 @!p1 s8, s7;
	v0 =	vsel @!p1 vm0, v1, v0  }
0x251: {  	s2 =	simm.s32 @!p1 $0xE438;
	s3 =	simm.s32 @!p1 $0x0;
	p3 =	por !p2, p1;
	[tilespmem:$0x10438] =	vst @!p1 v0  }
0x252: {  	[spmem:s3] =	stream.linear.scatter @!p1 [tilespmem:s2], [sflag:$0x1], $0x100, $0x38;
	[tilespmem:$0x1E678] =	vst v63  }
0x253: {  	s2 =	sshll.u32 @!p3 s0, $0xA  }
0x254: {  	s2 =	sshra.s32 @!p3 s2, $0x2  }
0x255: {  	s3 =	simm.s32 @!p3 $0x100;
	s2 =	sadd.s32 @!p3 $0xE438, s2  }
0x256: {  	[spmem:s3] =	stream.linear.scatter @!p3 [tilespmem:s2], [sflag:$0x1], $0x100, $0x38;
	[tilespmem:$0x1E678] =	vst v63  }
0x257: {  	s2 =	simm.s32 @!p3 $0x1  }
0x258: {  	_ =	swait.ge @!p3 [sflag:s2], $0x200  }
0x259: {  	p1 =	por p2, p1;
	[sflag:s2] =	ssyncset.done @!p3 $0x0  }
0x25a: {  	[sflag:s2] =	ssyncadd.s32 @!p3 $0xFFFFFE00;
	s2 =	simm.s32 @!p1 $0x1  }
0x25b: {  	_ =	swait.ge @!p1 [sflag:s2], $0x100  }
0x25c: {  	s29 =	simm.s32 $0x10438;
	[sflag:s2] =	ssyncset.done @!p1 $0x0  }
0x25d: {  	s30 =	simm.s32 $0x2000;
	s31 =	simm.s32 $0x1;
	[sflag:s2] =	ssyncadd.s32 @!p1 $0xFFFFFF00  }
0x25e: {  	[spmem:s30] =	stream.linear.scatter [tilespmem:s29], [sflag:$0x1], $0x10, $0x38;
	[tilespmem:$0x1E678] =	vst v63  }
0x25f: {  	_ =	swait.ge [sflag:s31], $0x10  }
0x260: {  	[sflag:s31] =	ssyncset.done $0x0  }
0x261: {  	p1 =	seq.s32 s14, $0x0;
	s9 =	rddreg [dreg:$0x1];
	[sflag:s31] =	ssyncadd.s32 $0xFFFFFFF0  }
0x262: {  	s3 =	sshll.u32 @p1 s9, $0xE;
	s8 =	rddreg [dreg:$0x2]  }
0x263: {  	s2 =	sadd.s32 @p1 $0x15C3C, s3;
	s3 =	sshll.u32 @p1 s8, $0x11  }
0x264: {  	_ =	sfence.stream.spmem;
	s2 =	sor.u32 @p1 s3, s2  }
0x265: {  	[sflag:s2] =	ssyncadd.remote.s32 @p1 $0x1;
	s2 =	simm.s32 @p1 $0x4  }
0x266: {  	s4 =	simm.s32 @!p1 $0x3C;
	s3 =	sand.u32 $0xFFFFFFFE, s9;
	_ =	swait.ge @p1 [sflag:s2], $0x42  }
0x267: {  	s5 =	simm.s32 @!p1 $0x0;
	s3 =	sadd.s32 @!p1 $0x4, s3;
	[sflag:s2] =	ssyncset.done @p1 $0x0  }
0x268: {  	s7 =	simm.s32 @!p1 $0x200;
	[sflag:s2] =	ssyncadd.s32 @p1 $0xFFFFFFBE;
	s2 =	sshll.u32 @!p1 s3, $0x1A  }
0x269: {  	s3 =	sshll.u32 @!p1 s3, $0xD;
	s2 =	sor.u32 @!p1 s2, s8;
	_ =	swait.eq @!p1 [sflag:s4], $0x1  }
0x26a: {  	s3 =	sor.u32 @!p1 $0x1C04, s3;
	s4 =	simm.s32 @!p1 $0x1C03;
	s2 =	sor.u32 @!p1 $0x80004000, s2  }
0x26b: {  	[spmem:s7], [sflag:s3] =	dma.general @!p1 [spmem:s5], [sflag:s4], length:$0x40, [dreg:$0x0], stride_count:$0x0, ici_dest:s2, dma_misc:DstOpCode:WRITE  }
0x26c: {  	p2 =	slt.s32 s0, $0x2;
	s5 =	simm.s32 @!p1 $0x400;
	s7 =	simm.s32 @!p1 $0x402  }
0x26d: {  	[spmem:s7], [sflag:s3] =	dma.general @!p1 [spmem:s5], [sflag:s4], length:$0x2, [dreg:$0x0], stride_count:$0x0, ici_dest:s2, dma_misc:DstOpCode:WRITE  }
.Ltmp33:
0x26e: {  	s2 =	simm.s32 @!p1 $0x3;
	(pc) =	sbr.rel @p2 .LBB2_44-.Ltmp33, $4  }
0x26f: {  	s3 =	sshll.u32 @!p1 s9, $0xE;
	_ =	swait.ge @!p1 [sflag:s2], $0x42  }
0x270: {  	s4 =	sshll.u32 @!p1 s8, $0x11;
	s3 =	sadd.s32 @!p1 $0x11C3C, s3;
	[sflag:s2] =	ssyncset.done @!p1 $0x0  }
0x271: {  	[sflag:s2] =	ssyncadd.s32 @!p1 $0xFFFFFFBE;
	s2 =	sor.u32 @!p1 s4, s3  }
0x272: {  	s0 =	simm.s32 $0x0;
	[sflag:s2] =	ssyncadd.remote.s32 @!p1 $0xFFFFFFFF  }
0x273: {  	s0 =	simm.s32 $0xE419  }
0x274: {  	v0 =	vld.msk [tilespmem:s0+$0x0], $0x1;
	_ =	sdelay $0x4  }
0x275: {  	(v2sf) =	vpush v0, $0x0;
	_ =	sdelay $0xd  }
0x276: {  	s31 =	sadd.s32 $0xFFFFFFFE, s6  }
0x277: {  	s6 =	simm.s32 $0x0;
	s0 =	sadd.s32 $0xFFFFFFFF, s31;
	s2 =	spop (v2sf)  }
0x278: {  	s3 =	simm.s32 $0xE538;
	p1 =	sne.s32 s0, $0x0;
	p2 =	sgt.u32 s2, $0x186970  }
.Ltmp34:
0x279: {  	s4 =	simm.s32 $0xE638;
	s5 =	sand.u32 @!p2 $0x1FFFF8, s2;
	(pc) =	sbr.rel @!p1 .LBB2_43-.Ltmp34, $4  }
0x27a: {  	s7 =	sadd.s32 @!p2 $0x80, s2;
	s2 =	sand.u32 @!p2 $0x7, s2;
	s6 =	simm.s32 @!p2 $0x400  }
0x27b: {  	s5 =	sadd.s32 @!p2 s1, s5;
	s7 =	sand.u32 @!p2 $0x3FFFF8, s7;
	s6 =	sadd.s32 $0x0, s6  }
0x27c: {  	[hbm4b:s5+s2] =	stream.linear.scatter @!p2 [tilespmem:s3], [sflag:$0x5], $0x80, $0x38;
	[tilespmem:$0x1E678] =	vst v63  }
0x27d: {  	s5 =	simm.s32 $0xE41A;
	s3 =	simm.s32 @!p2 $0xE5B8;
	s7 =	sadd.s32 @!p2 s1, s7  }
.LBB2_42:
0x27e: {  	[hbm4b:s7+s2] =	stream.linear.scatter @!p2 [tilespmem:s3], [sflag:$0x5], $0x80, $0x38;
	[tilespmem:$0x1E678] =	vst v63  }
0x27f: {  	s0 =	sadd.s32 $0xFFFFFFFF, s0;
	s3 =	smov.u32 s4;
	v0 =	vld.msk [tilespmem:s5+$0x0], $0x1  }
0x280: {  	p1 =	sne.s32 s0, $0x0;
	_ =	sdelay $0x3  }
0x281: {  	(v2sf) =	vpush v0, $0x0;
	_ =	sdelay $0xe  }
0x282: {  	s4 =	sadd.s32 $0x100, s4;
	s8 =	simm.s32 $0x0;
	s2 =	spop (v2sf)  }
.Ltmp35:
0x283: {  	s5 =	sadd.s32 $0x1, s5;
	p2 =	sgt.u32 s2, $0x186970;
	(pc) =	sbr.rel @p1 .LBB2_42-.Ltmp35, $4  }
0x284: {  	s8 =	simm.s32 @!p2 $0x400;
	s7 =	sand.u32 @!p2 $0x1FFFF8, s2;
	s9 =	sadd.s32 @!p2 $0x80, s2  }
0x285: {  	s2 =	sand.u32 @!p2 $0x7, s2;
	s7 =	sadd.s32 @!p2 s1, s7;
	s9 =	sand.u32 @!p2 $0x3FFFF8, s9  }
0x286: {  	[hbm4b:s7+s2] =	stream.linear.scatter @!p2 [tilespmem:s3], [sflag:$0x5], $0x80, $0x38;
	[tilespmem:$0x1E678] =	vst v63  }
0x287: {  	s6 =	sadd.s32 s6, s8;
	s3 =	sadd.s32 @!p2 $0x80, s3;
	s7 =	sadd.s32 @!p2 s1, s9  }
.LBB2_43:
0x288: {  	[hbm4b:s7+s2] =	stream.linear.scatter @!p2 [tilespmem:s3], [sflag:$0x5], $0x80, $0x38;
	[tilespmem:$0x1E678] =	vst v63  }
0x289: {  	s0 =	sshrl.u32 s6, $0x2  }
.LBB2_44:
0x28a: {  	s2 =	simm.s32 $0x5  }
0x28b: {  	_ =	swait.ge [sflag:s2], s0  }
0x28c: {  	s31 =	ssub.s32 $0x0, s0;
	[sflag:s2] =	ssyncset.done $0x0  }
0x28d: {  	[sflag:s2] =	ssyncadd.s32 s31  }
0x28e: {  	[sflag:s2] =	ssyncpa.u1 $0x1  }
.LBB2_45:
0x28f: {  	s0 =	sor.u32 s14, s15  }
0x290: {  	p1 =	sne.s32 s0, $0x0  }
.Ltmp36:
0x291: {  	_ = 	snop;
	(pc) =	sbr.rel @p1 .LBB2_60-.Ltmp36, $3  }
0x292: {  	_ =	sdelay $0x1  }
0x293: {  	[bflag:$0x0] =	sbarrier.arrive $0xFFFF  }
0x294: {  	_ =	sfence  }
0x295: {  	s0 =	simm.s32 $0x7  }
0x296: {  	s2 =	simm.s32 $0x2000;
	s3 =	simm.s32 $0xE418;
	[sflag:s0] =	ssyncpa.u1 $0x0  }
0x297: {  	[tilespmem:s3], [sflag:$0x7] =	stream.linear.gather [spmem:s2], $0x20, $0x38;
	[tilespmem:$0x1E678] =	vst v63  }
0x298: {  	s30 =	simm.s32 $0xE438;
	s2 =	simm.s32 $0x0  }
0x299: {  	[tilespmem:s30], [sflag:$0x7] =	stream.linear.gather [spmem:s2], $0x2000, $0x38;
	[tilespmem:$0x1E678] =	vst v63  }
.Ltmp37:
0x29a: {  	_ = 	snop;
	(pc) =	sbr.rel .LBB2_47-.Ltmp37, $4  }
0x29b: {  	_ =	swait.ge [sflag:s0], $0x2020  }
0x29c: {  	[sflag:s0] =	ssyncset.done $0x0  }
0x29d: {  	s31 =	simm.s32 $0x8;
	[sflag:s0] =	ssyncadd.s32 $0xFFFFDFE0  }
0x29e: {  	s3 =	simm.s32 $0x0;
	[sflag:s31] =	ssyncpa.u1 $0x0  }
.LBB2_53:
0x29f: {  	p1 =	slt.u32 s0, $0x186971  }
0x2a0: {  	s4 =	sand.u32 @p1 $0x1FFFF8, s0;
	s5 =	sand.u32 @p1 $0x7, s0;
	s0 =	sadd.s32 @p1 $0x80, s0  }
0x2a1: {  	s6 =	simm.s32 @p1 $0xE308;
	s4 =	sadd.s32 @p1 s1, s4;
	s0 =	sand.u32 @p1 $0x3FFFF8, s0  }
0x2a2: {  	[tilespmem:s6], [sflag:$0x8] =	stream.linear.gather @p1 [hbm4b:s4+s5], $0x80, $0x38;
	[tilespmem:$0x1E678] =	vst v63  }
0x2a3: {  	s0 =	sadd.s32 @p1 s1, s0;
	s4 =	simm.s32 @p1 $0xE388  }
0x2a4: {  	[tilespmem:s4], [sflag:$0x8] =	stream.linear.gather @p1 [hbm4b:s0+s5], $0x80, $0x38;
	[tilespmem:$0x1E678] =	vst v63  }
0x2a5: {  	s0 =	simm.s32 @p1 $0x8  }
0x2a6: {  	_ =	swait.ge @p1 [sflag:s0], $0x100  }
0x2a7: {  	[sflag:s0] =	ssyncset.done @p1 $0x0  }
0x2a8: {  	[sflag:s0] =	ssyncadd.s32 @p1 $0xFFFFFF00  }
0x2a9: {  	v1 =	vld @p1 [tilespmem:$0xE308];
	_ =	sdelay $0x2  }
0x2aa: {  	s0 =	sshll.u32 @p1 s3, $0xA  }
0x2ab: {  	s4 =	sshrl.u32 @p1 s0, $0x2  }
0x2ac: {  	[tilespmem:s4+$0xE438] =	vst.add.f32.msk @p1 $0xffff, v1  }
0x2ad: {  	v1 =	vld @p1 [tilespmem:$0xE318];
	_ =	sdelay $0x4  }
0x2ae: {  	[tilespmem:s4+$0xE448] =	vst.add.f32.msk @p1 $0xffff, v1  }
0x2af: {  	v1 =	vld @p1 [tilespmem:$0xE328];
	_ =	sdelay $0x4  }
0x2b0: {  	[tilespmem:s4+$0xE458] =	vst.add.f32.msk @p1 $0xffff, v1  }
0x2b1: {  	v1 =	vld @p1 [tilespmem:$0xE338];
	_ =	sdelay $0x4  }
0x2b2: {  	[tilespmem:s4+$0xE468] =	vst.add.f32.msk @p1 $0xffff, v1  }
0x2b3: {  	v1 =	vld @p1 [tilespmem:$0xE348];
	_ =	sdelay $0x4  }
0x2b4: {  	[tilespmem:s4+$0xE478] =	vst.add.f32.msk @p1 $0xffff, v1  }
0x2b5: {  	v1 =	vld @p1 [tilespmem:$0xE358];
	_ =	sdelay $0x4  }
0x2b6: {  	[tilespmem:s4+$0xE488] =	vst.add.f32.msk @p1 $0xffff, v1  }
0x2b7: {  	v1 =	vld @p1 [tilespmem:$0xE368];
	_ =	sdelay $0x4  }
0x2b8: {  	[tilespmem:s4+$0xE498] =	vst.add.f32.msk @p1 $0xffff, v1  }
0x2b9: {  	v1 =	vld @p1 [tilespmem:$0xE378];
	_ =	sdelay $0x4  }
0x2ba: {  	[tilespmem:s4+$0xE4A8] =	vst.add.f32.msk @p1 $0xffff, v1  }
0x2bb: {  	v1 =	vld @p1 [tilespmem:$0xE388];
	_ =	sdelay $0x4  }
0x2bc: {  	[tilespmem:s4+$0xE4B8] =	vst.add.f32.msk @p1 $0xffff, v1  }
0x2bd: {  	v1 =	vld @p1 [tilespmem:$0xE398];
	_ =	sdelay $0x4  }
0x2be: {  	[tilespmem:s4+$0xE4C8] =	vst.add.f32.msk @p1 $0xffff, v1  }
0x2bf: {  	v1 =	vld @p1 [tilespmem:$0xE3A8];
	_ =	sdelay $0x4  }
0x2c0: {  	[tilespmem:s4+$0xE4D8] =	vst.add.f32.msk @p1 $0xffff, v1  }
0x2c1: {  	v1 =	vld @p1 [tilespmem:$0xE3B8];
	_ =	sdelay $0x4  }
0x2c2: {  	[tilespmem:s4+$0xE4E8] =	vst.add.f32.msk @p1 $0xffff, v1  }
0x2c3: {  	v1 =	vld @p1 [tilespmem:$0xE3C8];
	_ =	sdelay $0x4  }
0x2c4: {  	[tilespmem:s4+$0xE4F8] =	vst.add.f32.msk @p1 $0xffff, v1  }
0x2c5: {  	v1 =	vld @p1 [tilespmem:$0xE3D8];
	_ =	sdelay $0x4  }
0x2c6: {  	[tilespmem:s4+$0xE508] =	vst.add.f32.msk @p1 $0xffff, v1  }
0x2c7: {  	v1 =	vld @p1 [tilespmem:$0xE3E8];
	_ =	sdelay $0x4  }
0x2c8: {  	[tilespmem:s4+$0xE518] =	vst.add.f32.msk @p1 $0xffff, v1  }
0x2c9: {  	v1 =	vld @p1 [tilespmem:$0xE3F8];
	_ =	sdelay $0x3  }
0x2ca: {  	s5 =	sshll.u32 @!p1 s3, $0xA  }
0x2cb: {  	s5 =	smov.u32 @p1 s0;
	[tilespmem:s4+$0xE528] =	vst.add.f32.msk @p1 $0xffff, v1  }
0x2cc: {  	s0 =	sshrl.u32 s5, $0x2;
	[tilespmem:s2+$0xE418] =	vst.msk $0x1, v0  }
0x2cd: {  	v0 =	vld [tilespmem:s0+$0xE438];
	_ =	sdelay $0x2  }
0x2ce: {  	s31 =	sshll.u32 s2, $0xA  }
0x2cf: {  	s4 =	sshra.s32 s31, $0x2  }
0x2d0: {  	[tilespmem:s4+$0xE438] =	vst v0  }
0x2d1: {  	v0 =	vld [tilespmem:s0+$0xE448];
	_ =	sdelay $0x4  }
0x2d2: {  	[tilespmem:s4+$0xE448] =	vst v0  }
0x2d3: {  	v0 =	vld [tilespmem:s0+$0xE458];
	_ =	sdelay $0x4  }
0x2d4: {  	[tilespmem:s4+$0xE458] =	vst v0  }
0x2d5: {  	v0 =	vld [tilespmem:s0+$0xE468];
	_ =	sdelay $0x4  }
0x2d6: {  	[tilespmem:s4+$0xE468] =	vst v0  }
0x2d7: {  	v0 =	vld [tilespmem:s0+$0xE478];
	_ =	sdelay $0x4  }
0x2d8: {  	[tilespmem:s4+$0xE478] =	vst v0  }
0x2d9: {  	v0 =	vld [tilespmem:s0+$0xE488];
	_ =	sdelay $0x4  }
0x2da: {  	[tilespmem:s4+$0xE488] =	vst v0  }
0x2db: {  	v0 =	vld [tilespmem:s0+$0xE498];
	_ =	sdelay $0x4  }
0x2dc: {  	[tilespmem:s4+$0xE498] =	vst v0  }
0x2dd: {  	v0 =	vld [tilespmem:s0+$0xE4A8];
	_ =	sdelay $0x4  }
0x2de: {  	[tilespmem:s4+$0xE4A8] =	vst v0  }
0x2df: {  	v0 =	vld [tilespmem:s0+$0xE4B8];
	_ =	sdelay $0x4  }
0x2e0: {  	[tilespmem:s4+$0xE4B8] =	vst v0  }
0x2e1: {  	v0 =	vld [tilespmem:s0+$0xE4C8];
	_ =	sdelay $0x4  }
0x2e2: {  	[tilespmem:s4+$0xE4C8] =	vst v0  }
0x2e3: {  	v0 =	vld [tilespmem:s0+$0xE4D8];
	_ =	sdelay $0x4  }
0x2e4: {  	[tilespmem:s4+$0xE4D8] =	vst v0  }
0x2e5: {  	v0 =	vld [tilespmem:s0+$0xE4E8];
	_ =	sdelay $0x4  }
0x2e6: {  	[tilespmem:s4+$0xE4E8] =	vst v0  }
0x2e7: {  	v0 =	vld [tilespmem:s0+$0xE4F8];
	_ =	sdelay $0x4  }
0x2e8: {  	[tilespmem:s4+$0xE4F8] =	vst v0  }
0x2e9: {  	v0 =	vld [tilespmem:s0+$0xE508];
	_ =	sdelay $0x4  }
0x2ea: {  	[tilespmem:s4+$0xE508] =	vst v0  }
0x2eb: {  	v0 =	vld [tilespmem:s0+$0xE518];
	_ =	sdelay $0x4  }
0x2ec: {  	[tilespmem:s4+$0xE518] =	vst v0  }
0x2ed: {  	v0 =	vld [tilespmem:s0+$0xE528];
	_ =	sdelay $0x4  }
0x2ee: {  	s2 =	sadd.s32 $0x1, s2;
	[tilespmem:s4+$0xE528] =	vst v0  }
.LBB2_54:
0x2ef: {  	s3 =	sadd.s32 $0x1, s3  }
0x2f0: {  	p1 =	sne.s32 s3, $0x20  }
.Ltmp38:
0x2f1: {  	_ = 	snop;
	(pc) =	sbr.rel @!p1 .LBB2_55-.Ltmp38, $1  }
0x2f2: {  	_ =	sdelay $0x3  }
.LBB2_47:
0x2f3: {  	v0 =	vld.msk [tilespmem:s3+$0xE418], $0x1;
	_ =	sdelay $0x4  }
0x2f4: {  	(v2sf) =	vpush v0, $0x0;
	_ =	sdelay $0xe  }
0x2f5: {  	s0 =	spop (v2sf)  }
0x2f6: {  	p1 =	seq.s32 s0, $0xFFFFFFFF  }
.Ltmp39:
0x2f7: {  	_ = 	snop;
	(pc) =	sbr.rel @p1 .LBB2_54-.Ltmp39, $1  }
0x2f8: {  	_ =	sdelay $0x3  }
0x2f9: {  	p1 =	slt.s32 s2, $0x1  }
.Ltmp40:
0x2fa: {  	_ = 	snop;
	(pc) =	sbr.rel @p1 .LBB2_53-.Ltmp40, $1  }
0x2fb: {  	_ =	sdelay $0x3  }
0x2fc: {  	s4 =	simm.s32 $0xE418;
	p1 =	por $0x0, $0x0  }
0x2fd: {  	v1 =	vld.msk @!p1 [tilespmem:s4+$0x0], $0x1;
	_ =	sdelay $0x4  }
0x2fe: {  	(v2sf) =	vpush @!p1 v1, $0x0;
	_ =	sdelay $0xd  }
0x2ff: {  	p3 =	sne.s32 s2, $0x1  }
.Ltmp41:
0x300: {  	s5 =	spop @!p1 (v2sf);
	(pc) =	sbr.rel @!p3 .LBB2_51-.Ltmp41, $4  }
0x301: {  	p2 =	seq.s32 @!p1 s0, s5  }
0x302: {  	s5 =	simm.s32 $0x0;
	p2 =	por !p2, p1  }
0x303: {  	s7 =	simm.s32 $0xFFFFFFFF;
	s5 =	simm.s32 @p2 $0xFFFFFFFF  }
0x304: {  	s6 =	simm.s32 $0x1;
	s5 =	smov.u32 @p1 s7  }
.LBB2_50:
0x305: {  	s7 =	smov.u32 s5;
	p1 =	sne.s32 s5, $0xFFFFFFFF  }
0x306: {  	s4 =	sadd.s32 $0x1, s4;
	s5 =	smov.u32 s6;
	s6 =	sadd.s32 $0x1, s6  }
0x307: {  	p2 =	sne.s32 s2, s6;
	v1 =	vld.msk @!p1 [tilespmem:s4+$0x0], $0x1;
	_ =	sdelay $0x4  }
0x308: {  	(v2sf) =	vpush @!p1 v1, $0x0;
	_ =	sdelay $0xe  }
.Ltmp42:
0x309: {  	s8 =	spop @!p1 (v2sf);
	(pc) =	sbr.rel @p2 .LBB2_50-.Ltmp42, $4  }
0x30a: {  	p3 =	seq.s32 @!p1 s0, s8  }
0x30b: {  	p3 =	por !p3, p1  }
0x30c: {  	s5 =	simm.s32 @p3 $0xFFFFFFFF  }
0x30d: {  	s5 =	smov.u32 @p1 s7  }
.LBB2_51:
0x30e: {  	p1 =	seq.s32 s5, $0xFFFFFFFF  }
.Ltmp43:
0x30f: {  	_ = 	snop;
	(pc) =	sbr.rel @p1 .LBB2_53-.Ltmp43, $1  }
0x310: {  	_ =	sdelay $0x3  }
0x311: {  	s0 =	sshll.u32 s3, $0x8  }
0x312: {  	s0 =	sand.u32 $0x3FFFFF00, s0  }
0x313: {  	v0 =	vld [tilespmem:s0+$0xE438];
	_ =	sdelay $0x2  }
0x314: {  	s4 =	sshll.u32 s5, $0xA  }
0x315: {  	s4 =	sshra.s32 s4, $0x2  }
0x316: {  	[tilespmem:s4+$0xE438] =	vst.add.f32.msk $0xffff, v0  }
0x317: {  	v0 =	vld [tilespmem:s0+$0xE448];
	_ =	sdelay $0x4  }
0x318: {  	[tilespmem:s4+$0xE448] =	vst.add.f32.msk $0xffff, v0  }
0x319: {  	v0 =	vld [tilespmem:s0+$0xE458];
	_ =	sdelay $0x4  }
0x31a: {  	[tilespmem:s4+$0xE458] =	vst.add.f32.msk $0xffff, v0  }
0x31b: {  	v0 =	vld [tilespmem:s0+$0xE468];
	_ =	sdelay $0x4  }
0x31c: {  	[tilespmem:s4+$0xE468] =	vst.add.f32.msk $0xffff, v0  }
0x31d: {  	v0 =	vld [tilespmem:s0+$0xE478];
	_ =	sdelay $0x4  }
0x31e: {  	[tilespmem:s4+$0xE478] =	vst.add.f32.msk $0xffff, v0  }
0x31f: {  	v0 =	vld [tilespmem:s0+$0xE488];
	_ =	sdelay $0x4  }
0x320: {  	[tilespmem:s4+$0xE488] =	vst.add.f32.msk $0xffff, v0  }
0x321: {  	v0 =	vld [tilespmem:s0+$0xE498];
	_ =	sdelay $0x4  }
0x322: {  	[tilespmem:s4+$0xE498] =	vst.add.f32.msk $0xffff, v0  }
0x323: {  	v0 =	vld [tilespmem:s0+$0xE4A8];
	_ =	sdelay $0x4  }
0x324: {  	[tilespmem:s4+$0xE4A8] =	vst.add.f32.msk $0xffff, v0  }
0x325: {  	v0 =	vld [tilespmem:s0+$0xE4B8];
	_ =	sdelay $0x4  }
0x326: {  	[tilespmem:s4+$0xE4B8] =	vst.add.f32.msk $0xffff, v0  }
0x327: {  	v0 =	vld [tilespmem:s0+$0xE4C8];
	_ =	sdelay $0x4  }
0x328: {  	[tilespmem:s4+$0xE4C8] =	vst.add.f32.msk $0xffff, v0  }
0x329: {  	v0 =	vld [tilespmem:s0+$0xE4D8];
	_ =	sdelay $0x4  }
0x32a: {  	[tilespmem:s4+$0xE4D8] =	vst.add.f32.msk $0xffff, v0  }
0x32b: {  	v0 =	vld [tilespmem:s0+$0xE4E8];
	_ =	sdelay $0x4  }
0x32c: {  	[tilespmem:s4+$0xE4E8] =	vst.add.f32.msk $0xffff, v0  }
0x32d: {  	v0 =	vld [tilespmem:s0+$0xE4F8];
	_ =	sdelay $0x4  }
0x32e: {  	[tilespmem:s4+$0xE4F8] =	vst.add.f32.msk $0xffff, v0  }
0x32f: {  	v0 =	vld [tilespmem:s0+$0xE508];
	_ =	sdelay $0x4  }
0x330: {  	[tilespmem:s4+$0xE508] =	vst.add.f32.msk $0xffff, v0  }
0x331: {  	v0 =	vld [tilespmem:s0+$0xE518];
	_ =	sdelay $0x4  }
0x332: {  	[tilespmem:s4+$0xE518] =	vst.add.f32.msk $0xffff, v0  }
0x333: {  	v0 =	vld [tilespmem:s0+$0xE528]  }
.Ltmp44:
0x334: {  	_ = 	snop;
	(pc) =	sbr.rel .LBB2_54-.Ltmp44, $2  }
0x335: {  	_ =	sdelay $0x2  }
0x336: {  	[tilespmem:s4+$0xE528] =	vst.add.f32.msk $0xffff, v0  }
.LBB2_55:
0x337: {  	p1 =	slt.s32 s2, $0x1  }
.Ltmp45:
0x338: {  	_ = 	snop;
	(pc) =	sbr.rel @p1 .LBB2_59-.Ltmp45, $3  }
0x339: {  	_ =	sdelay $0x1  }
0x33a: {  	s0 =	simm.s32 $0x8  }
0x33b: {  	s4 =	simm.s32 $0x0;
	[sflag:s0] =	ssyncpa.u1 $0x1  }
0x33c: {  	s0 =	simm.s32 $0xE418  }
0x33d: {  	v0 =	vld.msk [tilespmem:s0+$0x0], $0x1;
	_ =	sdelay $0x4  }
0x33e: {  	(v2sf) =	vpush v0, $0x0;
	_ =	sdelay $0xe  }
0x33f: {  	s0 =	sadd.s32 $0xFFFFFFFF, s2;
	s3 =	spop (v2sf)  }
0x340: {  	s6 =	simm.s32 $0xE438;
	p1 =	sne.s32 s0, $0x0;
	p2 =	sgt.u32 s3, $0x186970  }
.Ltmp46:
0x341: {  	s2 =	simm.s32 $0xE538;
	s5 =	sand.u32 @!p2 $0x1FFFF8, s3;
	(pc) =	sbr.rel @!p1 .LBB2_58-.Ltmp46, $4  }
0x342: {  	s7 =	sadd.s32 @!p2 $0x80, s3;
	s4 =	simm.s32 @!p2 $0x400;
	s8 =	sadd.s32 @!p2 s1, s5  }
0x343: {  	s5 =	sand.u32 @!p2 $0x7, s3;
	s3 =	simm.s32 $0xE419;
	s7 =	sand.u32 @!p2 $0x3FFFF8, s7  }
0x344: {  	[hbm4b:s8+s5] =	stream.linear.scatter @!p2 [tilespmem:s6], [sflag:$0x7], $0x80, $0x38;
	[tilespmem:$0x1E678] =	vst v63  }
0x345: {  	s4 =	sadd.s32 $0x0, s4;
	s6 =	simm.s32 @!p2 $0xE4B8;
	s7 =	sadd.s32 @!p2 s1, s7  }
.LBB2_57:
0x346: {  	[hbm4b:s7+s5] =	stream.linear.scatter @!p2 [tilespmem:s6], [sflag:$0x7], $0x80, $0x38;
	[tilespmem:$0x1E678] =	vst v63  }
0x347: {  	s0 =	sadd.s32 $0xFFFFFFFF, s0;
	s6 =	smov.u32 s2;
	v0 =	vld.msk [tilespmem:s3+$0x0], $0x1  }
0x348: {  	p1 =	sne.s32 s0, $0x0;
	_ =	sdelay $0x3  }
0x349: {  	(v2sf) =	vpush v0, $0x0;
	_ =	sdelay $0xe  }
0x34a: {  	s2 =	sadd.s32 $0x100, s2;
	s8 =	simm.s32 $0x0;
	s5 =	spop (v2sf)  }
.Ltmp47:
0x34b: {  	s3 =	sadd.s32 $0x1, s3;
	p2 =	sgt.u32 s5, $0x186970;
	(pc) =	sbr.rel @p1 .LBB2_57-.Ltmp47, $4  }
0x34c: {  	s8 =	simm.s32 @!p2 $0x400;
	s7 =	sand.u32 @!p2 $0x1FFFF8, s5;
	s9 =	sadd.s32 @!p2 $0x80, s5  }
0x34d: {  	s5 =	sand.u32 @!p2 $0x7, s5;
	s7 =	sadd.s32 @!p2 s1, s7;
	s9 =	sand.u32 @!p2 $0x3FFFF8, s9  }
0x34e: {  	[hbm4b:s7+s5] =	stream.linear.scatter @!p2 [tilespmem:s6], [sflag:$0x7], $0x80, $0x38;
	[tilespmem:$0x1E678] =	vst v63  }
0x34f: {  	s4 =	sadd.s32 s4, s8;
	s6 =	sadd.s32 @!p2 $0x80, s6;
	s7 =	sadd.s32 @!p2 s1, s9  }
.LBB2_58:
0x350: {  	[hbm4b:s7+s5] =	stream.linear.scatter @!p2 [tilespmem:s6], [sflag:$0x7], $0x80, $0x38;
	[tilespmem:$0x1E678] =	vst v63  }
0x351: {  	s4 =	sshrl.u32 s4, $0x2  }
.LBB2_59:
0x352: {  	s0 =	simm.s32 $0x7  }
0x353: {  	_ =	swait.ge [sflag:s0], s4  }
0x354: {  	s1 =	ssub.s32 $0x0, s4;
	[sflag:s0] =	ssyncset.done $0x0  }
0x355: {  	[sflag:s0] =	ssyncadd.s32 s1  }
0x356: {  	[sflag:s0] =	ssyncpa.u1 $0x1  }
.LBB2_60:
0x357: {  	_ =	sfence;
	s0 =	simm.s32 $0x1  }
0x358: {  	[sflag:s0] =	ssyncpa.u1 $0x1  }
0x359: {  	_ =	strace $0x90000053  }
0x35a: {  	[bflag:$0x2] =	sbarrier.arrive $0xFFFF  }
0x35b: {  	s0 =	rddreg [dreg:$0x3]  }
0x35c: {  	s0 =	sadd.s32 @!p0 $0x100000, s0  }
0x35d: {  	[sflag:s0] =	ssyncadd.tile.s32 @!p0 $0x1;
	_ =	shalt  }
.Lfunc_end2:
_tile_overlayer_lowered:
.L_overlay_start_2:
0x35e: {  	(tag) =	ssettag $0x2  }
0x35f: {  	s0 =	rddreg [dreg:$0x0];
	s2 =	stileid.u32  }
0x360: {  	s1 =	rddreg [dreg:$0x1];
	p0 =	sne.s32 s2, $0x0  }
0x361: {  	s3 =	rddreg [dreg:$0x2];
	[bflag:$0x3] =	sbarrier.arrive $0xFFFF;
	s2 =	simm.s32 @!p0 $0x1C01  }
0x362: {  	[timem:s3], [sflag:s2] =	dma.local @!p0 [hbm:s0], s1  }
0x363: {  	s0 =	simm.s32 @!p0 $0x1  }
0x364: {  	_ =	swait.ge @!p0 [sflag:s0], s1  }
0x365: {  	s1 =	ssub.s32 @!p0 $0x0, s1;
	[sflag:s0] =	ssyncset.done @!p0 $0x0  }
0x366: {  	[sflag:s0] =	ssyncadd.s32 @!p0 s1  }
0x367: {  	[bflag:$0x3] =	sbarrier.arrive $0xFFFF  }
0x368: {  	_ =	shalt  }

// kernel: scatter_offload_async_start
scs
__scs_entry_jumppad:
0x0: {  	(pc) =	sbr.rel $0x88, $3  }
0x1: {  	(tag) =	ssettag $0x0;
	lr =	simm.s32 $0x1  }
0x2: {  	[smem:$0x3F94] =	sst lr;
	_ =	strace $0xD0000000  }
0x3: {  	_ = 	snop  }
0x4: {  	_ = 	snop  }
0x5: {  	_ = 	snop  }
0x6: {  	_ = 	snop  }
0x7: {  	_ = 	snop  }
__scs_overlays_trampoline_lowered:
0x8: {  	[smem:$0x3FA3] =	sst s0  }
0x9: {  	[smem:$0x3FA4] =	sst s1  }
0xa: {  	[smem:$0x3FA5] =	sst s2  }
0xb: {  	[smem:$0x3FA6] =	sst s3  }
0xc: {  	[smem:$0x3FA7] =	sst s4  }
0xd: {  	[smem:$0x3FA8] =	sst s5  }
0xe: {  	[smem:$0x3FA9] =	sst s6  }
0xf: {  	[smem:$0x3FAA] =	sst s7  }
0x10: {  	[smem:$0x3FAB] =	sst s8  }
0x11: {  	[smem:$0x3FAC] =	sst s9;
	s0 =	simm.s32 @!p0 $0x0  }
0x12: {  	s1 =	sld [smem:$0x3F92];
	s0 =	simm.s32 @p0 $0x1  }
0x13: {  	[smem:$0x3FAD] =	sst s0;
	s0 =	simm.s32 @!p1 $0x0  }
0x14: {  	s2 =	sld [smem:$0x3F91];
	s0 =	simm.s32 @p1 $0x1  }
0x15: {  	[smem:$0x3FAE] =	sst s0;
	s0 =	simm.s32 @!p2 $0x0  }
0x16: {  	s3 =	sld [smem:$0x3FDB];
	s0 =	simm.s32 @p2 $0x1  }
0x17: {  	s4 =	simm.s32 $0x1BF5;
	[smem:$0x3FB0] =	sst s0  }
0x18: {  	s0 =	sld [smem:$0x3F93];
	_ =	swait.ge [sflag:s4], $0x0  }
0x19: {  	s7 =	sld [smem:$0x3F94]  }
0x1a: {  	s8 =	sadd.s32 $0xFFFFE003, lr  }
0x1b: {  	s9 =	sadd.s32 $0xFFFFFEF7, lr;
	s5 =	simm.s32 $0xFFFFFFFF;
	p2 =	slt.u32 s8, $0xFFFFF086  }
0x1c: {  	p1 =	slt.u32 s9, $0xF7A;
	s5 =	simm.s32 @!p2 $0x0  }
0x1d: {  	s5 =	simm.s32 @p1 $0x1;
	p0 =	seq.s32 s7, s2  }
0x1e: {  	s7 =	smul.u32 @!p0 $0xF7A, s2;
	p2 =	seq.s32 @!p0 s5, $0x0  }
0x1f: {  	s9 =	smul.u32 $0xF7A, s1;
	s8 =	simm.s32 @!p0 $0x1BF5;
	p2 =	por !p2, p0  }
0x20: {  	[sflag:s8] =	ssyncset.s32 @!p0 $0xFFFFF086;
	s6 =	sadd.s32 @!p0 s3, s7;
	s7 =	simm.s32 @!p0 $0x108  }
0x21: {  	s3 =	sadd.s32 s3, s9;
	s6 =	sadd.s32 @!p0 $0x88, s6;
	s7 =	simm.s32 @p2 $0x1082  }
0x22: {  	[simem:s7], [sflag:s8] =	dma.local @!p0 [hbm:s6], $0xF7A  }
0x23: {  	s9 =	sor.u32 $0xD0000000, s2;
	s6 =	simm.s32 $0x108;
	_ =	swait.ge @!p0 [sflag:s8], $0x0  }
0x24: {  	s3 =	sadd.s32 $0x88, s3;
	s6 =	simm.s32 @!p1 $0x1082;
	[sflag:s4] =	ssyncset.s32 $0xFFFFF086  }
0x25: {  	[simem:s6], [sflag:s4] =	dma.local [hbm:s3], $0xF7A  }
0x26: {  	[smem:$0x3F94] =	sst s1;
	(tag) =	ssettag s2;
	_ =	strace s9  }
0x27: {  	s1 =	sld [smem:$0x3FA4]  }
0x28: {  	s2 =	sld [smem:$0x3FA5]  }
0x29: {  	s4 =	sld [smem:$0x3FA7]  }
0x2a: {  	p0 =	seq.s32 s5, $0x0;
	s5 =	sld [smem:$0x3FA8]  }
0x2b: {  	s6 =	sld [smem:$0x3FA9]  }
0x2c: {  	s7 =	sld [smem:$0x3FAA]  }
0x2d: {  	s3 =	simm.s32 $0x108;
	s8 =	sld [smem:$0x3FAB]  }
0x2e: {  	s3 =	simm.s32 @!p0 $0x1082;
	s9 =	sld [smem:$0x3FAC]  }
0x2f: {  	lr =	sadd.s32 s0, s3;
	s0 =	sld [smem:$0x3FA3]  }
0x30: {  	s3 =	sld [smem:$0x3FA6]  }
0x31: {  	[smem:$0x3FAF] =	sst s10  }
0x32: {  	s10 =	sld [smem:$0x3FAD];
	_ =	sdelay $0x3  }
0x33: {  	p0 =	seq.s32 s10, $0x1;
	s10 =	sld [smem:$0x3FAF];
	_ =	sdelay $0x3  }
0x34: {  	[smem:$0x3FAF] =	sst s10  }
0x35: {  	s10 =	sld [smem:$0x3FAE];
	_ =	sdelay $0x3  }
0x36: {  	p1 =	seq.s32 s10, $0x1;
	s10 =	sld [smem:$0x3FAF];
	_ =	sdelay $0x3  }
0x37: {  	[smem:$0x3FAF] =	sst s10  }
0x38: {  	s10 =	sld [smem:$0x3FB0]  }
0x39: {  	_ = 	snop;
	(pc) =	sbr.ind lr, $3  }
0x3a: {  	_ = 	snop  }
0x3b: {  	_ = 	snop  }
0x3c: {  	p2 =	seq.s32 s10, $0x1;
	s10 =	sld [smem:$0x3FAF]  }
0x3d: {  	_ =	shalt  }
0x3e: {  	_ =	shalt  }
0x3f: {  	_ =	shalt  }
0x40: {  	_ =	shalt  }
0x41: {  	_ =	shalt  }
0x42: {  	_ =	shalt  }
0x43: {  	_ =	shalt  }
0x44: {  	_ =	shalt  }
0x45: {  	_ =	shalt  }
0x46: {  	_ =	shalt  }
0x47: {  	_ =	shalt  }
0x48: {  	_ =	shalt  }
0x49: {  	_ =	shalt  }
0x4a: {  	_ =	shalt  }
0x4b: {  	_ =	shalt  }
0x4c: {  	_ =	shalt  }
0x4d: {  	_ =	shalt  }
0x4e: {  	_ =	shalt  }
0x4f: {  	_ =	shalt  }
0x50: {  	_ =	shalt  }
0x51: {  	_ =	shalt  }
0x52: {  	_ =	shalt  }
0x53: {  	_ =	shalt  }
0x54: {  	_ =	shalt  }
0x55: {  	_ =	shalt  }
0x56: {  	_ =	shalt  }
0x57: {  	_ =	shalt  }
0x58: {  	_ =	shalt  }
0x59: {  	_ =	shalt  }
0x5a: {  	_ =	shalt  }
0x5b: {  	_ =	shalt  }
0x5c: {  	_ =	shalt  }
0x5d: {  	_ =	shalt  }
0x5e: {  	_ =	shalt  }
0x5f: {  	_ =	shalt  }
0x60: {  	_ =	shalt  }
0x61: {  	_ =	shalt  }
0x62: {  	_ =	shalt  }
0x63: {  	_ =	shalt  }
0x64: {  	_ =	shalt  }
0x65: {  	_ =	shalt  }
0x66: {  	_ =	shalt  }
0x67: {  	_ =	shalt  }
0x68: {  	_ =	shalt  }
0x69: {  	_ =	shalt  }
0x6a: {  	_ =	shalt  }
0x6b: {  	_ =	shalt  }
0x6c: {  	_ =	shalt  }
0x6d: {  	_ =	shalt  }
0x6e: {  	_ =	shalt  }
0x6f: {  	_ =	shalt  }
0x70: {  	_ =	shalt  }
0x71: {  	_ =	shalt  }
0x72: {  	_ =	shalt  }
0x73: {  	_ =	shalt  }
0x74: {  	_ =	shalt  }
0x75: {  	_ =	shalt  }
0x76: {  	_ =	shalt  }
0x77: {  	_ =	shalt  }
0x78: {  	_ =	shalt  }
0x79: {  	_ =	shalt  }
0x7a: {  	_ =	shalt  }
0x7b: {  	_ =	shalt  }
0x7c: {  	_ =	shalt  }
0x7d: {  	_ =	shalt  }
0x7e: {  	_ =	shalt  }
0x7f: {  	_ =	shalt  }
0x80: {  	_ =	shalt  }
0x81: {  	_ =	shalt  }
0x82: {  	_ =	shalt  }
0x83: {  	_ =	shalt  }
0x84: {  	_ =	shalt  }
0x85: {  	_ =	shalt  }
0x86: {  	_ =	shalt  }
0x87: {  	_ =	shalt  }
.Lfunc_end0:
.L_simem_size_0:
called_computation_lowered:
.L_overlay_start_0:
0x88: {  	s2 =	sld [smem:$0x3FD9]  }
0x89: {  	s3 =	sld [smem:$0x3FFE];
	_ =	sdelay $0x1  }
0x8a: {  	s1 =	srdreg.scid  }
0x8b: {  	s0 =	sand.u32 $0x1, s1  }
0x8c: {  	s15 =	sshll.u32 s0, $0xA;
	s2 =	sadd.s32 s3, s2  }
0x8d: {  	s2 =	sadd.s32 s2, s15  }
0x8e: {  	[smem:$0x3FBB] =	sst s2  }
0x8f: {  	_ = 	snop  }
0x90: {  	(tm) =	ssettm $0x1  }
0x91: {  	s16 =	sld [smem:$0x3FFB];
	_ =	sdelay $0x3  }
0x92: {  	_ =	strace s16  }
0x93: {  	s2 =	sld [smem:$0x3FFC];
	_ =	sdelay $0x3  }
0x94: {  	_ =	strace s2  }
0x95: {  	s2 =	sld [smem:$0x3FFD];
	_ =	sdelay $0x3  }
0x96: {  	_ =	strace s2  }
0x97: {  	_ =	strace $0x8FFFFFFF  }
0x98: {  	s17 =	sld [smem:$0x3FDB];
	_ =	sdelay $0x1  }
0x99: {  	s18 =	simm.s32 $_scs_section_size  }
0x9a: {  	s4 =	simm.s32 $_size__tile_overlayer_lowered;
	s5 =	simm.s32 $_tile_overlayer_lowered  }
0x9b: {  	s21 =	simm.s32 $0x1BFF;
	s20 =	sshll.u32 s5, $0x1;
	s2 =	sadd.s32 s18, s17  }
0x9c: {  	s6 =	simm.s32 $0x0;
	s19 =	sshll.u32 s4, $0x1;
	s4 =	sadd.s32 s20, s2  }
0x9d: {  	[timem:s6], [sflag:s21] =	dma.local [hbm:s4], s19  }
0x9e: {  	_ =	swait.ge [sflag:s21], s19  }
0x9f: {  	s3 =	ssub.s32 $0x0, s19;
	[sflag:s21] =	ssyncset.done $0x0  }
0xa0: {  	[sflag:s21] =	ssyncadd.s32 s3;
	_ =	sdelay $0x1  }
0xa1: {  	s22 =	simm.s32 $0x1B8B  }
0xa2: {  	_ =	swait.ge [sflag:s22], $0x1  }
0xa3: {  	[sflag:s22] =	ssyncset.done $0x0  }
0xa4: {  	s23 =	sld [smem:$0x3FFE];
	[sflag:s22] =	ssyncadd.s32 $0xFFFFFFFF  }
0xa5: {  	s25 =	simm.s32 $0x1B8E;
	s24 =	sld [smem:$0x0]  }
0xa6: {  	s26 =	simm.s32 $execute0_lowered;
	[smem:$0x3FD2] =	sst s25  }
0xa7: {  	s5 =	sshll.u32 s26, $0x1;
	_ =	strace $0x80000049;
	[dreg:$0x1] =	wrdreg $0xFFFFFFFF  }
0xa8: {  	s28 =	simm.s32 $_size_execute0_lowered;
	s2 =	sadd.s32 s2, s5;
	[dreg:$0x0] =	wrdreg $0x0  }
0xa9: {  	s5 =	sshll.u32 s28, $0x1;
	[dreg:$0x2] =	wrdreg s2  }
0xaa: {  	[dreg:$0x3] =	wrdreg s5  }
0xab: {  	[dreg:$0x4] =	wrdreg $0xC0  }
0xac: {  	_ =	task [dreg:s6], $0x5FFFF  }
0xad: {  	[dreg:$0x1] =	wrdreg $0xFFFFFFFF  }
0xae: {  	[dreg:$0x0] =	wrdreg $0x60  }
0xaf: {  	[dreg:$0x2] =	wrdreg s23  }
0xb0: {  	[dreg:$0x3] =	wrdreg s1  }
0xb1: {  	[dreg:$0x4] =	wrdreg s24  }
0xb2: {  	[dreg:$0x5] =	wrdreg $0x9  }
0xb3: {  	_ =	task.clear_ibuf [dreg:s6], $0x6FFFF;
	_ =	strace $0x90000049  }
0xb4: {  	s29 =	simm.s32 $0x9;
	_ =	strace $0x8000004B  }
0xb5: {  	_ =	swait.ge [sflag:s29], $0x1  }
0xb6: {  	[sflag:s29] =	ssyncadd.s32 $0xFFFFFFFF  }
0xb7: {  	_ =	strace $0x9000004B  }
0xb8: {  	_ =	sfence  }
0xb9: {  	s30 =	sld [smem:$0x0];
	_ =	sdelay $0x2  }
0xba: {  	s31 =	sshll.u32 s1, $0xD;
	s1 =	sshrl.u32 s1, $0x2  }
0xbb: {  	s3 =	sand.u32 $0x4000, s31;
	s1 =	sadd.s32 s1, s30  }
0xbc: {  	s0 =	sor.u32 s3, s0;
	s1 =	sshll.u32 s1, $0x11  }
0xbd: {  	s0 =	sor.u32 s1, s0  }
0xbe: {  	s0 =	sadd.s32 $0x8F2B, s0  }
0xbf: {  	[sflag:s0] =	ssyncadd.remote.s32 $0x1  }
0xc0: {  	_ =	sfence.sel $0xFFFF  }
0xc1: {  	[dreg:$0x0] =	wrdreg $0xFFFFFFFF;
	(pc) =	sbr.abs _section_cstart, $3  }
0xc2: {  	[dreg:$0x1] =	wrdreg $0xFFFFFFFF  }
0xc3: {  	_ =	task.clear_ibuf [dreg:s6], $0x2FFFF;
	_ =	strace $0x9FFFFFFF  }
0xc4: {  	(tm) =	ssettm $0x7FFFFFFF  }
0xc5: {  	_ =	shalt  }
tec
execute0_lowered:
.L_overlay_start_1:
0x0: {  	(tag) =	ssettag $0x1  }
0x1: {  	s2 =	rddreg [dreg:$0x0]  }
0x2: {  	s3 =	rddreg [dreg:$0x1];
	_ =	strace $0x8000004A;
	s0 =	simm.s32 $0x1  }
0x3: {  	v0 =	vimm.s32 $0x0;
	[sflag:s0] =	ssyncpa.u1 $0x0;
	s0 =	simm.s32 $0x108  }
0x4: {  	[tilespmem:s0+$0x70] =	vst v0  }
0x5: {  	[tilespmem:s0+$0x60] =	vst v0  }
0x6: {  	[tilespmem:s0+$0x50] =	vst v0  }
0x7: {  	[tilespmem:s0+$0x40] =	vst v0  }
0x8: {  	s1 =	sadd.s32 $0x1378200, s2;
	[tilespmem:s0+$0x30] =	vst v0  }
0x9: {  	s15 =	sadd.s32 $0xC5800, s2;
	s6 =	sadd.s32 $0x31E4200, s2;
	[tilespmem:s0+$0x20] =	vst v0  }
0xa: {  	s14 =	sadd.s32 $0x135FA00, s2;
	s5 =	sand.u32 $0x1, s3;
	s3 =	simm.s32 $0x40;
	[tilespmem:s0+$0x10] =	vst v0  }
.LBB2_1:
0xb: {  	s3 =	sadd.s32 $0x40, s3;
	[tilespmem:s0+$0x0] =	vst v0;
	s0 =	sadd.s32 $0x80, s0  }
0xc: {  	p0 =	slt.u32 s3, $0x3C40;
	[tilespmem:s0+$0x70] =	vst v0  }
0xd: {  	[tilespmem:s0+$0x60] =	vst v0  }
.Ltmp0:
0xe: {  	[tilespmem:s0+$0x50] =	vst v0;
	(pc) =	sbr.rel @p0 .LBB2_1-.Ltmp0, $4  }
0xf: {  	[tilespmem:s0+$0x40] =	vst v0  }
0x10: {  	[tilespmem:s0+$0x30] =	vst v0  }
0x11: {  	[tilespmem:s0+$0x20] =	vst v0  }
0x12: {  	[tilespmem:s0+$0x10] =	vst v0  }
0x13: {  	s9 =	stileid.u32  }
0x14: {  	s2 =	smul.u32 $0x68, s9  }
0x15: {  	s3 =	smin.u32 s9, $0x3  }
0x16: {  	s2 =	sor.u32 s3, s2  }
0x17: {  	p0 =	slt.u32 s9, $0x3;
	s7 =	smul.u32 $0xF0, s2;
	s2 =	simm.s32 $0x6270  }
0x18: {  	s2 =	simm.s32 @!p0 $0x6180  }
0x19: {  	s2 =	sadd.s32 s2, s7  }
0x1a: {  	s8 =	smin.u32 s2, $0x61A80  }
0x1b: {  	s2 =	ssub.s32 s8, s7  }
0x1c: {  	p0 =	sgt.s32 s2, $0x0  }
0x1d: {  	s29 =	simm.s32 $0x2;
	s10 =	simm.s32 $0x9;
	s2 =	simm.s32 @!p0 $0x0  }
0x1e: {  	s4 =	simm.s32 $0xA;
	s11 =	simm.s32 $0xB;
	s28 =	smulhi.u32 $0x88888889, s2  }
0x1f: {  	[dreg:$0x4] =	wrdreg s5;
	s31 =	smul.u32 $0xC350, s5;
	s12 =	simm.s32 $0x1  }
0x20: {  	s22 =	simm.s32 $0x0;
	s18 =	simm.s32 $0xC;
	s30 =	sshrl.u32 s28, $0x7  }
0x21: {  	s20 =	simm.s32 $0x0;
	s21 =	simm.s32 $0x0;
	s3 =	smul.u32 $0xF0, s30  }
.Ltmp1:
0x22: {  	[tilespmem:s0+$0x0] =	vst v0;
	v0 =	vimm.s32 $0xFFFFFFFF;
	[sflag:s29] =	ssyncpa.u1 $0x0;
	s16 =	sshll.u32 s9, $0x8;
	(pc) =	sbr.rel .LBB2_3-.Ltmp1, $4  }
0x23: {  	[tilespmem:$0xF208] =	vst v0;
	[sflag:s10] =	ssyncpa.u1 $0x0;
	p0 =	sne.s32 s2, s3;
	s2 =	simm.s32 $0x1  }
0x24: {  	s14 =	sadd.s32 s31, s14;
	[sflag:s4] =	ssyncpa.u1 $0x0;
	s2 =	simm.s32 @!p0 $0x0  }
0x25: {  	s15 =	sadd.s32 s31, s15;
	[sflag:s11] =	ssyncpa.u1 $0x0;
	s13 =	sadd.s32 s2, s30  }
0x26: {  	v0 =	vlaneseq.u32;
	s19 =	smov.u32 s7;
	p0 =	por $0x0, $0x0;
	s17 =	sadd.s32 $0x1, s13  }
.LBB2_18:
0x27: {  	s0 =	sshrl.u32 s31, $0x2  }
.LBB2_20:
0x28: {  	_ =	swait.ge [sflag:s18], s0  }
0x29: {  	s31 =	ssub.s32 $0x0, s0;
	v1 =	vmov s24;
	vm0 =	veq.s32 v0, $0x0;
	[sflag:s18] =	ssyncset.done $0x0  }
0x2a: {  	vm15 =	veq.s32 v0, $0x2;
	v1 =	vsel vm0, s30, v1;
	[sflag:s18] =	ssyncadd.s32 s31  }
0x2b: {  	v1 =	vsel vm15, s22, v1;
	[sflag:s18] =	ssyncpa.u1 $0x1  }
0x2c: {  	[tilespmem:$0xF208] =	vst v1  }
.LBB2_21:
0x2d: {  	s0 =	sadd.s32 $0xF0, s19  }
0x2e: {  	s2 =	smov.u32 s7;
	p1 =	slt.s32 s0, s8  }
0x2f: {  	s2 =	smov.u32 @p1 s0;
	p1 =	sne.s32 s21, s17  }
.Ltmp2:
0x30: {  	_ = 	snop;
	(pc) =	sbr.rel @!p1 .LBB2_22-.Ltmp2, $3  }
0x31: {  	_ =	sdelay $0x1  }
0x32: {  	s22 =	smov.u32 s20;
	s31 =	sadd.s32 $0x1, s21;
	s20 =	smov.u32 s19  }
0x33: {  	p0 =	por !p0, !p0;
	s21 =	smov.u32 s31;
	s19 =	smov.u32 s2  }
.LBB2_3:
0x34: {  	p1 =	sge.u32 s21, s13  }
0x35: {  	s0 =	smulhi.u32 @!p1 $0xAAAAAAAB, s21  }
0x36: {  	s2 =	smov.u32 s19;
	p2 =	sgt.s32 @!p1 s19, $0x61990  }
0x37: {  	s3 =	sshra.s32 @!p1 s19, $0x1F;
	p2 =	por !p2, p1;
	s0 =	sshrl.u32 @!p1 s0, $0x1  }
0x38: {  	s3 =	sand.u32 @!p1 s3, s19;
	s2 =	simm.s32 @p2 $0x61990;
	s0 =	smul.u32 @!p1 $0x3, s0  }
0x39: {  	s2 =	ssub.s32 @!p1 s2, s3  }
0x3a: {  	s2 =	sadd.s32 @!p1 $0xFFF9E670, s2;
	s0 =	ssub.s32 @!p1 s21, s0  }
0x3b: {  	s3 =	sshll.u32 @!p1 s2, $0x2;
	p2 =	sgt.s32 @!p1 s2, $0xEF;
	s0 =	smul.u32 @!p1 $0x3C0, s0  }
0x3c: {  	s4 =	sand.u32 @!p1 $0x7, s19;
	s2 =	ssub.s32 @!p1 $0x3C0, s3;
	p2 =	por !p2, p1  }
0x3d: {  	s3 =	sshrl.u32 @!p1 s19, $0x3;
	s2 =	sshrl.u32 @!p1 s2, $0x2;
	s0 =	sshrl.u32 @!p1 s0, $0x2  }
0x3e: {  	s3 =	sadd.s32 @!p1 s3, s14;
	s2 =	simm.s32 @!p2 $0x0;
	s0 =	sadd.s32 @!p1 $0x10248, s0  }
0x3f: {  	[tilespmem:s0], [sflag:$0xA] =	stream.linear.gather @!p1 [hbm4b:s3+s4], s2, $0x38;
	[tilespmem:$0x1F6F8] =	vst v63  }
0x40: {  	s0 =	sadd.s32 $0xFFFFFFFF, s21  }
0x41: {  	p1 =	sge.u32 s0, s13  }
0x42: {  	p2 =	sgt.s32 @!p1 s20, $0x61990  }
0x43: {  	s2 =	smov.u32 s20;
	s3 =	sshra.s32 @!p1 s20, $0x1F;
	p2 =	por !p2, p1  }
0x44: {  	s3 =	sand.u32 @!p1 s3, s20;
	s2 =	simm.s32 @p2 $0x61990  }
0x45: {  	s2 =	ssub.s32 @!p1 s2, s3  }
0x46: {  	s2 =	sadd.s32 @!p1 $0xFFF9E670, s2  }
0x47: {  	s4 =	sand.u32 @!p1 $0x1, s0;
	s3 =	sshll.u32 @!p1 s2, $0x2  }
0x48: {  	p2 =	sgt.s32 @!p1 s2, $0xEF;
	s2 =	ssub.s32 @!p1 $0x3C0, s3;
	s3 =	smulhi.u32 @!p1 $0xAAAAAAAB, s0  }
0x49: {  	s23 =	smul.u32 @!p1 $0x3C0, s4;
	p2 =	por !p2, p1;
	s2 =	sshrl.u32 @!p1 s2, $0x2  }
0x4a: {  	s5 =	simm.s32 @!p1 $0xA;
	s2 =	simm.s32 @!p2 $0x0;
	s3 =	sshrl.u32 @!p1 s3, $0x1  }
0x4b: {  	s23 =	sshrl.u32 @!p1 s23, $0x2;
	_ =	swait.ge @!p1 [sflag:s5], s2;
	s3 =	smul.u32 @!p1 $0x3, s3  }
0x4c: {  	s23 =	sadd.s32 @!p1 $0x10518, s23;
	s24 =	ssub.s32 @!p1 $0x0, s2;
	[sflag:s5] =	ssyncset.done @!p1 $0x0  }
0x4d: {  	[sflag:s5] =	ssyncadd.s32 @!p1 s24;
	s5 =	sshrl.u32 @!p1 s20, $0x3;
	s0 =	ssub.s32 @!p1 s0, s3  }
0x4e: {  	s24 =	sand.u32 @!p1 $0x7, s20;
	s5 =	sadd.s32 @!p1 s5, s15;
	s0 =	smul.u32 @!p1 $0x3C0, s0  }
0x4f: {  	[tilespmem:s23], [sflag:$0xB] =	stream.linear.gather @!p1 [hbm4b:s5+s24], s2, $0x38;
	[tilespmem:$0x1F6F8] =	vst v63  }
0x50: {  	s3 =	ssub.s32 @!p1 $0x61A80, s20;
	s2 =	smul.u32 @!p1 $0x1E000, s4  }
0x51: {  	p2 =	slt.s32 @!p1 s3, $0xF0  }
0x52: {  	p2 =	por !p2, p1;
	s0 =	sshrl.u32 @!p1 s0, $0x2;
	s2 =	sshrl.u32 @!p1 s2, $0x2  }
0x53: {  	s3 =	simm.s32 @p2 $0xF0;
	s0 =	sadd.s32 @!p1 $0x10248, s0;
	s2 =	sor.u32 @!p1 $0x106F8, s2  }
0x54: {  	[tilespmem:s2], [sflag:$0x9] =	stream.indirect.gather @!p1 [hbm4b:s6+s3], $0x80, s0, s3, $0xb8;
	[tilespmem:$0x1F6F8] =	vst v63  }
0x55: {  	p1 =	slt.u32 s21, $0x2  }
.Ltmp3:
0x56: {  	_ = 	snop;
	(pc) =	sbr.rel @p1 .LBB2_21-.Ltmp3, $1  }
0x57: {  	_ =	sdelay $0x3  }
0x58: {  	p1 =	sgt.s32 s22, $0x61990  }
0x59: {  	s0 =	smov.u32 s22;
	s2 =	sshra.s32 s22, $0x1F;
	s3 =	ssub.s32 $0x61A80, s22  }
0x5a: {  	s0 =	simm.s32 @!p1 $0x61990;
	s2 =	sand.u32 s2, s22;
	p1 =	slt.s32 s3, $0xF0  }
0x5b: {  	s0 =	ssub.s32 s0, s2;
	s3 =	simm.s32 @!p1 $0xF0  }
0x5c: {  	s0 =	sadd.s32 $0xFFF9E670, s0;
	s25 =	sshll.u32 s3, $0x7  }
0x5d: {  	s26 =	sshll.u32 s0, $0x2;
	s2 =	sand.u32 $0x3FFFFF80, s25  }
0x5e: {  	p1 =	sgt.s32 s0, $0xEF;
	s29 =	ssub.s32 $0x3C0, s26;
	_ =	swait.ge [sflag:s10], s2  }
0x5f: {  	s2 =	ssub.s32 $0x0, s2;
	[sflag:s10] =	ssyncset.done $0x0;
	s0 =	sshrl.u32 s29, $0x2  }
0x60: {  	[sflag:s10] =	ssyncadd.s32 s2;
	s0 =	simm.s32 @p1 $0x0  }
0x61: {  	_ =	swait.ge [sflag:s11], s0  }
0x62: {  	s0 =	ssub.s32 $0x0, s0;
	[sflag:s11] =	ssyncset.done $0x0  }
0x63: {  	[sflag:s11] =	ssyncadd.s32 s0  }
0x64: {  	v1 =	vld [tilespmem:$0xF208];
	_ =	sdelay $0x4  }
0x65: {  	(v2sf) =	vpush v1, $0x0  }
0x66: {  	(v2sf) =	vpush v1, $0x1  }
0x67: {  	(v2sf) =	vpush v1, $0x2;
	_ =	sdelay $0x3  }
0x68: {  	s0 =	sadd.s32 $0xF0, s22  }
0x69: {  	s2 =	ssub.s32 $0xC3500, s22;
	p1 =	slt.s32 s8, s0  }
0x6a: {  	s0 =	smov.u32 @p1 s8;
	p1 =	sgt.s32 s2, $0x0  }
0x6b: {  	s26 =	ssub.s32 s0, s22;
	s2 =	simm.s32 @!p1 $0x0  }
0x6c: {  	p1 =	slt.s32 s2, s26  }
0x6d: {  	s26 =	smov.u32 @p1 s2  }
0x6e: {  	s25 =	simm.s32 $0x1;
	p1 =	slt.s32 s26, $0x1  }
.Ltmp4:
0x6f: {  	s25 =	simm.s32 @!p0 $0x0;
	(pc) =	sbr.rel @p1 .LBB2_8-.Ltmp4, $4  }
0x70: {  	s31 =	smul.u32 $0x3C0, s25  }
0x71: {  	s28 =	spop (v2sf)  }
0x72: {  	s0 =	sshrl.u32 s31, $0x2;
	s30 =	spop (v2sf)  }
0x73: {  	s23 =	sadd.s32 $0x10518, s0;
	s22 =	spop (v2sf)  }
0x74: {  	s0 =	smin.u32 s26, $0x10  }
0x75: {  	v1 =	vmov s0  }
0x76: {  	p2 =	sgt.s32 s26, $0x10;
	vm1 =	vgt.u32 v1, v0  }
.Ltmp5:
0x77: {  	_ = 	snop;
	(pc) =	sbr.rel @!p2 .LBB2_7-.Ltmp5, $2  }
0x78: {  	_ =	sdelay $0x2  }
0x79: {  	s4 =	simm.s32 $0x10;
	s24 =	sadd.s32 $0xFFFFFFF0, s26;
	s0 =	smov.u32 s23;
	vm0 =	vmmov vm1  }
.LBB2_6:
0x7a: {  	s2 =	smin.u32 s24, $0x10;
	s4 =	sadd.s32 $0x10, s4;
	v1 =	vld.msk [tilespmem:s0+$0x0 ss:$0x1], vm1  }
0x7b: {  	v2 =	vmov s2;
	p2 =	slt.s32 s4, s26  }
0x7c: {  	vm1 =	vgt.u32 v2, v0  }
.Ltmp6:
0x7d: {  	(pc) =	sbr.rel @p2 .LBB2_6-.Ltmp6, $3  }
0x7e: {  	_ =	sdelay $0x1  }
0x7f: {  	v1 =	vshll.u32 v1, $0x4  }
0x80: {  	s24 =	sadd.s32 $0xFFFFFFF0, s24;
	[tilespmem:s0+$0x0] =	vst.msk vm0, v1;
	s0 =	sadd.s32 $0x10, s0;
	vm0 =	vmmov vm1  }
.LBB2_7:
0x81: {  	_ =	sdelay $0x4  }
0x82: {  	v1 =	vld.msk [tilespmem:s0+$0x0 ss:$0x1], vm1;
	_ =	sdelay $0x4  }
0x83: {  	v1 =	vshll.u32 v1, $0x4  }
0x84: {  	[tilespmem:s0+$0x0] =	vst.msk vm0, v1  }
.LBB2_8:
0x85: {  	s0 =	sand.u32 $0x1, s21  }
0x86: {  	s0 =	smul.u32 $0xF0, s0  }
0x87: {  	p2 =	sne.s32 s30, $0xFFFFFFFF  }
0x88: {  	v1 =	vld.msk @!p2 [tilespmem:s0+$0x10518], $0x1;
	_ =	sdelay $0x4  }
0x89: {  	(v2sf) =	vpush @!p2 v1, $0x0;
	_ =	sdelay $0xc  }
.Ltmp7:
0x8a: {  	_ = 	snop;
	(pc) =	sbr.rel @p1 .LBB2_19-.Ltmp7, $4  }
0x8b: {  	_ = 	snop  }
0x8c: {  	s29 =	spop @!p2 (v2sf)  }
0x8d: {  	s22 =	simm.s32 @!p2 $0x0;
	s24 =	smov.u32 s29  }
0x8e: {  	[sflag:s18] =	ssyncpa.u1 $0x0;
	s29 =	smov.u32 @p2 s28;
	s24 =	smov.u32 @p2 s30  }
0x8f: {  	v1 =	vld.msk [tilespmem:s23+$0x0], $0x1;
	_ =	sdelay $0x4  }
0x90: {  	(v2sf) =	vpush v1, $0x0;
	_ =	sdelay $0xe  }
0x91: {  	s2 =	smul.u32 $0x1E000, s25;
	s0 =	spop (v2sf)  }
0x92: {  	s26 =	ssub.s32 $0x0, s26;
	p1 =	seq.s32 s29, s0  }
0x93: {  	s30 =	sadd.s32 $0x1, s26;
	s2 =	sshrl.u32 s2, $0x2;
	p2 =	sgt.s32 @!p1 s29, $0x0  }
0x94: {  	s25 =	sor.u32 $0x10738, s2;
	s2 =	smov.u32 s29;
	p2 =	por !p2, p1  }
0x95: {  	s2 =	simm.s32 @p2 $0x0;
	p2 =	seq.s32 s30, $0x0  }
.Ltmp8:
0x96: {  	_ = 	snop;
	(pc) =	sbr.rel @p2 .LBB2_11-.Ltmp8, $4  }
0x97: {  	_ = 	snop  }
0x98: {  	s28 =	simm.s32 $0x0;
	s31 =	sadd.s32 $0x1, s23;
	s2 =	smin.u32 @!p1 s2, $0xC34F0  }
0x99: {  	s4 =	simm.s32 @!p1 $0x1;
	s5 =	simm.s32 @!p1 $0x7988;
	s3 =	sand.u32 @!p1 $0xFFFF8, s2  }
0x9a: {  	s4 =	smov.u32 @p1 s28;
	s2 =	sand.u32 @!p1 $0x7, s2;
	s3 =	sadd.s32 @!p1 s1, s3  }
.LBB2_10:
0x9b: {  	s9 =	smov.u32 s4  }
0x9c: {  	[tilespmem:s5], [sflag:$0x2] =	stream.linear.gather @!p1 [hbm4b:s3+s2], $0x80, $0x38;
	[tilespmem:$0x1F6F8] =	vst v63  }
0x9d: {  	s30 =	sadd.s32 $0x1, s30;
	s2 =	smov.u32 s0;
	v1 =	vld.msk [tilespmem:s31+$0x0], $0x1  }
0x9e: {  	p2 =	seq.s32 s30, $0x0;
	_ =	sdelay $0x3  }
0x9f: {  	(v2sf) =	vpush v1, $0x0;
	_ =	sdelay $0xe  }
0xa0: {  	s0 =	spop (v2sf)  }
0xa1: {  	p1 =	seq.s32 s2, s0  }
0xa2: {  	p3 =	sgt.s32 @!p1 s2, $0x0;
	s3 =	sshll.u32 @!p1 s4, $0x9;
	s4 =	sadd.s32 @!p1 $0x1, s4  }
.Ltmp9:
0xa3: {  	p3 =	por !p3, p1;
	s3 =	sshra.s32 @!p1 s3, $0x2;
	(pc) =	sbr.rel @!p2 .LBB2_10-.Ltmp9, $4  }
0xa4: {  	s4 =	smov.u32 @p1 s9;
	s2 =	simm.s32 @p3 $0x0;
	s5 =	sadd.s32 @!p1 $0x7988, s3  }
0xa5: {  	s2 =	smin.u32 @!p1 s2, $0xC34F0  }
0xa6: {  	s3 =	sand.u32 @!p1 $0xFFFF8, s2;
	s2 =	sand.u32 @!p1 $0x7, s2  }
0xa7: {  	s31 =	sadd.s32 $0x1, s31;
	s3 =	sadd.s32 @!p1 s1, s3  }
.LBB2_11:
0xa8: {  	[tilespmem:s5], [sflag:$0x2] =	stream.linear.gather @!p1 [hbm4b:s3+s2], $0x80, $0x38;
	[tilespmem:$0x1F6F8] =	vst v63  }
.Ltmp10:
0xa9: {  	s0 =	sshll.u32 s4, $0x7;
	(pc) =	sbr.rel .LBB2_12-.Ltmp10, $4  }
0xaa: {  	s30 =	simm.s32 $0x2;
	s0 =	sand.u32 $0x3FFFFF80, s0  }
0xab: {  	_ =	swait.ge [sflag:s30], s0  }
0xac: {  	s0 =	ssub.s32 $0x0, s0;
	[sflag:s30] =	ssyncset.done $0x0  }
0xad: {  	s31 =	simm.s32 $0x0;
	[sflag:s30] =	ssyncadd.s32 s0  }
.LBB2_13:
0xae: {  	v1 =	vld [tilespmem:s25+$0xFFFFFFC0];
	_ =	sdelay $0x3  }
0xaf: {  	s0 =	sshra.s32 s0, $0x2  }
0xb0: {  	[tilespmem:s0+$0x108] =	vst.add.f32.msk $0xffff, v1  }
0xb1: {  	v1 =	vld [tilespmem:s25+$0xFFFFFFD0];
	_ =	sdelay $0x4  }
0xb2: {  	[tilespmem:s0+$0x118] =	vst.add.f32.msk $0xffff, v1  }
0xb3: {  	v1 =	vld [tilespmem:s25+$0xFFFFFFE0];
	_ =	sdelay $0x4  }
0xb4: {  	[tilespmem:s0+$0x128] =	vst.add.f32.msk $0xffff, v1  }
0xb5: {  	v1 =	vld [tilespmem:s25+$0xFFFFFFF0];
	_ =	sdelay $0x4  }
0xb6: {  	[tilespmem:s0+$0x138] =	vst.add.f32.msk $0xffff, v1  }
0xb7: {  	v1 =	vld [tilespmem:s25+$0x0];
	_ =	sdelay $0x4  }
0xb8: {  	[tilespmem:s0+$0x148] =	vst.add.f32.msk $0xffff, v1  }
0xb9: {  	v1 =	vld [tilespmem:s25+$0x10];
	_ =	sdelay $0x4  }
0xba: {  	[tilespmem:s0+$0x158] =	vst.add.f32.msk $0xffff, v1  }
0xbb: {  	v1 =	vld [tilespmem:s25+$0x20];
	_ =	sdelay $0x4  }
0xbc: {  	[tilespmem:s0+$0x168] =	vst.add.f32.msk $0xffff, v1  }
0xbd: {  	v1 =	vld [tilespmem:s25+$0x30];
	_ =	sdelay $0x4  }
0xbe: {  	[tilespmem:s0+$0x178] =	vst.add.f32.msk $0xffff, v1  }
.LBB2_17:
0xbf: {  	s26 =	sadd.s32 $0x1, s26  }
0xc0: {  	p1 =	seq.s32 s26, $0x0  }
.Ltmp11:
0xc1: {  	_ = 	snop;
	(pc) =	sbr.rel @p1 .LBB2_18-.Ltmp11, $2  }
0xc2: {  	_ =	sdelay $0x2  }
0xc3: {  	s23 =	sadd.s32 $0x1, s23;
	s25 =	sadd.s32 $0x80, s25;
	s29 =	smov.u32 s30  }
.LBB2_12:
0xc4: {  	v1 =	vld.msk [tilespmem:s23+$0x0], $0x1;
	_ =	sdelay $0x4  }
0xc5: {  	(v2sf) =	vpush v1, $0x0;
	_ =	sdelay $0xe  }
0xc6: {  	s30 =	spop (v2sf)  }
0xc7: {  	p1 =	sne.s32 s29, s30  }
.Ltmp12:
0xc8: {  	_ = 	snop;
	(pc) =	sbr.rel @!p1 .LBB2_13-.Ltmp12, $2  }
0xc9: {  	_ =	sdelay $0x2  }
0xca: {  	s0 =	sshll.u32 s22, $0x9  }
0xcb: {  	p1 =	seq.s32 s29, s24  }
.Ltmp13:
0xcc: {  	_ = 	snop;
	(pc) =	sbr.rel @!p1 .LBB2_15-.Ltmp13, $1  }
0xcd: {  	_ =	sdelay $0x3  }
0xce: {  	s0 =	sshra.s32 s0, $0x2  }
.Ltmp14:
0xcf: {  	s0 =	sadd.s32 $0x108, s0;
	(pc) =	sbr.rel .LBB2_16-.Ltmp14, $4  }
0xd0: {  	[spmem:s16] =	stream.linear.scatter [tilespmem:s0], [sflag:$0x1], $0x80, $0x38;
	[tilespmem:$0x1F6F8] =	vst v63  }
0xd1: {  	_ =	swait.ge [sflag:s12], $0x80  }
0xd2: {  	[sflag:s12] =	ssyncset.done $0x0  }
0xd3: {  	[sflag:s12] =	ssyncadd.s32 $0xFFFFFF80  }
.LBB2_15:
0xd4: {  	s2 =	sshll.u32 s28, $0x9  }
0xd5: {  	s2 =	sshra.s32 s2, $0x2  }
0xd6: {  	v1 =	vld [tilespmem:s2+$0x7988];
	_ =	sdelay $0x3  }
0xd7: {  	s0 =	sshra.s32 s0, $0x2  }
0xd8: {  	[tilespmem:s0+$0x108] =	vst.add.f32.msk $0xffff, v1  }
0xd9: {  	v1 =	vld [tilespmem:s2+$0x7998];
	_ =	sdelay $0x4  }
0xda: {  	[tilespmem:s0+$0x118] =	vst.add.f32.msk $0xffff, v1  }
0xdb: {  	v1 =	vld [tilespmem:s2+$0x79A8];
	_ =	sdelay $0x4  }
0xdc: {  	[tilespmem:s0+$0x128] =	vst.add.f32.msk $0xffff, v1  }
0xdd: {  	v1 =	vld [tilespmem:s2+$0x79B8];
	_ =	sdelay $0x4  }
0xde: {  	[tilespmem:s0+$0x138] =	vst.add.f32.msk $0xffff, v1  }
0xdf: {  	v1 =	vld [tilespmem:s2+$0x79C8];
	_ =	sdelay $0x4  }
0xe0: {  	[tilespmem:s0+$0x148] =	vst.add.f32.msk $0xffff, v1  }
0xe1: {  	v1 =	vld [tilespmem:s2+$0x79D8];
	_ =	sdelay $0x4  }
0xe2: {  	[tilespmem:s0+$0x158] =	vst.add.f32.msk $0xffff, v1  }
0xe3: {  	v1 =	vld [tilespmem:s2+$0x79E8];
	_ =	sdelay $0x4  }
0xe4: {  	[tilespmem:s0+$0x168] =	vst.add.f32.msk $0xffff, v1  }
0xe5: {  	v1 =	vld [tilespmem:s2+$0x79F8];
	_ =	sdelay $0x2  }
0xe6: {  	p1 =	sgt.u32 s29, $0xC34F0  }
0xe7: {  	s2 =	sand.u32 @!p1 $0xFFFF8, s29  }
0xe8: {  	s3 =	sadd.s32 $0x108, s0;
	[tilespmem:s0+$0x178] =	vst.add.f32.msk $0xffff, v1;
	s0 =	sadd.s32 @!p1 s1, s2;
	s2 =	sand.u32 @!p1 $0x7, s29  }
0xe9: {  	[hbm4b:s0+s2] =	stream.linear.scatter @!p1 [tilespmem:s3], [sflag:$0xC], $0x80, $0x38;
	[tilespmem:$0x1F6F8] =	vst v63  }
0xea: {  	s0 =	simm.s32 $0x0  }
0xeb: {  	s0 =	simm.s32 @!p1 $0x200  }
0xec: {  	s31 =	sadd.s32 s0, s31  }
.LBB2_16:
0xed: {  	s0 =	sadd.s32 $0x1, s22  }
0xee: {  	s2 =	smulhi.u32 $0x88888889, s0;
	_ =	sdelay $0x1  }
0xef: {  	v1 =	vld [tilespmem:s25+$0xFFFFFFC0];
	s2 =	sshrl.u32 s2, $0x7  }
0xf0: {  	s2 =	smul.u32 $0xF0, s2;
	_ =	sdelay $0x1  }
0xf1: {  	s22 =	ssub.s32 s0, s2  }
0xf2: {  	s0 =	sshll.u32 s22, $0x7  }
0xf3: {  	[tilespmem:s0+$0x108] =	vst v1  }
0xf4: {  	v1 =	vld [tilespmem:s25+$0xFFFFFFD0];
	_ =	sdelay $0x4  }
0xf5: {  	[tilespmem:s0+$0x118] =	vst v1  }
0xf6: {  	v1 =	vld [tilespmem:s25+$0xFFFFFFE0];
	_ =	sdelay $0x4  }
0xf7: {  	[tilespmem:s0+$0x128] =	vst v1  }
0xf8: {  	v1 =	vld [tilespmem:s25+$0xFFFFFFF0];
	_ =	sdelay $0x4  }
0xf9: {  	[tilespmem:s0+$0x138] =	vst v1  }
0xfa: {  	v1 =	vld [tilespmem:s25+$0x0];
	_ =	sdelay $0x4  }
0xfb: {  	[tilespmem:s0+$0x148] =	vst v1  }
0xfc: {  	v1 =	vld [tilespmem:s25+$0x10];
	_ =	sdelay $0x4  }
0xfd: {  	[tilespmem:s0+$0x158] =	vst v1  }
0xfe: {  	v1 =	vld [tilespmem:s25+$0x20];
	_ =	sdelay $0x4  }
0xff: {  	[tilespmem:s0+$0x168] =	vst v1  }
0x100: {  	v1 =	vld [tilespmem:s25+$0x30]  }
.Ltmp15:
0x101: {  	_ = 	snop;
	(pc) =	sbr.rel .LBB2_17-.Ltmp15, $2  }
0x102: {  	_ =	sdelay $0x2  }
0x103: {  	s28 =	sadd.s32 $0x1, s28;
	[tilespmem:s0+$0x178] =	vst v1  }
.LBB2_19:
.Ltmp16:
0x104: {  	(pc) =	sbr.rel .LBB2_20-.Ltmp16, $4  }
0x105: {  	_ = 	snop  }
0x106: {  	s0 =	simm.s32 $0x2  }
0x107: {  	_ =	swait.ge [sflag:s0], $0x0  }
0x108: {  	s30 =	smov.u32 s29;
	[sflag:s0] =	ssyncset.done $0x0;
	s0 =	simm.s32 $0x0  }
.LBB2_22:
0x109: {  	_ =	sfence.sel $0x180000  }
0x10a: {  	s0 =	simm.s32 $0x9;
	[bflag:$0x0] =	sbarrier.arrive $0xFFFF  }
0x10b: {  	s24 =	simm.s32 $0xA;
	[sflag:s0] =	ssyncpa.u1 $0x1  }
0x10c: {  	s25 =	simm.s32 $0xB;
	[sflag:s24] =	ssyncpa.u1 $0x1  }
0x10d: {  	s26 =	simm.s32 $0x2;
	[sflag:s25] =	ssyncpa.u1 $0x1  }
0x10e: {  	[sflag:s26] =	ssyncpa.u1 $0x1  }
0x10f: {  	v0 =	vld [tilespmem:$0xF208];
	_ =	sdelay $0x4  }
0x110: {  	(v2sf) =	vpush v0, $0x0  }
0x111: {  	(v2sf) =	vpush v0, $0x1;
	_ =	sdelay $0x1  }
0x112: {  	(v2sf) =	vpush v0, $0x2;
	_ =	sdelay $0xb  }
0x113: {  	s0 =	spop (v2sf)  }
0x114: {  	s2 =	spop (v2sf)  }
0x115: {  	s3 =	smov.u32 s0;
	p0 =	sne.s32 s0, s2  }
0x116: {  	s4 =	spop (v2sf);
	s3 =	simm.s32 @!p0 $0xFFFFFFFF  }
0x117: {  	v2 =	vimm.s32 $0x1;
	v3 =	vlaneseq.u32;
	p0 =	seq.s32 s4, $0xFFFFFFFF;
	v1 =	vmov s3  }
0x118: {  	s16 =	stileid.u32;
	v0 =	vperm.xlane v0, v2;
	p1 =	sne.s32 @!p0 s0, s2;
	v1 =	vperm.xlane v1, v3  }
0x119: {  	vm0 =	vcmask $0x3F04;
	s6 =	simm.s32 $0xF208;
	s0 =	simm.s32 @!p0 $0x1;
	p1 =	por !p1, p0  }
0x11a: {  	s3 =	sshll.u32 s16, $0x1;
	s2 =	sshll.u32 @!p0 s4, $0x9;
	s0 =	simm.s32 @p1 $0x0;
	v0 =	vsel vm0, v1, v0  }
0x11b: {  	s5 =	sor.u32 $0x1000, s3;
	s2 =	sshra.s32 @!p0 s2, $0x2;
	s0 =	sor.u32 @!p0 s0, s3;
	[tilespmem:$0xF208] =	vst v0  }
0x11c: {  	[spmem:s5] =	stream.linear.scatter [tilespmem:s6], [sflag:$0x1], $0x2, $0x38;
	[tilespmem:$0x1F6F8] =	vst v63  }
0x11d: {  	s2 =	sadd.s32 @!p0 $0x108, s2;
	s0 =	sshll.u32 @!p0 s0, $0x7  }
0x11e: {  	[spmem:s0] =	stream.linear.scatter @!p0 [tilespmem:s2], [sflag:$0x1], $0x80, $0x38;
	[tilespmem:$0x1F6F8] =	vst v63  }
0x11f: {  	s0 =	simm.s32 @!p0 $0x82  }
0x120: {  	s28 =	simm.s32 $0x1;
	s0 =	simm.s32 @p0 $0x2  }
0x121: {  	_ =	swait.ge [sflag:s28], s0  }
0x122: {  	s0 =	ssub.s32 $0x0, s0;
	[sflag:s28] =	ssyncset.done $0x0  }
0x123: {  	p0 =	sne.s32 s16, $0x0;
	[sflag:s28] =	ssyncadd.s32 s0  }
.Ltmp17:
0x124: {  	_ =	sfence.stream.spmem;
	(pc) =	sbr.rel @p0 .LBB2_39-.Ltmp17, $4  }
0x125: {  	s29 =	simm.s32 $0x3;
	[bflag:$0x0] =	sbarrier.arrive $0xFFFF  }
0x126: {  	s30 =	simm.s32 $0x4;
	[sflag:s29] =	ssyncpa.u1 $0x1  }
0x127: {  	s31 =	simm.s32 $0x3C;
	[sflag:s30] =	ssyncpa.u1 $0x1  }
0x128: {  	s15 =	rddreg [dreg:$0x4];
	[sflag:s31] =	ssyncpa.u1 $0x1  }
0x129: {  	_ =	sfence.stream.spmem;
	s0 =	simm.s32 $0x5  }
0x12a: {  	s2 =	simm.s32 $0x1000;
	s3 =	simm.s32 $0xF218;
	[sflag:s0] =	ssyncpa.u1 $0x0  }
0x12b: {  	[tilespmem:s3], [sflag:$0x5] =	stream.linear.gather [spmem:s2], $0x20, $0x38;
	[tilespmem:$0x1F6F8] =	vst v63  }
0x12c: {  	s26 =	simm.s32 $0x0;
	s28 =	simm.s32 $0xF238  }
0x12d: {  	[tilespmem:s28], [sflag:$0x5] =	stream.linear.gather [spmem:s26], $0x1000, $0x38;
	[tilespmem:$0x1F6F8] =	vst v63  }
0x12e: {  	_ =	swait.ge [sflag:s0], $0x1020  }
0x12f: {  	[sflag:s0] =	ssyncset.done $0x0  }
0x130: {  	s29 =	simm.s32 $0x0;
	[sflag:s0] =	ssyncadd.s32 $0xFFFFEFE0  }
0x131: {  	v0 =	vld.msk [tilespmem:s29+$0xF218], $0x1;
	_ =	sdelay $0x1  }
0x132: {  	s30 =	simm.s32 $0x1  }
0x133: {  	v1 =	vld.msk [tilespmem:s30+$0xF218], $0x1;
	_ =	sdelay $0x1  }
0x134: {  	(v2sf) =	vpush v0, $0x0;
	_ =	sdelay $0x2  }
0x135: {  	(v2sf) =	vpush v1, $0x0;
	_ =	sdelay $0x2  }
0x136: {  	s31 =	simm.s32 $0x2  }
0x137: {  	v0 =	vld.msk [tilespmem:s31+$0xF218], $0x1;
	_ =	sdelay $0x2  }
0x138: {  	s4 =	simm.s32 $0xFFFFFFFF;
	s5 =	simm.s32 $0xFFFFFFFF;
	s0 =	simm.s32 $0xC  }
.LBB2_24:
0x139: {  	s2 =	smov.u32 s5;
	s3 =	smov.u32 s4  }
0x13a: {  	s4 =	sshra.s32 s0, $0x2;
	p1 =	sne.s32 s0, $0x7C;
	s0 =	sadd.s32 $0x4, s0;
	(v2sf) =	vpush v0, $0x0  }
0x13b: {  	v0 =	vld.msk [tilespmem:s4+$0xF218], $0x1  }
.Ltmp18:
0x13c: {  	(pc) =	sbr.rel @p1 .LBB2_24-.Ltmp18, $4  }
0x13d: {  	s5 =	spop (v2sf)  }
0x13e: {  	p2 =	sne.s32 s3, $0xFFFFFFFF;
	s4 =	smov.u32 s5  }
0x13f: {  	p3 =	seq.s32 s5, $0xFFFFFFFF;
	s4 =	smov.u32 @p2 s3  }
0x140: {  	s5 =	smov.u32 @p3 s2;
	s4 =	smov.u32 @p3 s3  }
0x141: {  	(v2sf) =	vpush v0, $0x0;
	_ =	sdelay $0x8  }
0x142: {  	s0 =	spop (v2sf)  }
0x143: {  	p1 =	sne.s32 s4, $0xFFFFFFFF;
	s2 =	smov.u32 s0  }
0x144: {  	s9 =	simm.s32 $0x6;
	p2 =	seq.s32 s0, $0xFFFFFFFF;
	s2 =	smov.u32 @p1 s4  }
0x145: {  	s6 =	simm.s32 $0x0;
	s2 =	smov.u32 @p2 s4;
	s3 =	spop (v2sf)  }
0x146: {  	s0 =	smov.u32 @p2 s5;
	p1 =	sne.s32 s2, $0xFFFFFFFF;
	s4 =	smov.u32 s3  }
.Ltmp19:
0x147: {  	p2 =	seq.s32 s3, $0xFFFFFFFF;
	s4 =	smov.u32 @p1 s2;
	(pc) =	sbr.rel .LBB2_26-.Ltmp19, $4  }
0x148: {  	s10 =	simm.s32 $0xF188;
	s4 =	smov.u32 @p2 s2;
	s7 =	spop (v2sf)  }
0x149: {  	s11 =	simm.s32 $0x0;
	p1 =	sne.s32 s4, $0xFFFFFFFF;
	s8 =	smov.u32 s7  }
0x14a: {  	s3 =	smov.u32 @p2 s0;
	p2 =	seq.s32 s7, $0xFFFFFFFF;
	s8 =	smov.u32 @p1 s4  }
0x14b: {  	[sflag:s9] =	ssyncpa.u1 $0x0;
	s7 =	smov.u32 @p2 s3;
	s8 =	smov.u32 @p2 s4  }
.LBB2_32:
0x14c: {  	p1 =	sgt.u32 s12, $0xC34F0  }
0x14d: {  	p2 =	seq.s32 @!p1 s12, s8  }
0x14e: {  	p1 =	por p1, p2  }
0x14f: {  	p2 =	sne.s32 @!p1 s12, s7  }
0x150: {  	p1 =	por p1, !p2  }
0x151: {  	s0 =	sshll.u32 @p1 s11, $0x9  }
0x152: {  	s0 =	sand.u32 @!p1 $0xFFFF8, s12  }
0x153: {  	s2 =	sand.u32 @!p1 $0x7, s12;
	s0 =	sadd.s32 @!p1 s1, s0  }
0x154: {  	[tilespmem:s10], [sflag:$0x6] =	stream.linear.gather @!p1 [hbm4b:s0+s2], $0x80, $0x38;
	[tilespmem:$0x1F6F8] =	vst v63  }
0x155: {  	_ =	swait.ge @!p1 [sflag:s9], $0x80  }
0x156: {  	[sflag:s9] =	ssyncset.done @!p1 $0x0  }
0x157: {  	[sflag:s9] =	ssyncadd.s32 @!p1 $0xFFFFFF80  }
0x158: {  	v1 =	vld @!p1 [tilespmem:$0xF188];
	_ =	sdelay $0x2  }
0x159: {  	s0 =	sshll.u32 @!p1 s11, $0x9  }
0x15a: {  	s2 =	sshrl.u32 @!p1 s0, $0x2  }
0x15b: {  	[tilespmem:s2+$0xF238] =	vst.add.f32.msk @!p1 $0xffff, v1  }
0x15c: {  	v1 =	vld @!p1 [tilespmem:$0xF198];
	_ =	sdelay $0x4  }
0x15d: {  	[tilespmem:s2+$0xF248] =	vst.add.f32.msk @!p1 $0xffff, v1  }
0x15e: {  	v1 =	vld @!p1 [tilespmem:$0xF1A8];
	_ =	sdelay $0x4  }
0x15f: {  	[tilespmem:s2+$0xF258] =	vst.add.f32.msk @!p1 $0xffff, v1  }
0x160: {  	v1 =	vld @!p1 [tilespmem:$0xF1B8];
	_ =	sdelay $0x4  }
0x161: {  	[tilespmem:s2+$0xF268] =	vst.add.f32.msk @!p1 $0xffff, v1  }
0x162: {  	v1 =	vld @!p1 [tilespmem:$0xF1C8];
	_ =	sdelay $0x4  }
0x163: {  	[tilespmem:s2+$0xF278] =	vst.add.f32.msk @!p1 $0xffff, v1  }
0x164: {  	v1 =	vld @!p1 [tilespmem:$0xF1D8];
	_ =	sdelay $0x4  }
0x165: {  	[tilespmem:s2+$0xF288] =	vst.add.f32.msk @!p1 $0xffff, v1  }
0x166: {  	v1 =	vld @!p1 [tilespmem:$0xF1E8];
	_ =	sdelay $0x4  }
0x167: {  	[tilespmem:s2+$0xF298] =	vst.add.f32.msk @!p1 $0xffff, v1  }
0x168: {  	v1 =	vld @!p1 [tilespmem:$0xF1F8];
	_ =	sdelay $0x4  }
0x169: {  	[tilespmem:s2+$0xF2A8] =	vst.add.f32.msk @!p1 $0xffff, v1  }
0x16a: {  	s0 =	sshrl.u32 s0, $0x2;
	[tilespmem:s6+$0xF218] =	vst.msk $0x1, v0  }
0x16b: {  	v0 =	vld [tilespmem:s0+$0xF238];
	_ =	sdelay $0x2  }
0x16c: {  	s31 =	sshll.u32 s6, $0x9  }
0x16d: {  	s2 =	sshra.s32 s31, $0x2  }
0x16e: {  	[tilespmem:s2+$0xF238] =	vst v0  }
0x16f: {  	v0 =	vld [tilespmem:s0+$0xF248];
	_ =	sdelay $0x4  }
0x170: {  	[tilespmem:s2+$0xF248] =	vst v0  }
0x171: {  	v0 =	vld [tilespmem:s0+$0xF258];
	_ =	sdelay $0x4  }
0x172: {  	[tilespmem:s2+$0xF258] =	vst v0  }
0x173: {  	v0 =	vld [tilespmem:s0+$0xF268];
	_ =	sdelay $0x4  }
0x174: {  	[tilespmem:s2+$0xF268] =	vst v0  }
0x175: {  	v0 =	vld [tilespmem:s0+$0xF278];
	_ =	sdelay $0x4  }
0x176: {  	[tilespmem:s2+$0xF278] =	vst v0  }
0x177: {  	v0 =	vld [tilespmem:s0+$0xF288];
	_ =	sdelay $0x4  }
0x178: {  	[tilespmem:s2+$0xF288] =	vst v0  }
0x179: {  	v0 =	vld [tilespmem:s0+$0xF298];
	_ =	sdelay $0x4  }
0x17a: {  	[tilespmem:s2+$0xF298] =	vst v0  }
0x17b: {  	v0 =	vld [tilespmem:s0+$0xF2A8];
	_ =	sdelay $0x4  }
0x17c: {  	s6 =	sadd.s32 $0x1, s6;
	[tilespmem:s2+$0xF2A8] =	vst v0  }
.LBB2_33:
0x17d: {  	s11 =	sadd.s32 $0x1, s11  }
0x17e: {  	p1 =	sne.s32 s11, $0x20  }
.Ltmp20:
0x17f: {  	_ = 	snop;
	(pc) =	sbr.rel @!p1 .LBB2_34-.Ltmp20, $1  }
0x180: {  	_ =	sdelay $0x3  }
.LBB2_26:
0x181: {  	v0 =	vld.msk [tilespmem:s11+$0xF218], $0x1;
	_ =	sdelay $0x4  }
0x182: {  	(v2sf) =	vpush v0, $0x0;
	_ =	sdelay $0xe  }
0x183: {  	s12 =	spop (v2sf)  }
0x184: {  	p1 =	seq.s32 s12, $0xFFFFFFFF  }
.Ltmp21:
0x185: {  	_ = 	snop;
	(pc) =	sbr.rel @p1 .LBB2_33-.Ltmp21, $1  }
0x186: {  	_ =	sdelay $0x3  }
0x187: {  	p1 =	slt.s32 s6, $0x1  }
.Ltmp22:
0x188: {  	_ = 	snop;
	(pc) =	sbr.rel @p1 .LBB2_32-.Ltmp22, $1  }
0x189: {  	_ =	sdelay $0x3  }
0x18a: {  	s13 =	simm.s32 $0xF218;
	p1 =	por $0x0, $0x0  }
0x18b: {  	v1 =	vld.msk @!p1 [tilespmem:s13+$0x0], $0x1;
	_ =	sdelay $0x4  }
0x18c: {  	(v2sf) =	vpush @!p1 v1, $0x0;
	_ =	sdelay $0xd  }
0x18d: {  	p3 =	sne.s32 s6, $0x1  }
.Ltmp23:
0x18e: {  	s0 =	spop @!p1 (v2sf);
	(pc) =	sbr.rel @!p3 .LBB2_30-.Ltmp23, $4  }
0x18f: {  	p2 =	seq.s32 @!p1 s12, s0  }
0x190: {  	s14 =	simm.s32 $0x0;
	p2 =	por !p2, p1  }
0x191: {  	s2 =	simm.s32 $0xFFFFFFFF;
	s14 =	simm.s32 @p2 $0xFFFFFFFF  }
0x192: {  	s0 =	simm.s32 $0x1;
	s14 =	smov.u32 @p1 s2  }
.LBB2_29:
0x193: {  	s2 =	smov.u32 s14;
	p1 =	sne.s32 s14, $0xFFFFFFFF  }
0x194: {  	s13 =	sadd.s32 $0x1, s13;
	s14 =	smov.u32 s0;
	s0 =	sadd.s32 $0x1, s0  }
0x195: {  	p2 =	sne.s32 s6, s0;
	v1 =	vld.msk @!p1 [tilespmem:s13+$0x0], $0x1;
	_ =	sdelay $0x4  }
0x196: {  	(v2sf) =	vpush @!p1 v1, $0x0;
	_ =	sdelay $0xe  }
.Ltmp24:
0x197: {  	s3 =	spop @!p1 (v2sf);
	(pc) =	sbr.rel @p2 .LBB2_29-.Ltmp24, $4  }
0x198: {  	p3 =	seq.s32 @!p1 s12, s3  }
0x199: {  	p3 =	por !p3, p1  }
0x19a: {  	s14 =	simm.s32 @p3 $0xFFFFFFFF  }
0x19b: {  	s14 =	smov.u32 @p1 s2  }
.LBB2_30:
0x19c: {  	p1 =	seq.s32 s14, $0xFFFFFFFF  }
.Ltmp25:
0x19d: {  	_ = 	snop;
	(pc) =	sbr.rel @p1 .LBB2_32-.Ltmp25, $1  }
0x19e: {  	_ =	sdelay $0x3  }
0x19f: {  	s0 =	sshll.u32 s11, $0x7  }
0x1a0: {  	s0 =	sand.u32 $0x3FFFFF80, s0  }
0x1a1: {  	v0 =	vld [tilespmem:s0+$0xF238];
	_ =	sdelay $0x2  }
0x1a2: {  	s2 =	sshll.u32 s14, $0x9  }
0x1a3: {  	s2 =	sshra.s32 s2, $0x2  }
0x1a4: {  	[tilespmem:s2+$0xF238] =	vst.add.f32.msk $0xffff, v0  }
0x1a5: {  	v0 =	vld [tilespmem:s0+$0xF248];
	_ =	sdelay $0x4  }
0x1a6: {  	[tilespmem:s2+$0xF248] =	vst.add.f32.msk $0xffff, v0  }
0x1a7: {  	v0 =	vld [tilespmem:s0+$0xF258];
	_ =	sdelay $0x4  }
0x1a8: {  	[tilespmem:s2+$0xF258] =	vst.add.f32.msk $0xffff, v0  }
0x1a9: {  	v0 =	vld [tilespmem:s0+$0xF268];
	_ =	sdelay $0x4  }
0x1aa: {  	[tilespmem:s2+$0xF268] =	vst.add.f32.msk $0xffff, v0  }
0x1ab: {  	v0 =	vld [tilespmem:s0+$0xF278];
	_ =	sdelay $0x4  }
0x1ac: {  	[tilespmem:s2+$0xF278] =	vst.add.f32.msk $0xffff, v0  }
0x1ad: {  	v0 =	vld [tilespmem:s0+$0xF288];
	_ =	sdelay $0x4  }
0x1ae: {  	[tilespmem:s2+$0xF288] =	vst.add.f32.msk $0xffff, v0  }
0x1af: {  	v0 =	vld [tilespmem:s0+$0xF298];
	_ =	sdelay $0x4  }
0x1b0: {  	[tilespmem:s2+$0xF298] =	vst.add.f32.msk $0xffff, v0  }
0x1b1: {  	v0 =	vld [tilespmem:s0+$0xF2A8]  }
.Ltmp26:
0x1b2: {  	_ = 	snop;
	(pc) =	sbr.rel .LBB2_33-.Ltmp26, $2  }
0x1b3: {  	_ =	sdelay $0x2  }
0x1b4: {  	[tilespmem:s2+$0xF2A8] =	vst.add.f32.msk $0xffff, v0  }
.LBB2_34:
0x1b5: {  	s0 =	simm.s32 $0x6;
	p1 =	seq.s32 s6, $0x0  }
0x1b6: {  	[sflag:s0] =	ssyncpa.u1 $0x1;
	v0 =	vimm.s32 @p1 $0xFFFFFFFF  }
0x1b7: {  	s9 =	sadd.s32 $0xFFFFFFFF, s6;
	[tilespmem:$0x10238] =	vst @p1 v0  }
0x1b8: {  	v0 =	vld.msk @!p1 [tilespmem:s9+$0xF218], $0x1;
	_ =	sdelay $0x1  }
0x1b9: {  	v1 =	vld.msk @!p1 [tilespmem:$0xF218], $0x1;
	_ =	sdelay $0x2  }
0x1ba: {  	p2 =	seq.s32 @!p1 s9, $0x0;
	v0 =	vbroadcast @!p1 v0, $0x0  }
0x1bb: {  	vm0 =	vmmov @!p1 $0x1;
	p2 =	por !p2, p1  }
0x1bc: {  	v1 =	vnsel @!p1 vm0, $0xFFFFFFFF, v1;
	vm0 =	vcmask @!p1 $0x308;
	v0 =	vpsel !p2, $0xFFFFFFFF, v0  }
0x1bd: {  	p2 =	sne.s32 @!p1 s8, s7;
	v0 =	vsel @!p1 vm0, v1, v0  }
0x1be: {  	s0 =	simm.s32 @!p1 $0xF238;
	s2 =	simm.s32 @!p1 $0x0;
	p3 =	por !p2, p1;
	[tilespmem:$0x10238] =	vst @!p1 v0  }
0x1bf: {  	[spmem:s2] =	stream.linear.scatter @!p1 [tilespmem:s0], [sflag:$0x1], $0x80, $0x38;
	[tilespmem:$0x1F6F8] =	vst v63  }
0x1c0: {  	s0 =	sshll.u32 @!p3 s9, $0x9  }
0x1c1: {  	s0 =	sshra.s32 @!p3 s0, $0x2  }
0x1c2: {  	s2 =	simm.s32 @!p3 $0x80;
	s0 =	sadd.s32 @!p3 $0xF238, s0  }
0x1c3: {  	[spmem:s2] =	stream.linear.scatter @!p3 [tilespmem:s0], [sflag:$0x1], $0x80, $0x38;
	[tilespmem:$0x1F6F8] =	vst v63  }
0x1c4: {  	s0 =	simm.s32 @!p3 $0x1  }
0x1c5: {  	_ =	swait.ge @!p3 [sflag:s0], $0x100  }
0x1c6: {  	p1 =	por p2, p1;
	[sflag:s0] =	ssyncset.done @!p3 $0x0  }
0x1c7: {  	[sflag:s0] =	ssyncadd.s32 @!p3 $0xFFFFFF00;
	s0 =	simm.s32 @!p1 $0x1  }
0x1c8: {  	_ =	swait.ge @!p1 [sflag:s0], $0x80  }
0x1c9: {  	s29 =	simm.s32 $0x10238;
	[sflag:s0] =	ssyncset.done @!p1 $0x0  }
0x1ca: {  	s30 =	simm.s32 $0x1000;
	s31 =	simm.s32 $0x1;
	[sflag:s0] =	ssyncadd.s32 @!p1 $0xFFFFFF80  }
0x1cb: {  	[spmem:s30] =	stream.linear.scatter [tilespmem:s29], [sflag:$0x1], $0x10, $0x38;
	[tilespmem:$0x1F6F8] =	vst v63  }
0x1cc: {  	_ =	swait.ge [sflag:s31], $0x10  }
0x1cd: {  	[sflag:s31] =	ssyncset.done $0x0  }
0x1ce: {  	p1 =	seq.s32 s15, $0x0;
	s8 =	rddreg [dreg:$0x1];
	[sflag:s31] =	ssyncadd.s32 $0xFFFFFFF0  }
0x1cf: {  	s2 =	sshll.u32 @p1 s8, $0xE;
	s7 =	rddreg [dreg:$0x2]  }
0x1d0: {  	s0 =	sadd.s32 @p1 $0x15C3C, s2;
	s2 =	sshll.u32 @p1 s7, $0x11  }
0x1d1: {  	_ =	sfence.stream.spmem;
	s0 =	sor.u32 @p1 s2, s0  }
0x1d2: {  	[sflag:s0] =	ssyncadd.remote.s32 @p1 $0x1;
	s0 =	simm.s32 @p1 $0x4  }
0x1d3: {  	s3 =	simm.s32 @!p1 $0x3C;
	s2 =	sand.u32 $0xFFFFFFFE, s8;
	_ =	swait.ge @p1 [sflag:s0], $0x22  }
0x1d4: {  	s4 =	simm.s32 @!p1 $0x0;
	s2 =	sadd.s32 @!p1 $0x4, s2;
	[sflag:s0] =	ssyncset.done @p1 $0x0  }
0x1d5: {  	s5 =	simm.s32 @!p1 $0x100;
	[sflag:s0] =	ssyncadd.s32 @p1 $0xFFFFFFDE;
	s0 =	sshll.u32 @!p1 s2, $0x1A  }
0x1d6: {  	s2 =	sshll.u32 @!p1 s2, $0xD;
	s0 =	sor.u32 @!p1 s0, s7;
	_ =	swait.eq @!p1 [sflag:s3], $0x1  }
0x1d7: {  	s2 =	sor.u32 @!p1 $0x1C04, s2;
	s3 =	simm.s32 @!p1 $0x1C03;
	s0 =	sor.u32 @!p1 $0x80004000, s0  }
0x1d8: {  	[spmem:s5], [sflag:s2] =	dma.general @!p1 [spmem:s4], [sflag:s3], length:$0x20, [dreg:$0x0], stride_count:$0x0, ici_dest:s0, dma_misc:DstOpCode:WRITE  }
0x1d9: {  	p2 =	slt.s32 s9, $0x2;
	s4 =	simm.s32 @!p1 $0x200;
	s5 =	simm.s32 @!p1 $0x202  }
0x1da: {  	[spmem:s5], [sflag:s2] =	dma.general @!p1 [spmem:s4], [sflag:s3], length:$0x2, [dreg:$0x0], stride_count:$0x0, ici_dest:s0, dma_misc:DstOpCode:WRITE  }
.Ltmp27:
0x1db: {  	s0 =	simm.s32 @!p1 $0x3;
	(pc) =	sbr.rel @p2 .LBB2_38-.Ltmp27, $4  }
0x1dc: {  	s2 =	sshll.u32 @!p1 s8, $0xE;
	_ =	swait.ge @!p1 [sflag:s0], $0x22  }
0x1dd: {  	s3 =	sshll.u32 @!p1 s7, $0x11;
	s2 =	sadd.s32 @!p1 $0x11C3C, s2;
	[sflag:s0] =	ssyncset.done @!p1 $0x0  }
0x1de: {  	[sflag:s0] =	ssyncadd.s32 @!p1 $0xFFFFFFDE;
	s0 =	sor.u32 @!p1 s3, s2  }
0x1df: {  	[sflag:s0] =	ssyncadd.remote.s32 @!p1 $0xFFFFFFFF;
	s0 =	simm.s32 $0x0  }
0x1e0: {  	s0 =	simm.s32 $0xF219  }
0x1e1: {  	v0 =	vld.msk [tilespmem:s0+$0x0], $0x1;
	_ =	sdelay $0x4  }
0x1e2: {  	(v2sf) =	vpush v0, $0x0;
	_ =	sdelay $0xb  }
0x1e3: {  	s31 =	sadd.s32 $0xFFFFFFFE, s6  }
0x1e4: {  	s0 =	sadd.s32 $0xFFFFFFFF, s31  }
0x1e5: {  	p2 =	sne.s32 s0, $0x0  }
.Ltmp28:
0x1e6: {  	s2 =	spop (v2sf);
	(pc) =	sbr.rel @!p2 .LBB2_37-.Ltmp28, $4  }
0x1e7: {  	s4 =	simm.s32 $0xF2B8;
	s7 =	simm.s32 $0x0;
	p1 =	sgt.u32 s2, $0xC34F0  }
0x1e8: {  	s5 =	simm.s32 $0x0;
	s6 =	simm.s32 $0xF21A;
	s3 =	sand.u32 @!p1 $0xFFFF8, s2  }
0x1e9: {  	s2 =	sand.u32 @!p1 $0x7, s2;
	s7 =	simm.s32 @!p1 $0x200;
	s3 =	sadd.s32 @!p1 s1, s3  }
0x1ea: {  	[hbm4b:s3+s2] =	stream.linear.scatter @!p1 [tilespmem:s4], [sflag:$0x5], $0x80, $0x38;
	[tilespmem:$0x1F6F8] =	vst v63  }
.LBB2_36:
0x1eb: {  	v0 =	vld.msk [tilespmem:s6+$0x0], $0x1;
	s0 =	sadd.s32 $0xFFFFFFFF, s0;
	s5 =	sadd.s32 s5, s7  }
0x1ec: {  	p1 =	sne.s32 s0, $0x0;
	_ =	sdelay $0x3  }
0x1ed: {  	(v2sf) =	vpush v0, $0x0;
	_ =	sdelay $0xe  }
.Ltmp29:
0x1ee: {  	s2 =	spop (v2sf);
	(pc) =	sbr.rel @p1 .LBB2_36-.Ltmp29, $4  }
0x1ef: {  	s7 =	simm.s32 $0x0;
	p2 =	sgt.u32 s2, $0xC34F0  }
0x1f0: {  	s4 =	sadd.s32 $0x80, s4;
	s7 =	simm.s32 @!p2 $0x200;
	s3 =	sand.u32 @!p2 $0xFFFF8, s2  }
0x1f1: {  	s6 =	sadd.s32 $0x1, s6;
	s2 =	sand.u32 @!p2 $0x7, s2;
	s3 =	sadd.s32 @!p2 s1, s3  }
0x1f2: {  	[hbm4b:s3+s2] =	stream.linear.scatter @!p2 [tilespmem:s4], [sflag:$0x5], $0x80, $0x38;
	[tilespmem:$0x1F6F8] =	vst v63  }
.LBB2_37:
0x1f3: {  	s0 =	sadd.s32 s5, s7  }
0x1f4: {  	s0 =	sshrl.u32 s0, $0x2  }
.LBB2_38:
0x1f5: {  	s2 =	simm.s32 $0x5  }
0x1f6: {  	_ =	swait.ge [sflag:s2], s0  }
0x1f7: {  	s31 =	ssub.s32 $0x0, s0;
	[sflag:s2] =	ssyncset.done $0x0  }
0x1f8: {  	[sflag:s2] =	ssyncadd.s32 s31  }
0x1f9: {  	[sflag:s2] =	ssyncpa.u1 $0x1  }
.LBB2_39:
0x1fa: {  	s0 =	sor.u32 s15, s16  }
0x1fb: {  	p1 =	sne.s32 s0, $0x0  }
.Ltmp30:
0x1fc: {  	_ = 	snop;
	(pc) =	sbr.rel @p1 .LBB2_54-.Ltmp30, $3  }
0x1fd: {  	_ =	sdelay $0x1  }
0x1fe: {  	[bflag:$0x0] =	sbarrier.arrive $0xFFFF  }
0x1ff: {  	_ =	sfence  }
0x200: {  	s0 =	simm.s32 $0x7  }
0x201: {  	s2 =	simm.s32 $0x1000;
	s3 =	simm.s32 $0xF218;
	[sflag:s0] =	ssyncpa.u1 $0x0  }
0x202: {  	[tilespmem:s3], [sflag:$0x7] =	stream.linear.gather [spmem:s2], $0x20, $0x38;
	[tilespmem:$0x1F6F8] =	vst v63  }
0x203: {  	s30 =	simm.s32 $0xF238;
	s2 =	simm.s32 $0x0  }
0x204: {  	[tilespmem:s30], [sflag:$0x7] =	stream.linear.gather [spmem:s2], $0x1000, $0x38;
	[tilespmem:$0x1F6F8] =	vst v63  }
.Ltmp31:
0x205: {  	_ = 	snop;
	(pc) =	sbr.rel .LBB2_41-.Ltmp31, $4  }
0x206: {  	_ =	swait.ge [sflag:s0], $0x1020  }
0x207: {  	[sflag:s0] =	ssyncset.done $0x0  }
0x208: {  	s31 =	simm.s32 $0x8;
	[sflag:s0] =	ssyncadd.s32 $0xFFFFEFE0  }
0x209: {  	s3 =	simm.s32 $0x0;
	[sflag:s31] =	ssyncpa.u1 $0x0  }
.LBB2_47:
0x20a: {  	p1 =	slt.u32 s4, $0xC34F1  }
0x20b: {  	s0 =	sand.u32 @p1 $0xFFFF8, s4  }
0x20c: {  	s4 =	sand.u32 @p1 $0x7, s4;
	s5 =	simm.s32 @p1 $0xF188;
	s0 =	sadd.s32 @p1 s1, s0  }
0x20d: {  	[tilespmem:s5], [sflag:$0x8] =	stream.linear.gather @p1 [hbm4b:s0+s4], $0x80, $0x38;
	[tilespmem:$0x1F6F8] =	vst v63  }
0x20e: {  	s0 =	simm.s32 @p1 $0x8  }
0x20f: {  	_ =	swait.ge @p1 [sflag:s0], $0x80  }
0x210: {  	[sflag:s0] =	ssyncset.done @p1 $0x0  }
0x211: {  	[sflag:s0] =	ssyncadd.s32 @p1 $0xFFFFFF80  }
0x212: {  	v1 =	vld @p1 [tilespmem:$0xF188];
	_ =	sdelay $0x2  }
0x213: {  	s0 =	sshll.u32 @p1 s3, $0x9  }
0x214: {  	s4 =	sshrl.u32 @p1 s0, $0x2  }
0x215: {  	[tilespmem:s4+$0xF238] =	vst.add.f32.msk @p1 $0xffff, v1  }
0x216: {  	v1 =	vld @p1 [tilespmem:$0xF198];
	_ =	sdelay $0x4  }
0x217: {  	[tilespmem:s4+$0xF248] =	vst.add.f32.msk @p1 $0xffff, v1  }
0x218: {  	v1 =	vld @p1 [tilespmem:$0xF1A8];
	_ =	sdelay $0x4  }
0x219: {  	[tilespmem:s4+$0xF258] =	vst.add.f32.msk @p1 $0xffff, v1  }
0x21a: {  	v1 =	vld @p1 [tilespmem:$0xF1B8];
	_ =	sdelay $0x4  }
0x21b: {  	[tilespmem:s4+$0xF268] =	vst.add.f32.msk @p1 $0xffff, v1  }
0x21c: {  	v1 =	vld @p1 [tilespmem:$0xF1C8];
	_ =	sdelay $0x4  }
0x21d: {  	[tilespmem:s4+$0xF278] =	vst.add.f32.msk @p1 $0xffff, v1  }
0x21e: {  	v1 =	vld @p1 [tilespmem:$0xF1D8];
	_ =	sdelay $0x4  }
0x21f: {  	[tilespmem:s4+$0xF288] =	vst.add.f32.msk @p1 $0xffff, v1  }
0x220: {  	v1 =	vld @p1 [tilespmem:$0xF1E8];
	_ =	sdelay $0x4  }
0x221: {  	[tilespmem:s4+$0xF298] =	vst.add.f32.msk @p1 $0xffff, v1  }
0x222: {  	v1 =	vld @p1 [tilespmem:$0xF1F8];
	_ =	sdelay $0x3  }
0x223: {  	s5 =	sshll.u32 @!p1 s3, $0x9  }
0x224: {  	s5 =	smov.u32 @p1 s0;
	[tilespmem:s4+$0xF2A8] =	vst.add.f32.msk @p1 $0xffff, v1  }
0x225: {  	s0 =	sshrl.u32 s5, $0x2;
	[tilespmem:s2+$0xF218] =	vst.msk $0x1, v0  }
0x226: {  	v0 =	vld [tilespmem:s0+$0xF238];
	_ =	sdelay $0x2  }
0x227: {  	s31 =	sshll.u32 s2, $0x9  }
0x228: {  	s4 =	sshra.s32 s31, $0x2  }
0x229: {  	[tilespmem:s4+$0xF238] =	vst v0  }
0x22a: {  	v0 =	vld [tilespmem:s0+$0xF248];
	_ =	sdelay $0x4  }
0x22b: {  	[tilespmem:s4+$0xF248] =	vst v0  }
0x22c: {  	v0 =	vld [tilespmem:s0+$0xF258];
	_ =	sdelay $0x4  }
0x22d: {  	[tilespmem:s4+$0xF258] =	vst v0  }
0x22e: {  	v0 =	vld [tilespmem:s0+$0xF268];
	_ =	sdelay $0x4  }
0x22f: {  	[tilespmem:s4+$0xF268] =	vst v0  }
0x230: {  	v0 =	vld [tilespmem:s0+$0xF278];
	_ =	sdelay $0x4  }
0x231: {  	[tilespmem:s4+$0xF278] =	vst v0  }
0x232: {  	v0 =	vld [tilespmem:s0+$0xF288];
	_ =	sdelay $0x4  }
0x233: {  	[tilespmem:s4+$0xF288] =	vst v0  }
0x234: {  	v0 =	vld [tilespmem:s0+$0xF298];
	_ =	sdelay $0x4  }
0x235: {  	[tilespmem:s4+$0xF298] =	vst v0  }
0x236: {  	v0 =	vld [tilespmem:s0+$0xF2A8];
	_ =	sdelay $0x4  }
0x237: {  	s2 =	sadd.s32 $0x1, s2;
	[tilespmem:s4+$0xF2A8] =	vst v0  }
.LBB2_48:
0x238: {  	s3 =	sadd.s32 $0x1, s3  }
0x239: {  	p1 =	sne.s32 s3, $0x20  }
.Ltmp32:
0x23a: {  	_ = 	snop;
	(pc) =	sbr.rel @!p1 .LBB2_49-.Ltmp32, $1  }
0x23b: {  	_ =	sdelay $0x3  }
.LBB2_41:
0x23c: {  	v0 =	vld.msk [tilespmem:s3+$0xF218], $0x1;
	_ =	sdelay $0x4  }
0x23d: {  	(v2sf) =	vpush v0, $0x0;
	_ =	sdelay $0xe  }
0x23e: {  	s4 =	spop (v2sf)  }
0x23f: {  	p1 =	seq.s32 s4, $0xFFFFFFFF  }
.Ltmp33:
0x240: {  	_ = 	snop;
	(pc) =	sbr.rel @p1 .LBB2_48-.Ltmp33, $1  }
0x241: {  	_ =	sdelay $0x3  }
0x242: {  	p1 =	slt.s32 s2, $0x1  }
.Ltmp34:
0x243: {  	_ = 	snop;
	(pc) =	sbr.rel @p1 .LBB2_47-.Ltmp34, $1  }
0x244: {  	_ =	sdelay $0x3  }
0x245: {  	s5 =	simm.s32 $0xF218;
	p1 =	por $0x0, $0x0  }
0x246: {  	v1 =	vld.msk @!p1 [tilespmem:s5+$0x0], $0x1;
	_ =	sdelay $0x4  }
0x247: {  	(v2sf) =	vpush @!p1 v1, $0x0;
	_ =	sdelay $0xd  }
0x248: {  	p3 =	sne.s32 s2, $0x1  }
.Ltmp35:
0x249: {  	s0 =	spop @!p1 (v2sf);
	(pc) =	sbr.rel @!p3 .LBB2_45-.Ltmp35, $4  }
0x24a: {  	p2 =	seq.s32 @!p1 s4, s0  }
0x24b: {  	s6 =	simm.s32 $0x0;
	p2 =	por !p2, p1  }
0x24c: {  	s7 =	simm.s32 $0xFFFFFFFF;
	s6 =	simm.s32 @p2 $0xFFFFFFFF  }
0x24d: {  	s0 =	simm.s32 $0x1;
	s6 =	smov.u32 @p1 s7  }
.LBB2_44:
0x24e: {  	s7 =	smov.u32 s6;
	p1 =	sne.s32 s6, $0xFFFFFFFF  }
0x24f: {  	s5 =	sadd.s32 $0x1, s5;
	s6 =	smov.u32 s0;
	s0 =	sadd.s32 $0x1, s0  }
0x250: {  	p2 =	sne.s32 s2, s0;
	v1 =	vld.msk @!p1 [tilespmem:s5+$0x0], $0x1;
	_ =	sdelay $0x4  }
0x251: {  	(v2sf) =	vpush @!p1 v1, $0x0;
	_ =	sdelay $0xe  }
.Ltmp36:
0x252: {  	s8 =	spop @!p1 (v2sf);
	(pc) =	sbr.rel @p2 .LBB2_44-.Ltmp36, $4  }
0x253: {  	p3 =	seq.s32 @!p1 s4, s8  }
0x254: {  	p3 =	por !p3, p1  }
0x255: {  	s6 =	simm.s32 @p3 $0xFFFFFFFF  }
0x256: {  	s6 =	smov.u32 @p1 s7  }
.LBB2_45:
0x257: {  	p1 =	seq.s32 s6, $0xFFFFFFFF  }
.Ltmp37:
0x258: {  	_ = 	snop;
	(pc) =	sbr.rel @p1 .LBB2_47-.Ltmp37, $1  }
0x259: {  	_ =	sdelay $0x3  }
0x25a: {  	s0 =	sshll.u32 s3, $0x7  }
0x25b: {  	s0 =	sand.u32 $0x3FFFFF80, s0  }
0x25c: {  	v0 =	vld [tilespmem:s0+$0xF238];
	_ =	sdelay $0x2  }
0x25d: {  	s4 =	sshll.u32 s6, $0x9  }
0x25e: {  	s4 =	sshra.s32 s4, $0x2  }
0x25f: {  	[tilespmem:s4+$0xF238] =	vst.add.f32.msk $0xffff, v0  }
0x260: {  	v0 =	vld [tilespmem:s0+$0xF248];
	_ =	sdelay $0x4  }
0x261: {  	[tilespmem:s4+$0xF248] =	vst.add.f32.msk $0xffff, v0  }
0x262: {  	v0 =	vld [tilespmem:s0+$0xF258];
	_ =	sdelay $0x4  }
0x263: {  	[tilespmem:s4+$0xF258] =	vst.add.f32.msk $0xffff, v0  }
0x264: {  	v0 =	vld [tilespmem:s0+$0xF268];
	_ =	sdelay $0x4  }
0x265: {  	[tilespmem:s4+$0xF268] =	vst.add.f32.msk $0xffff, v0  }
0x266: {  	v0 =	vld [tilespmem:s0+$0xF278];
	_ =	sdelay $0x4  }
0x267: {  	[tilespmem:s4+$0xF278] =	vst.add.f32.msk $0xffff, v0  }
0x268: {  	v0 =	vld [tilespmem:s0+$0xF288];
	_ =	sdelay $0x4  }
0x269: {  	[tilespmem:s4+$0xF288] =	vst.add.f32.msk $0xffff, v0  }
0x26a: {  	v0 =	vld [tilespmem:s0+$0xF298];
	_ =	sdelay $0x4  }
0x26b: {  	[tilespmem:s4+$0xF298] =	vst.add.f32.msk $0xffff, v0  }
0x26c: {  	v0 =	vld [tilespmem:s0+$0xF2A8]  }
.Ltmp38:
0x26d: {  	_ = 	snop;
	(pc) =	sbr.rel .LBB2_48-.Ltmp38, $2  }
0x26e: {  	_ =	sdelay $0x2  }
0x26f: {  	[tilespmem:s4+$0xF2A8] =	vst.add.f32.msk $0xffff, v0  }
.LBB2_49:
0x270: {  	p1 =	slt.s32 s2, $0x1  }
.Ltmp39:
0x271: {  	_ = 	snop;
	(pc) =	sbr.rel @p1 .LBB2_53-.Ltmp39, $3  }
0x272: {  	_ =	sdelay $0x1  }
0x273: {  	s0 =	simm.s32 $0x8  }
0x274: {  	s3 =	simm.s32 $0x0;
	[sflag:s0] =	ssyncpa.u1 $0x1  }
0x275: {  	s0 =	simm.s32 $0xF218  }
0x276: {  	v0 =	vld.msk [tilespmem:s0+$0x0], $0x1;
	_ =	sdelay $0x4  }
0x277: {  	(v2sf) =	vpush v0, $0x0;
	_ =	sdelay $0xe  }
0x278: {  	s0 =	sadd.s32 $0xFFFFFFFF, s2;
	s5 =	spop (v2sf)  }
0x279: {  	p2 =	sne.s32 s0, $0x0;
	p1 =	sgt.u32 s5, $0xC34F0  }
.Ltmp40:
0x27a: {  	s6 =	sand.u32 @!p1 $0xFFFF8, s5;
	(pc) =	sbr.rel @!p2 .LBB2_52-.Ltmp40, $4  }
0x27b: {  	s4 =	simm.s32 $0xF238;
	s5 =	sand.u32 @!p1 $0x7, s5;
	s2 =	sadd.s32 @!p1 s1, s6  }
0x27c: {  	[hbm4b:s2+s5] =	stream.linear.scatter @!p1 [tilespmem:s4], [sflag:$0x7], $0x80, $0x38;
	[tilespmem:$0x1F6F8] =	vst v63  }
0x27d: {  	s5 =	simm.s32 $0x0  }
0x27e: {  	s2 =	simm.s32 $0xF219;
	s5 =	simm.s32 @!p1 $0x200  }
.LBB2_51:
0x27f: {  	v0 =	vld.msk [tilespmem:s2+$0x0], $0x1;
	s0 =	sadd.s32 $0xFFFFFFFF, s0;
	s3 =	sadd.s32 s3, s5  }
0x280: {  	p1 =	sne.s32 s0, $0x0;
	_ =	sdelay $0x3  }
0x281: {  	(v2sf) =	vpush v0, $0x0;
	_ =	sdelay $0xe  }
.Ltmp41:
0x282: {  	s6 =	spop (v2sf);
	(pc) =	sbr.rel @p1 .LBB2_51-.Ltmp41, $4  }
0x283: {  	s5 =	simm.s32 $0x0;
	p2 =	sgt.u32 s6, $0xC34F0  }
0x284: {  	s4 =	sadd.s32 $0x80, s4;
	s5 =	simm.s32 @!p2 $0x200;
	s7 =	sand.u32 @!p2 $0xFFFF8, s6  }
0x285: {  	s2 =	sadd.s32 $0x1, s2;
	s6 =	sand.u32 @!p2 $0x7, s6;
	s7 =	sadd.s32 @!p2 s1, s7  }
0x286: {  	[hbm4b:s7+s6] =	stream.linear.scatter @!p2 [tilespmem:s4], [sflag:$0x7], $0x80, $0x38;
	[tilespmem:$0x1F6F8] =	vst v63  }
.LBB2_52:
0x287: {  	s0 =	sadd.s32 s3, s5  }
0x288: {  	s3 =	sshrl.u32 s0, $0x2  }
.LBB2_53:
0x289: {  	s0 =	simm.s32 $0x7  }
0x28a: {  	_ =	swait.ge [sflag:s0], s3  }
0x28b: {  	s1 =	ssub.s32 $0x0, s3;
	[sflag:s0] =	ssyncset.done $0x0  }
0x28c: {  	[sflag:s0] =	ssyncadd.s32 s1  }
0x28d: {  	[sflag:s0] =	ssyncpa.u1 $0x1  }
.LBB2_54:
0x28e: {  	_ =	sfence;
	s0 =	simm.s32 $0x1  }
0x28f: {  	[sflag:s0] =	ssyncpa.u1 $0x1  }
0x290: {  	_ =	strace $0x9000004A  }
0x291: {  	[bflag:$0x2] =	sbarrier.arrive $0xFFFF  }
0x292: {  	s0 =	rddreg [dreg:$0x3]  }
0x293: {  	s0 =	sadd.s32 @!p0 $0x100000, s0  }
0x294: {  	[sflag:s0] =	ssyncadd.tile.s32 @!p0 $0x1;
	_ =	shalt  }
.Lfunc_end2:
_tile_overlayer_lowered:
.L_overlay_start_2:
0x295: {  	(tag) =	ssettag $0x2  }
0x296: {  	s0 =	rddreg [dreg:$0x0];
	s2 =	stileid.u32  }
0x297: {  	s1 =	rddreg [dreg:$0x1];
	p0 =	sne.s32 s2, $0x0  }
0x298: {  	s3 =	rddreg [dreg:$0x2];
	[bflag:$0x3] =	sbarrier.arrive $0xFFFF;
	s2 =	simm.s32 @!p0 $0x1C01  }
0x299: {  	[timem:s3], [sflag:s2] =	dma.local @!p0 [hbm:s0], s1  }
0x29a: {  	s0 =	simm.s32 @!p0 $0x1  }
0x29b: {  	_ =	swait.ge @!p0 [sflag:s0], s1  }
0x29c: {  	s1 =	ssub.s32 @!p0 $0x0, s1;
	[sflag:s0] =	ssyncset.done @!p0 $0x0  }
0x29d: {  	[sflag:s0] =	ssyncadd.s32 @!p0 s1  }
0x29e: {  	[bflag:$0x3] =	sbarrier.arrive $0xFFFF  }
0x29f: {  	_ =	shalt  }

// kernel: sparse-core-data-format-call.cloned.1.call-start
scs
called_computation.2_lowered:
.L_overlay_start_0:
0x0: {  	s1 =	sld [smem:$0x3FD9]  }
0x1: {  	s2 =	sld [smem:$0x3FFE];
	_ =	sdelay $0x1  }
0x2: {  	s3 =	srdreg.scid  }
0x3: {  	s0 =	sand.u32 $0x1, s3  }
0x4: {  	s17 =	sshll.u32 s0, $0xA;
	s1 =	sadd.s32 s2, s1  }
0x5: {  	s1 =	sadd.s32 s1, s17  }
0x6: {  	[smem:$0x3FBB] =	sst s1  }
0x7: {  	_ = 	snop  }
0x8: {  	(tm) =	ssettm $0x1  }
0x9: {  	s18 =	sld [smem:$0x3FFB];
	_ =	sdelay $0x3  }
0xa: {  	_ =	strace s18  }
0xb: {  	s1 =	sld [smem:$0x3FFC];
	_ =	sdelay $0x3  }
0xc: {  	_ =	strace s1  }
0xd: {  	s1 =	sld [smem:$0x3FFD];
	_ =	sdelay $0x3  }
0xe: {  	_ =	strace s1  }
0xf: {  	_ =	strace $0x8FFFFFFF  }
0x10: {  	s19 =	sld [smem:$0x3FDB];
	_ =	sdelay $0x1  }
0x11: {  	s20 =	simm.s32 $_scs_section_size  }
0x12: {  	s4 =	simm.s32 $_size__tile_overlayer_lowered;
	s5 =	simm.s32 $_tile_overlayer_lowered  }
0x13: {  	s23 =	simm.s32 $0x1BFF;
	s22 =	sshll.u32 s5, $0x1;
	s1 =	sadd.s32 s20, s19  }
0x14: {  	s6 =	simm.s32 $0x0;
	s21 =	sshll.u32 s4, $0x1;
	s4 =	sadd.s32 s22, s1  }
0x15: {  	[timem:s6], [sflag:s23] =	dma.local [hbm:s4], s21  }
0x16: {  	_ =	swait.ge [sflag:s23], s21  }
0x17: {  	s2 =	ssub.s32 $0x0, s21;
	[sflag:s23] =	ssyncset.done $0x0  }
0x18: {  	[sflag:s23] =	ssyncadd.s32 s2;
	_ =	sdelay $0x1  }
0x19: {  	s24 =	simm.s32 $0x1B8B  }
0x1a: {  	_ =	swait.ge [sflag:s24], $0x1  }
0x1b: {  	[sflag:s24] =	ssyncset.done $0x0  }
0x1c: {  	s26 =	simm.s32 $0x1B8E;
	s25 =	sld [smem:$0x3FFE];
	[sflag:s24] =	ssyncadd.s32 $0xFFFFFFFF  }
0x1d: {  	s27 =	simm.s32 $execute0_lowered;
	[smem:$0x3FD2] =	sst s26  }
0x1e: {  	s4 =	sshll.u32 s27, $0x1;
	_ =	strace $0x80000046;
	[dreg:$0x1] =	wrdreg $0xFFFFFFFF  }
0x1f: {  	s28 =	simm.s32 $_size_execute0_lowered;
	s1 =	sadd.s32 s1, s4;
	[dreg:$0x0] =	wrdreg $0x0  }
0x20: {  	s4 =	sshll.u32 s28, $0x1;
	[dreg:$0x2] =	wrdreg s1  }
0x21: {  	[dreg:$0x3] =	wrdreg s4  }
0x22: {  	[dreg:$0x4] =	wrdreg $0xC0  }
0x23: {  	_ =	task [dreg:s6], $0x5FFFF  }
0x24: {  	[dreg:$0x1] =	wrdreg $0xFFFFFFFF  }
0x25: {  	[dreg:$0x0] =	wrdreg $0x60  }
0x26: {  	[dreg:$0x2] =	wrdreg s25  }
0x27: {  	[dreg:$0x3] =	wrdreg $0x9  }
0x28: {  	_ =	task.clear_ibuf [dreg:s6], $0x4FFFF;
	_ =	strace $0x90000046  }
0x29: {  	s29 =	simm.s32 $0x9;
	_ =	strace $0x80000048  }
0x2a: {  	_ =	swait.ge [sflag:s29], $0x1  }
0x2b: {  	[sflag:s29] =	ssyncadd.s32 $0xFFFFFFFF  }
0x2c: {  	_ =	strace $0x90000048  }
0x2d: {  	_ =	sfence  }
0x2e: {  	s30 =	sld [smem:$0x0];
	_ =	sdelay $0x2  }
0x2f: {  	s31 =	sshll.u32 s3, $0xD;
	s3 =	sshrl.u32 s3, $0x2  }
0x30: {  	s2 =	sand.u32 $0x4000, s31;
	s1 =	sadd.s32 s3, s30  }
0x31: {  	s0 =	sor.u32 s2, s0;
	s1 =	sshll.u32 s1, $0x11  }
0x32: {  	s0 =	sor.u32 s1, s0  }
0x33: {  	s0 =	sadd.s32 $0x8F2B, s0  }
0x34: {  	[sflag:s0] =	ssyncadd.remote.s32 $0x1  }
0x35: {  	_ =	sfence.sel $0xFFFF  }
0x36: {  	[dreg:$0x0] =	wrdreg $0xFFFFFFFF;
	(pc) =	sbr.abs _section_cstart, $3  }
0x37: {  	[dreg:$0x1] =	wrdreg $0xFFFFFFFF  }
0x38: {  	_ =	task.clear_ibuf [dreg:s6], $0x2FFFF;
	_ =	strace $0x9FFFFFFF  }
0x39: {  	(tm) =	ssettm $0x7FFFFFFF  }
tec
execute0_lowered:
.L_overlay_start_1:
0x0: {  	(tag) =	ssettag $0x1  }
0x1: {  	s0 =	srdreg.scid  }
0x2: {  	s6 =	rddreg [dreg:$0x0];
	s7 =	simm.s32 $0x1;
	s1 =	sshll.u32 s0, $0x4  }
0x3: {  	s8 =	simm.s32 $0x2;
	s0 =	stileid.u32;
	s1 =	sand.u32 $0x10, s1  }
0x4: {  	s13 =	simm.s32 $0x0;
	s12 =	simm.s32 $0x0;
	s1 =	sor.u32 s0, s1  }
0x5: {  	s10 =	simm.s32 $0x0;
	s3 =	sadd.s32 $0x110200, s6;
	s2 =	sshll.u32 s1, $0x8  }
0x6: {  	s11 =	simm.s32 $0x0;
	s6 =	sadd.s32 $0x72AA00, s6;
	s5 =	ssub.s32 $0xC3500, s2  }
.Ltmp0:
0x7: {  	s1 =	rddreg [dreg:$0x1];
	s4 =	sand.u32 $0x1F00, s5;
	(pc) =	sbr.rel .LBB1_1-.Ltmp0, $4  }
0x8: {  	_ =	strace $0x80000047;
	s9 =	smov.u32 s2;
	p0 =	sne.s32 s4, $0x0  }
0x9: {  	s5 =	sshrl.u32 s5, $0xD;
	s4 =	simm.s32 $0x1;
	s7 =	simm.s32 @!p0 $0x0  }
0xa: {  	[sflag:s4] =	ssyncpa.u1 $0x0;
	p0 =	por $0x0, $0x0;
	s5 =	sadd.s32 s7, s5  }
0xb: {  	[sflag:s8] =	ssyncpa.u1 $0x0;
	s8 =	simm.s32 $0x80;
	s7 =	sadd.s32 $0x1, s5  }
.LBB1_4:
0xc: {  	_ =	sdelay $0x3  }
0xd: {  	s21 =	sor.u32 s24, s23;
	v47 =	vld.idx.msk [tilespmem:v0+s16+$0x470 ss:$0x1], $0xffff  }
0xe: {  	v57 =	vld.idx.msk [tilespmem:v0+s21+$0x410 ss:$0x1], $0xffff  }
0xf: {  	v58 =	vld.idx.msk [tilespmem:v0+s21+$0x420 ss:$0x1], $0xffff  }
0x10: {  	[tilespmem:s18+$0x1860 ss:$0x41] =	vst.msk $0xffff, v8;
	v59 =	vld.idx.msk [tilespmem:v0+s21+$0x430 ss:$0x1], $0xffff  }
0x11: {  	[tilespmem:s18+$0x1C70 ss:$0x41] =	vst.msk $0xffff, v7;
	v60 =	vld.idx.msk [tilespmem:v0+s21+$0x440 ss:$0x1], $0xffff  }
0x12: {  	[tilespmem:s18+$0x2490 ss:$0x41] =	vst.msk $0xffff, v1;
	s22 =	sand.u32 $0x3B00, s21;
	v61 =	vld.idx.msk [tilespmem:v0+s21+$0x450 ss:$0x1], $0xffff  }
0x13: {  	s20 =	sand.u32 $0x80, s20;
	[tilespmem:s18+$0x28A0 ss:$0x41] =	vst.msk $0xffff, v2;
	v62 =	vld.idx.msk [tilespmem:v0+s21+$0x460 ss:$0x1], $0xffff;
	s15 =	sadd.s32 s22, s15  }
0x14: {  	[tilespmem:s18+$0x2CB0 ss:$0x41] =	vst.msk $0xffff, v3;
	v63 =	vld.idx.msk [tilespmem:v0+s21+$0x470 ss:$0x1], $0xffff;
	s15 =	sadd.s32 s20, s15  }
0x15: {  	[tilespmem:s18+$0x30C0 ss:$0x41] =	vst.msk $0xffff, v4;
	v48 =	vld [tilespmem:s15+$0x400]  }
0x16: {  	[tilespmem:s18+$0x34D0 ss:$0x41] =	vst.msk $0xffff, v5;
	v49 =	vld [tilespmem:s15+$0x0]  }
0x17: {  	s25 =	sshra.s32 s19, $0x2;
	[tilespmem:s18+$0x38E0 ss:$0x41] =	vst.msk $0xffff, v6;
	v50 =	vld [tilespmem:s15+$0x10]  }
0x18: {  	s16 =	sadd.s32 s25, s17;
	v51 =	vld [tilespmem:s15+$0x20];
	[tilespmem:s18+$0x3CF0 ss:$0x41] =	vst.msk $0xffff, v47  }
0x19: {  	v52 =	vld [tilespmem:s15+$0x30];
	[tilespmem:s16+$0x2490 ss:$0x41] =	vst.msk $0xffff, v57  }
0x1a: {  	v53 =	vld [tilespmem:s15+$0x40];
	[tilespmem:s16+$0x28A0 ss:$0x41] =	vst.msk $0xffff, v58  }
0x1b: {  	v54 =	vld [tilespmem:s15+$0x50];
	[tilespmem:s16+$0x2CB0 ss:$0x41] =	vst.msk $0xffff, v59  }
0x1c: {  	s13 =	sshll.u32 s13, $0x7;
	s26 =	sshll.u32 s12, $0x3;
	v55 =	vld [tilespmem:s15+$0x60];
	[tilespmem:s16+$0x30C0 ss:$0x41] =	vst.msk $0xffff, v60  }
0x1d: {  	s27 =	sand.u32 $0xFFFFFC00, s13;
	v56 =	vld [tilespmem:s15+$0x70];
	s15 =	sand.u32 $0xFFFFFC00, s26;
	[tilespmem:s16+$0x34D0 ss:$0x41] =	vst.msk $0xffff, v61  }
0x1e: {  	s13 =	sand.u32 $0x380, s13;
	s15 =	sadd.s32 s15, s27;
	[tilespmem:s16+$0x38E0 ss:$0x41] =	vst.msk $0xffff, v62  }
0x1f: {  	s13 =	sor.u32 s13, s15;
	[tilespmem:s16+$0x3CF0 ss:$0x41] =	vst.msk $0xffff, v63  }
0x20: {  	s13 =	sshrl.u32 s13, $0x7;
	[tilespmem:s16+$0x2080 ss:$0x41] =	vst.msk $0xffff, v48  }
0x21: {  	s28 =	smulhi.u32 $0x14F8B59, s13;
	[tilespmem:s16+$0x0 ss:$0x41] =	vst.msk $0xffff, v49  }
0x22: {  	[tilespmem:s16+$0x410 ss:$0x41] =	vst.msk $0xffff, v50  }
0x23: {  	[tilespmem:s16+$0x820 ss:$0x41] =	vst.msk $0xffff, v51;
	s15 =	sshrl.u32 s28, $0xC  }
0x24: {  	[tilespmem:s16+$0xC30 ss:$0x41] =	vst.msk $0xffff, v52;
	s15 =	smul.u32 $0xC3500, s15  }
0x25: {  	s29 =	sshrl.u32 s12, $0x3;
	[tilespmem:s16+$0x1040 ss:$0x41] =	vst.msk $0xffff, v53  }
0x26: {  	s31 =	sand.u32 $0x7, s12;
	s30 =	sand.u32 $0xF, s29;
	[tilespmem:s16+$0x1450 ss:$0x41] =	vst.msk $0xffff, v54;
	s13 =	ssub.s32 s13, s15  }
0x27: {  	s12 =	sshll.u32 s31, $0x12;
	[tilespmem:s16+$0x1860 ss:$0x41] =	vst.msk $0xffff, v55;
	s15 =	sadd.s32 s6, s30;
	s13 =	sshll.u32 s13, $0x4  }
0x28: {  	s12 =	sor.u32 $0x40, s12;
	[tilespmem:s16+$0x1C70 ss:$0x41] =	vst.msk $0xffff, v56;
	s13 =	sadd.s32 s13, s15  }
0x29: {  	[hbm4b:s13+s12] =	stream.strided.scatter [tilespmem:s14], [sflag:$0x2], $0x4000, s8, s12, $0x18;
	[tilespmem:$0x10200] =	vst v63  }
.LBB1_5:
0x2a: {  	s14 =	sadd.s32 $0x2000, s9  }
0x2b: {  	s12 =	sadd.s32 $0x40, s10;
	s16 =	smov.u32 s10;
	p2 =	sgt.s32 s14, $0xC34FF  }
0x2c: {  	s16 =	smov.u32 @p2 s12  }
0x2d: {  	s14 =	smov.u32 @p2 s2;
	p2 =	sgt.s32 s16, $0x3F  }
0x2e: {  	s16 =	simm.s32 @p2 $0x0;
	p2 =	sne.s32 s11, s7  }
.Ltmp1:
0x2f: {  	p1 =	slt.u32 s11, $0x2;
	(pc) =	sbr.rel @!p2 .LBB1_6-.Ltmp1, $4  }
0x30: {  	s15 =	simm.s32 @!p1 $0x2  }
0x31: {  	s13 =	smov.u32 s9;
	p0 =	por !p0, !p0;
	_ =	swait.ge @!p1 [sflag:s15], $0x4000  }
0x32: {  	s12 =	smov.u32 s10;
	[sflag:s15] =	ssyncset.done @!p1 $0x0;
	s9 =	smov.u32 s14  }
0x33: {  	s11 =	sadd.s32 $0x1, s11;
	[sflag:s15] =	ssyncadd.s32 @!p1 $0xFFFFC000;
	s10 =	smov.u32 s16  }
.LBB1_1:
0x34: {  	p1 =	sge.u32 s11, s5  }
0x35: {  	s14 =	sshrl.u32 @!p1 s10, $0x3  }
0x36: {  	s15 =	sshll.u32 @!p1 s9, $0x3;
	s14 =	smul.u32 @!p1 $0x61A800, s14  }
0x37: {  	s16 =	sshll.u32 @!p1 s10, $0x7;
	s15 =	sand.u32 @!p1 $0xFFFFFC00, s15  }
0x38: {  	s14 =	sadd.s32 @!p1 s14, s15;
	s15 =	sand.u32 @!p1 $0x380, s16  }
0x39: {  	s14 =	sor.u32 @!p1 s15, s14  }
0x3a: {  	s15 =	sshrl.u32 @!p1 s14, $0x8  }
0x3b: {  	s15 =	smulhi.u32 @!p1 $0x14F8B59, s15;
	_ =	sdelay $0x1  }
0x3c: {  	s15 =	sshrl.u32 @!p1 s15, $0x4  }
0x3d: {  	s16 =	sand.u32 @!p1 $0x7F, s9;
	s17 =	smul.u32 @!p1 $0xC3500, s15  }
0x3e: {  	s31 =	sadd.s32 $0xFFFFFFFF, s11;
	s14 =	sor.u32 @!p1 s16, s14;
	s16 =	sxor.u32 @!p1 $0xFFFFFFFF, s11  }
0x3f: {  	s16 =	sshll.u32 @!p1 s16, $0xE;
	s15 =	sand.u32 @!p1 $0x3F, s15;
	s14 =	ssub.s32 @!p1 s14, s17  }
0x40: {  	s15 =	smul.u32 @!p1 $0x186A0, s15;
	s17 =	sshrl.u32 @!p1 s14, $0x3;
	s14 =	sand.u32 @!p1 $0x7, s14  }
0x41: {  	s16 =	sand.u32 @!p1 $0x4000, s16;
	s17 =	sadd.s32 @!p1 s3, s17;
	s14 =	sshll.u32 @!p1 s14, $0x12  }
0x42: {  	s15 =	sadd.s32 @!p1 s15, s17;
	s14 =	sor.u32 @!p1 $0x800, s14;
	s17 =	simm.s32 @!p1 $0x61A800  }
0x43: {  	[tilespmem:s16], [sflag:$0x1] =	stream.strided.gather @!p1 [hbm4b:s15+s14], $0x4000, s17, s14, $0x38;
	[tilespmem:$0x10200] =	vst v63  }
0x44: {  	p1 =	sge.u32 s31, s5  }
.Ltmp2:
0x45: {  	_ = 	snop;
	(pc) =	sbr.rel @p1 .LBB1_5-.Ltmp2, $1  }
0x46: {  	_ =	sdelay $0x3  }
0x47: {  	s17 =	simm.s32 $0x0  }
0x48: {  	s16 =	sand.u32 $0x3800, s17;
	s18 =	sand.u32 $0x380, s17  }
0x49: {  	s14 =	sand.u32 $0x1, s11;
	s16 =	sor.u32 s18, s16  }
0x4a: {  	_ =	swait.ge [sflag:s4], $0x4000;
	s15 =	sshll.u32 s14, $0xE;
	s18 =	sand.u32 $0x3B00, s16  }
0x4b: {  	[sflag:s4] =	ssyncset.done $0x0;
	s17 =	sand.u32 $0x80, s17;
	s18 =	sadd.s32 s18, s15  }
0x4c: {  	[sflag:s4] =	ssyncadd.s32 $0xFFFFC000;
	s20 =	sadd.s32 s17, s18  }
0x4d: {  	v4 =	vld [tilespmem:s20+$0x400]  }
0x4e: {  	s19 =	simm.s32 $0x1;
	v5 =	vld [tilespmem:s20+$0x0]  }
0x4f: {  	s19 =	simm.s32 @!p0 $0x0;
	v6 =	vld [tilespmem:s20+$0x10]  }
0x50: {  	v0 =	vmov s15;
	s31 =	smul.u32 $0x10400, s19;
	v7 =	vld [tilespmem:s20+$0x20]  }
0x51: {  	v9 =	vld [tilespmem:s20+$0x30]  }
0x52: {  	s17 =	sshrl.u32 s31, $0x2;
	v10 =	vld [tilespmem:s20+$0x40]  }
0x53: {  	s17 =	sor.u32 $0x8000, s17;
	v11 =	vld [tilespmem:s20+$0x50]  }
0x54: {  	v8 =	vld [tilespmem:s20+$0x60];
	s18 =	sadd.s32 $0x0, s17  }
0x55: {  	v1 =	vld.idx.msk [tilespmem:v0+s16+$0x410 ss:$0x1], $0xffff;
	[tilespmem:s18+$0x2080 ss:$0x41] =	vst.msk $0xffff, v4  }
0x56: {  	v2 =	vld.idx.msk [tilespmem:v0+s16+$0x420 ss:$0x1], $0xffff;
	[tilespmem:s18+$0x0 ss:$0x41] =	vst.msk $0xffff, v5  }
0x57: {  	v3 =	vld.idx.msk [tilespmem:v0+s16+$0x430 ss:$0x1], $0xffff;
	[tilespmem:s18+$0x410 ss:$0x41] =	vst.msk $0xffff, v6  }
0x58: {  	s14 =	smul.u32 $0x10400, s14;
	[tilespmem:s18+$0x820 ss:$0x41] =	vst.msk $0xffff, v7;
	v7 =	vld [tilespmem:s20+$0x70]  }
0x59: {  	s21 =	simm.s32 $0x100;
	s22 =	simm.s32 $0x8;
	[tilespmem:s18+$0xC30 ss:$0x41] =	vst.msk $0xffff, v9;
	v4 =	vld.idx.msk [tilespmem:v0+s16+$0x440 ss:$0x1], $0xffff  }
0x5a: {  	s23 =	sand.u32 $0x3800, s21;
	s14 =	sshrl.u32 s14, $0x2;
	[tilespmem:s18+$0x1040 ss:$0x41] =	vst.msk $0xffff, v10;
	v5 =	vld.idx.msk [tilespmem:v0+s16+$0x450 ss:$0x1], $0xffff;
	s20 =	simm.s32 $0x80  }
0x5b: {  	s19 =	simm.s32 $0x4;
	s14 =	sor.u32 $0x8000, s14;
	[tilespmem:s18+$0x1450 ss:$0x41] =	vst.msk $0xffff, v11;
	v6 =	vld.idx.msk [tilespmem:v0+s16+$0x460 ss:$0x1], $0xffff;
	s24 =	sand.u32 $0x380, s20  }
.LBB1_3:
0x5c: {  	p1 =	sne.s32 s22, $0xFC;
	[tilespmem:s18+$0x1860 ss:$0x41] =	vst.msk $0xffff, v8;
	v8 =	vld.idx.msk [tilespmem:v0+s16+$0x470 ss:$0x1], $0xffff;
	s16 =	sor.u32 s24, s23  }
0x5d: {  	s23 =	sand.u32 $0x3B00, s16;
	v9 =	vld.idx.msk [tilespmem:v0+s16+$0x410 ss:$0x1], $0xffff;
	[tilespmem:s18+$0x1C70 ss:$0x41] =	vst.msk $0xffff, v7  }
0x5e: {  	s24 =	sand.u32 $0x80, s20;
	s23 =	sadd.s32 s23, s15;
	v7 =	vld.idx.msk [tilespmem:v0+s16+$0x420 ss:$0x1], $0xffff;
	[tilespmem:s18+$0x2490 ss:$0x41] =	vst.msk $0xffff, v1  }
0x5f: {  	s23 =	sadd.s32 s24, s23;
	v10 =	vld.idx.msk [tilespmem:v0+s16+$0x430 ss:$0x1], $0xffff;
	[tilespmem:s18+$0x28A0 ss:$0x41] =	vst.msk $0xffff, v2  }
0x60: {  	v11 =	vld [tilespmem:s23+$0x400];
	[tilespmem:s18+$0x2CB0 ss:$0x41] =	vst.msk $0xffff, v3  }
0x61: {  	v12 =	vld [tilespmem:s23+$0x0];
	[tilespmem:s18+$0x30C0 ss:$0x41] =	vst.msk $0xffff, v4  }
0x62: {  	v4 =	vld [tilespmem:s23+$0x10];
	[tilespmem:s18+$0x34D0 ss:$0x41] =	vst.msk $0xffff, v5  }
0x63: {  	s24 =	sshra.s32 s19, $0x2;
	s19 =	smov.u32 s22;
	v1 =	vmov v9;
	v5 =	vld [tilespmem:s23+$0x20];
	[tilespmem:s18+$0x38E0 ss:$0x41] =	vst.msk $0xffff, v6  }
0x64: {  	v2 =	vmov v7;
	v6 =	vld [tilespmem:s23+$0x30];
	[tilespmem:s18+$0x3CF0 ss:$0x41] =	vst.msk $0xffff, v8;
	s18 =	sadd.s32 s24, s17  }
0x65: {  	v3 =	vmov v10;
	v9 =	vld [tilespmem:s23+$0x40];
	[tilespmem:s18+$0x2080 ss:$0x41] =	vst.msk $0xffff, v11  }
0x66: {  	[tilespmem:s18+$0x0 ss:$0x41] =	vst.msk $0xffff, v12;
	v10 =	vld [tilespmem:s23+$0x50]  }
.Ltmp3:
0x67: {  	[tilespmem:s18+$0x410 ss:$0x41] =	vst.msk $0xffff, v4;
	v8 =	vld [tilespmem:s23+$0x60];
	(pc) =	sbr.rel @p1 .LBB1_3-.Ltmp3, $4  }
0x68: {  	[tilespmem:s18+$0x820 ss:$0x41] =	vst.msk $0xffff, v5;
	v7 =	vld [tilespmem:s23+$0x70]  }
0x69: {  	[tilespmem:s18+$0xC30 ss:$0x41] =	vst.msk $0xffff, v6;
	v4 =	vld.idx.msk [tilespmem:v0+s16+$0x440 ss:$0x1], $0xffff  }
0x6a: {  	s20 =	sadd.s32 $0x80, s20;
	s21 =	sadd.s32 $0x100, s21;
	[tilespmem:s18+$0x1040 ss:$0x41] =	vst.msk $0xffff, v9;
	v5 =	vld.idx.msk [tilespmem:v0+s16+$0x450 ss:$0x1], $0xffff  }
0x6b: {  	s22 =	sadd.s32 $0x4, s22;
	s24 =	sand.u32 $0x380, s20;
	s23 =	sand.u32 $0x3800, s21;
	[tilespmem:s18+$0x1450 ss:$0x41] =	vst.msk $0xffff, v10;
	v6 =	vld.idx.msk [tilespmem:v0+s16+$0x460 ss:$0x1], $0xffff  }
.Ltmp4:
0x6c: {  	_ = 	snop;
	(pc) =	sbr.rel .LBB1_4-.Ltmp4, $1  }
0x6d: {  	_ =	sdelay $0x3  }
.LBB1_6:
0x6e: {  	_ =	sfence.sel $0x180000  }
0x6f: {  	s2 =	simm.s32 $0x1;
	[bflag:$0x0] =	sbarrier.arrive $0xFFFF  }
0x70: {  	s31 =	simm.s32 $0x2;
	[sflag:s2] =	ssyncpa.u1 $0x1  }
0x71: {  	[sflag:s31] =	ssyncpa.u1 $0x1  }
0x72: {  	p0 =	sne.s32 s0, $0x0;
	_ =	strace $0x90000047  }
0x73: {  	s0 =	sadd.s32 @!p0 $0x100000, s1;
	[bflag:$0x2] =	sbarrier.arrive $0xFFFF  }
0x74: {  	[sflag:s0] =	ssyncadd.tile.s32 @!p0 $0x1;
	_ =	shalt  }
.Lfunc_end1:
_tile_overlayer_lowered:
.L_overlay_start_2:
0x75: {  	(tag) =	ssettag $0x2  }
0x76: {  	s0 =	rddreg [dreg:$0x0];
	s2 =	stileid.u32  }
0x77: {  	s1 =	rddreg [dreg:$0x1];
	p0 =	sne.s32 s2, $0x0  }
0x78: {  	s3 =	rddreg [dreg:$0x2];
	[bflag:$0x3] =	sbarrier.arrive $0xFFFF;
	s2 =	simm.s32 @!p0 $0x1C01  }
0x79: {  	[timem:s3], [sflag:s2] =	dma.local @!p0 [hbm:s0], s1  }
0x7a: {  	s0 =	simm.s32 @!p0 $0x1  }
0x7b: {  	_ =	swait.ge @!p0 [sflag:s0], s1  }
0x7c: {  	s1 =	ssub.s32 @!p0 $0x0, s1;
	[sflag:s0] =	ssyncset.done @!p0 $0x0  }
0x7d: {  	[sflag:s0] =	ssyncadd.s32 @!p0 s1  }
0x7e: {  	[bflag:$0x3] =	sbarrier.arrive $0xFFFF  }
0x7f: {  	_ =	shalt  }

</sc_bundles>
